<compile_context>
chip_gen: v7x
topology: tpu7x:2x2x1
jax: 0.10.2.dev20260603
libtpu: 0.0.44.dev20260713+nightly
codegen_flags: <defaults>
</compile_context>

<pallas_src>
import functools

import jax
import jax.numpy as jnp
from jax.experimental import pallas as pl
from jax.experimental.pallas import tpu as pltpu
from jax.experimental.pallas import tpu_sc as plsc

N = 1000
NPAD = 1024
C = 20
CPAD = 32
SLOT = 512
NMS_MAX = 400
TOP_K = 200
CONF = 0.01
IOU_T = 0.45
IMG = 512.0
EMPTY = SLOT - 1


def _decode_cols(g):
    cx = g(21) * g(29) * g(27) + g(25)
    cy = g(22) * g(30) * g(28) + g(26)
    w = jnp.exp(g(23) * g(31)) * g(27)
    h = jnp.exp(g(24) * g(32)) * g(28)
    xmin = (cx - 0.5 * w) * IMG
    ymin = (cy - 0.5 * h) * IMG
    xmax = (cx + 0.5 * w) * IMG
    ymax = (cy + 0.5 * h) * IMG
    return xmin, ymin, xmax, ymax


def _nms_tc_kernel(y_ref, scores_ref, boxes_ref, rk_ref,
                   m_ref, bt_ref, st_ref, k_ref):
    y = y_ref[0]
    yT = jnp.transpose(y)

    gC = lambda k: y[:, k:k + 1]
    gR = lambda k: yT[k:k + 1, :]
    xminC, yminC, xmaxC, ymaxC = _decode_cols(gC)
    xminR, yminR, xmaxR, ymaxR = _decode_cols(gR)

    x1 = jnp.maximum(xminC, xminR)
    y1 = jnp.maximum(yminC, yminR)
    x2 = jnp.minimum(xmaxC, xmaxR)
    y2 = jnp.minimum(ymaxC, ymaxR)
    inter = jnp.maximum(x2 - x1, 0.0) * jnp.maximum(y2 - y1, 0.0)
    aC = jnp.maximum(xmaxC - xminC, 0.0) * jnp.maximum(ymaxC - yminC, 0.0)
    aR = jnp.maximum(xmaxR - xminR, 0.0) * jnp.maximum(ymaxR - yminR, 0.0)
    union = aC + aR - inter
    safe = jnp.where(union > 0.0, union, 1.0)
    iou = jnp.where(union > 0.0, inter / safe, 0.0)
    m_ref[...] = (iou > IOU_T).astype(jnp.bfloat16)

    ii = jax.lax.broadcasted_iota(jnp.int32, (N, N), 0)
    jj = jax.lax.broadcasted_iota(jnp.int32, (N, N), 1)

    scores_ref[0, :, :N] = yT[1:1 + C, :]
    scores_ref[0, :, N:] = jnp.zeros((C, NPAD - N), jnp.float32)
    boxes_ref[0, :, :N] = jnp.concatenate([xminR, yminR, xmaxR, ymaxR], axis=0)
    boxes_ref[0, :, N:] = jnp.zeros((4, NPAD - N), jnp.float32)
    rk_ref[0, N:, :] = jnp.full((NPAD - N, CPAD), EMPTY, jnp.int32)

    for c in range(C):
        sC = y[:, 1 + c:2 + c]
        sR = yT[1 + c:2 + c, :]
        validC = (sC > CONF).astype(jnp.bfloat16)
        bt = ((sR > sC) | ((sR == sC) & (jj < ii))).astype(jnp.bfloat16)
        bt_ref[...] = bt
        validR = (sR > CONF).astype(jnp.bfloat16)
        st = bt * (m_ref[...] * validR)
        st_ref[...] = st
        supp1 = jnp.max(st, axis=1, keepdims=True)
        k_ref[...] = validC * (supp1 == 0).astype(jnp.bfloat16)

        def body(carry):
            it, _ = carry
            K = k_ref[...]
            supp = jnp.dot(st_ref[...], K, preferred_element_type=jnp.float32)
            Kn = validC * (supp == 0.0).astype(jnp.bfloat16)
            changed = jnp.sum(jnp.abs((Kn - K).astype(jnp.float32)))
            k_ref[...] = Kn
            return (it + 1, (changed > 0.0).astype(jnp.int32))

        jax.lax.while_loop(lambda cr: cr[1] > 0, body, (0, jnp.int32(1)))

        K = k_ref[...]
        rank = jnp.dot(bt_ref[...], K, preferred_element_type=jnp.float32)
        kept = (K.astype(jnp.float32) > 0.0) & (rank < float(NMS_MAX))
        rk_ref[0, :N, c:c + 1] = jnp.where(kept, rank, float(EMPTY)).astype(
            jnp.int32)


def _phase_a(y_pred):
    B = y_pred.shape[0]
    return pl.pallas_call(
        _nms_tc_kernel,
        grid=(B,),
        in_specs=[pl.BlockSpec((1, N, 33), lambda b: (b, 0, 0))],
        out_specs=[
            pl.BlockSpec((1, C, NPAD), lambda b: (b, 0, 0)),
            pl.BlockSpec((1, 4, NPAD), lambda b: (b, 0, 0)),
            pl.BlockSpec((1, NPAD, CPAD), lambda b: (b, 0, 0)),
        ],
        out_shape=[
            jax.ShapeDtypeStruct((B, C, NPAD), jnp.float32),
            jax.ShapeDtypeStruct((B, 4, NPAD), jnp.float32),
            jax.ShapeDtypeStruct((B, NPAD, CPAD), jnp.int32),
        ],
        scratch_shapes=[
            pltpu.VMEM((N, N), jnp.bfloat16),
            pltpu.VMEM((N, N), jnp.bfloat16),
            pltpu.VMEM((N, N), jnp.bfloat16),
            pltpu.VMEM((N, 1), jnp.bfloat16),
        ],
    )(y_pred)


def _merge_sc_body(scores_hbm, boxes_hbm, rk_hbm, out_hbm,
                   sc_v, bx_v, rk_v, slots_v, sidx_v, o_v):
    cid = jax.lax.axis_index("c")
    sid = jax.lax.axis_index("s")
    wid = sid * 2 + cid

    @pl.when(wid < 8)
    def _():
        pltpu.sync_copy(scores_hbm.at[wid], sc_v)
        pltpu.sync_copy(boxes_hbm.at[wid], bx_v)
        pltpu.sync_copy(rk_hbm.at[wid], rk_v)
        lanes = jax.lax.iota(jnp.int32, 16)
        d0 = jnp.clip(lanes - 2, 0, 3)
        big = jnp.int32(1 << 30)

        def init_step(i, _):
            flat = i * 16 + lanes
            val = jnp.where((jax.lax.bitwise_and(flat, SLOT - 1) < NMS_MAX)
                            & (flat < C * SLOT), 0.0, -1.0)
            plsc.store_scatter(slots_v, [flat], val)
            return 0

        jax.lax.fori_loop(0, CPAD * SLOT // 16, init_step, 0)

        def scat_step(ck, _):
            c = ck // 64
            k = ck - c * 64
            col = k * 16 + lanes
            rkv = plsc.load_gather(rk_v, [col * CPAD + c])
            sv = plsc.load_gather(sc_v, [c * NPAD + col])
            dst = c * SLOT + rkv
            plsc.store_scatter(slots_v, [dst], sv)
            plsc.store_scatter(sidx_v, [dst], col)
            return 0

        jax.lax.fori_loop(0, C * (NPAD // 16), scat_step, 0)

        def step(t, carry):
            p0, p1 = carry
            h0 = plsc.load_gather(slots_v, [lanes * SLOT + p0])
            h1 = plsc.load_gather(slots_v, [(lanes + 16) * SLOT + p1])
            m = jnp.max(jnp.maximum(h0, h1))
            flat = jnp.minimum(
                jnp.min(jnp.where(h0 == m, lanes * SLOT + p0, big)),
                jnp.min(jnp.where(h1 == m, (lanes + 16) * SLOT + p1, big)))
            cls = jax.lax.shift_right_logical(flat, SLOT.bit_length() - 1)
            bidv = plsc.load_gather(sidx_v, [jnp.full((16,), flat, jnp.int32)])
            bid = jnp.clip(jnp.max(bidv), 0, NPAD - 1)
            g = plsc.load_gather(bx_v, [d0 * NPAD + bid])
            validv = jnp.full((16,), m, jnp.float32) > 0.0
            c_out = jnp.where(m > 0.0, cls.astype(jnp.float32) + 1.0, 1.0)
            v = jnp.where(lanes == 0, c_out,
                          jnp.where(lanes == 1, m,
                                    jnp.where(validv, g, 0.0)))
            plsc.store_scatter(o_v, [t * 8 + lanes], v, mask=lanes < 6)
            pop = flat - cls * SLOT
            pop0 = (lanes == cls) & (p0 == pop)
            pop1 = ((lanes + 16) == cls) & (p1 == pop)
            return (p0 + pop0.astype(jnp.int32), p1 + pop1.astype(jnp.int32))

        zeros = jnp.zeros((16,), jnp.int32)
        jax.lax.fori_loop(0, TOP_K, step, (zeros, zeros))
        pltpu.sync_copy(o_v, out_hbm.at[wid])


def _phase_b(scores, boxes, rk):
    B = scores.shape[0]
    mesh = plsc.VectorSubcoreMesh(core_axis_name="c", subcore_axis_name="s")
    fn = functools.partial(
        pl.kernel,
        mesh=mesh,
        compiler_params=pltpu.CompilerParams(needs_layout_passes=False),
        out_type=jax.ShapeDtypeStruct((B, (TOP_K + 56) * 8), jnp.float32),
        scratch_types=[
            pltpu.VMEM((C * NPAD,), jnp.float32),
            pltpu.VMEM((4 * NPAD,), jnp.float32),
            pltpu.VMEM((NPAD * CPAD,), jnp.int32),
            pltpu.VMEM((CPAD * SLOT,), jnp.float32),
            pltpu.VMEM((CPAD * SLOT,), jnp.int32),
            pltpu.VMEM(((TOP_K + 56) * 8,), jnp.float32),
        ],
    )(_merge_sc_body)
    return fn(scores.reshape(B, C * NPAD), boxes.reshape(B, 4 * NPAD),
              rk.reshape(B, NPAD * CPAD))


def kernel(y_pred):
    scores, boxes, rk = _phase_a(y_pred)
    out = _phase_b(scores, boxes, rk)
    return out.reshape(-1, TOP_K + 56, 8)[:, :TOP_K, :6]

# --- scband reference (transcript-rebuilt; emitter-appended) ---
"""Pipeline reference for scband-decode-detections-10874857193790 (READ-ONLY COPY).

The authoritative reference and input builder live on the scoring server;
editing this copy changes nothing except your own understanding.
"""

import jax, jax.numpy as jnp
import numpy as np

BATCH = 8
N_BOXES = 1000
N_CLS = 21
CONF_THRESH = 0.01
IOU_THRESH = 0.45
TOP_K = 200
NMS_MAX = 400
IMG_H = 512.0
IMG_W = 512.0
NEG = -1e10


def setup_inputs(seed: int = 0):
    key = jax.random.key(seed)
    y_pred = jax.random.normal(key, (BATCH, N_BOXES, N_CLS + 12), dtype=jnp.float32)
    return {"y_pred": y_pred}


def _decode(y):
    cx = y[..., -12] * y[..., -4] * y[..., -6] + y[..., -8]
    cy = y[..., -11] * y[..., -3] * y[..., -5] + y[..., -7]
    w = jnp.exp(y[..., -10] * y[..., -2]) * y[..., -6]
    h = jnp.exp(y[..., -9] * y[..., -1]) * y[..., -5]
    xmin = (cx - 0.5 * w) * IMG_W
    ymin = (cy - 0.5 * h) * IMG_H
    xmax = (cx + 0.5 * w) * IMG_W
    ymax = (cy + 0.5 * h) * IMG_H
    boxes = jnp.stack([xmin, ymin, xmax, ymax], axis=-1)
    scores = y[..., 1:-12]
    return boxes, scores


def _iou_one_many(box, boxes):
    x1 = jnp.maximum(box[0], boxes[:, 0])
    y1 = jnp.maximum(box[1], boxes[:, 1])
    x2 = jnp.minimum(box[2], boxes[:, 2])
    y2 = jnp.minimum(box[3], boxes[:, 3])
    inter = jnp.maximum(x2 - x1, 0.0) * jnp.maximum(y2 - y1, 0.0)
    a1 = jnp.maximum(box[2] - box[0], 0.0) * jnp.maximum(box[3] - box[1], 0.0)
    a2 = jnp.maximum(boxes[:, 2] - boxes[:, 0], 0.0) * jnp.maximum(boxes[:, 3] - boxes[:, 1], 0.0)
    union = a1 + a2 - inter
    safe = jnp.where(union > 0.0, union, 1.0)
    return jnp.where(union > 0.0, inter / safe, 0.0)


def _nms_one_class(boxes, scores):
    # Greedy per-class NMS matching tf.image.combined_non_max_suppression semantics:
    # keep up to NMS_MAX boxes with score > CONF_THRESH, suppressing IoU > IOU_THRESH.
    def body(i, state):
        scr, sel_s, sel_b, sel_v = state
        j = jnp.argmax(scr)
        sj = scr[j]
        bj = boxes[j]
        valid = sj > CONF_THRESH
        ious = _iou_one_many(bj, boxes)
        suppress = jnp.logical_and(valid, ious > IOU_THRESH)
        new_scr = jnp.where(suppress, NEG, scr)
        new_scr = new_scr.at[j].set(NEG)
        sel_s = sel_s.at[i].set(jnp.where(valid, sj, 0.0))
        sel_b = sel_b.at[i].set(jnp.where(valid, bj, 0.0))
        sel_v = sel_v.at[i].set(valid)
        return (new_scr, sel_s, sel_b, sel_v)

    init = (scores,
            jnp.zeros((NMS_MAX,), jnp.float32),
            jnp.zeros((NMS_MAX, 4), jnp.float32),
            jnp.zeros((NMS_MAX,), jnp.bool_))
    _, sel_s, sel_b, sel_v = jax.lax.fori_loop(0, NMS_MAX, body, init)
    return sel_s, sel_b, sel_v


def _combined_single(boxes, scores):
    # boxes: [N, 4] (shared across classes, q=1 in TF terms), scores: [N, C]
    sel_s, sel_b, sel_v = jax.vmap(lambda s: _nms_one_class(boxes, s))(scores.T)
    C = scores.shape[1]
    cls = jnp.broadcast_to(jnp.arange(C, dtype=jnp.float32)[:, None], (C, NMS_MAX))
    flat_s = sel_s.reshape(-1)
    flat_b = sel_b.reshape(-1, 4)
    flat_c = cls.reshape(-1)
    flat_v = sel_v.reshape(-1)
    top_s, top_i = jax.lax.top_k(flat_s, TOP_K)
    top_b = flat_b[top_i]
    top_c = flat_c[top_i]
    top_v = flat_v[top_i]
    out_s = jnp.where(top_v, top_s, 0.0)
    out_b = jnp.where(top_v[:, None], top_b, 0.0)
    out_c = jnp.where(top_v, top_c, 0.0)
    return out_b, out_s, out_c


def reference(y_pred):
    boxes, scores = _decode(y_pred)
    b, s, c = jax.vmap(_combined_single)(boxes, scores)
    classes = c + 1.0  # layer adds 1 to the class ids
    return jnp.concatenate([classes[..., None], s[..., None], b], axis=-1)

if __name__ == "__main__":
    import jax
    _d = setup_inputs()
    print(jax.jit(kernel)(*tuple(_d.values())))

</pallas_src>

<mosaic_0001>
#map = affine_map<(d0, d1) -> (0, 0)>
module attributes {stable_mosaic.version = 14 : i64} {
  func.func @_merge_sc_body(%arg0: i32, %arg1: i32, %arg2: memref<8x20480xf32, #tpu.memory_space<hbm>>, %arg3: memref<8x4096xf32, #tpu.memory_space<hbm>>, %arg4: memref<8x32768xi32, #tpu.memory_space<hbm>>, %arg5: memref<8x2048xf32, #tpu.memory_space<hbm>>, %arg6: memref<20480xf32, #tpu.memory_space<vmem>>, %arg7: memref<4096xf32, #tpu.memory_space<vmem>>, %arg8: memref<32768xi32, #tpu.memory_space<vmem>>, %arg9: memref<16384xf32, #tpu.memory_space<vmem>>, %arg10: memref<16384xi32, #tpu.memory_space<vmem>>, %arg11: memref<2048xf32, #tpu.memory_space<vmem>>) attributes {dimension_semantics = [#tpu.dimension_semantics<core_parallel>, #tpu.dimension_semantics<subcore_parallel>], iteration_bounds = array<i64: 2, 16>, scalar_prefetch = 0 : i64, scratch_operands = 6 : i64, tpu.core_type = #tpu.core_type<sc_vector_subcore>, window_params = [{transform_indices = #map}, {transform_indices = #map}, {transform_indices = #map}, {transform_indices = #map}]} {
    %mul3A = arith.constant 2 : i32
    %mul3A_0 = arith.muli %arg1, %mul3A : i32
    %add3A = arith.addi %mul3A_0, %arg0 : i32
    %lt3A = arith.constant 8 : i32
    %lt3A_1 = arith.cmpi slt, %add3A, %lt3A : i32
    %convert_element_type3A = arith.extui %lt3A_1 : i1 to i32
    %cond3A = arith.constant 0 : i32
    %cond3A_2 = arith.cmpi ne, %convert_element_type3A, %cond3A : i32
    scf.if %cond3A_2 {
      "tpu.region"() ({
        %run_scoped3A = tpu.sem_alloc : memref<!tpu.dma_semaphore, #tpu.memory_space<semaphore_mem>>
        %dma_start3A = arith.constant 0 : i32
        %dma_start3A_29 = tpu.memref_slice %arg2[%add3A, %dma_start3A] : memref<8x20480xf32, #tpu.memory_space<hbm>> -> memref<1x20480xf32, #tpu.memory_space<hbm>>
        %dma_start3A_30 = tpu.memref_squeeze %dma_start3A_29 : memref<1x20480xf32, #tpu.memory_space<hbm>> -> memref<20480xf32, #tpu.memory_space<hbm>>
        %dma_start3A_31 = arith.constant 0 : i32
        %dma_start3A_32 = tpu.memref_slice %arg2[%add3A, %dma_start3A_31] : memref<8x20480xf32, #tpu.memory_space<hbm>> -> memref<1x20480xf32, #tpu.memory_space<hbm>>
        %dma_start3A_33 = tpu.memref_squeeze %dma_start3A_32 : memref<1x20480xf32, #tpu.memory_space<hbm>> -> memref<20480xf32, #tpu.memory_space<hbm>>
        tpu.enqueue_dma source(%dma_start3A_33 : memref<20480xf32, #tpu.memory_space<hbm>>) target(%arg6 : memref<20480xf32, #tpu.memory_space<vmem>>) target_semaphore(%run_scoped3A : memref<!tpu.dma_semaphore, #tpu.memory_space<semaphore_mem>>)
        %dma_wait3A = arith.constant 0 : i32
        %dma_wait3A_34 = tpu.memref_slice %arg2[%add3A, %dma_wait3A] : memref<8x20480xf32, #tpu.memory_space<hbm>> -> memref<1x20480xf32, #tpu.memory_space<hbm>>
        %dma_wait3A_35 = tpu.memref_squeeze %dma_wait3A_34 : memref<1x20480xf32, #tpu.memory_space<hbm>> -> memref<20480xf32, #tpu.memory_space<hbm>>
        %dma_wait3A_36 = arith.constant 0 : i32
        %dma_wait3A_37 = tpu.memref_slice %arg2[%add3A, %dma_wait3A_36] : memref<8x20480xf32, #tpu.memory_space<hbm>> -> memref<1x20480xf32, #tpu.memory_space<hbm>>
        %dma_wait3A_38 = tpu.memref_squeeze %dma_wait3A_37 : memref<1x20480xf32, #tpu.memory_space<hbm>> -> memref<20480xf32, #tpu.memory_space<hbm>>
        tpu.wait_dma2 semaphore(%run_scoped3A : memref<!tpu.dma_semaphore, #tpu.memory_space<semaphore_mem>>) src(%dma_wait3A_38 : memref<20480xf32, #tpu.memory_space<hbm>>) dst(%arg6 : memref<20480xf32, #tpu.memory_space<vmem>>)
        tpu.yield
      }) : () -> ()
      "tpu.region"() ({
        %run_scoped3A = tpu.sem_alloc : memref<!tpu.dma_semaphore, #tpu.memory_space<semaphore_mem>>
        %dma_start3A = arith.constant 0 : i32
        %dma_start3A_29 = tpu.memref_slice %arg3[%add3A, %dma_start3A] : memref<8x4096xf32, #tpu.memory_space<hbm>> -> memref<1x4096xf32, #tpu.memory_space<hbm>>
        %dma_start3A_30 = tpu.memref_squeeze %dma_start3A_29 : memref<1x4096xf32, #tpu.memory_space<hbm>> -> memref<4096xf32, #tpu.memory_space<hbm>>
        %dma_start3A_31 = arith.constant 0 : i32
        %dma_start3A_32 = tpu.memref_slice %arg3[%add3A, %dma_start3A_31] : memref<8x4096xf32, #tpu.memory_space<hbm>> -> memref<1x4096xf32, #tpu.memory_space<hbm>>
        %dma_start3A_33 = tpu.memref_squeeze %dma_start3A_32 : memref<1x4096xf32, #tpu.memory_space<hbm>> -> memref<4096xf32, #tpu.memory_space<hbm>>
        tpu.enqueue_dma source(%dma_start3A_33 : memref<4096xf32, #tpu.memory_space<hbm>>) target(%arg7 : memref<4096xf32, #tpu.memory_space<vmem>>) target_semaphore(%run_scoped3A : memref<!tpu.dma_semaphore, #tpu.memory_space<semaphore_mem>>)
        %dma_wait3A = arith.constant 0 : i32
        %dma_wait3A_34 = tpu.memref_slice %arg3[%add3A, %dma_wait3A] : memref<8x4096xf32, #tpu.memory_space<hbm>> -> memref<1x4096xf32, #tpu.memory_space<hbm>>
        %dma_wait3A_35 = tpu.memref_squeeze %dma_wait3A_34 : memref<1x4096xf32, #tpu.memory_space<hbm>> -> memref<4096xf32, #tpu.memory_space<hbm>>
        %dma_wait3A_36 = arith.constant 0 : i32
        %dma_wait3A_37 = tpu.memref_slice %arg3[%add3A, %dma_wait3A_36] : memref<8x4096xf32, #tpu.memory_space<hbm>> -> memref<1x4096xf32, #tpu.memory_space<hbm>>
        %dma_wait3A_38 = tpu.memref_squeeze %dma_wait3A_37 : memref<1x4096xf32, #tpu.memory_space<hbm>> -> memref<4096xf32, #tpu.memory_space<hbm>>
        tpu.wait_dma2 semaphore(%run_scoped3A : memref<!tpu.dma_semaphore, #tpu.memory_space<semaphore_mem>>) src(%dma_wait3A_38 : memref<4096xf32, #tpu.memory_space<hbm>>) dst(%arg7 : memref<4096xf32, #tpu.memory_space<vmem>>)
        tpu.yield
      }) : () -> ()
      "tpu.region"() ({
        %run_scoped3A = tpu.sem_alloc : memref<!tpu.dma_semaphore, #tpu.memory_space<semaphore_mem>>
        %dma_start3A = arith.constant 0 : i32
        %dma_start3A_29 = tpu.memref_slice %arg4[%add3A, %dma_start3A] : memref<8x32768xi32, #tpu.memory_space<hbm>> -> memref<1x32768xi32, #tpu.memory_space<hbm>>
        %dma_start3A_30 = tpu.memref_squeeze %dma_start3A_29 : memref<1x32768xi32, #tpu.memory_space<hbm>> -> memref<32768xi32, #tpu.memory_space<hbm>>
        %dma_start3A_31 = arith.constant 0 : i32
        %dma_start3A_32 = tpu.memref_slice %arg4[%add3A, %dma_start3A_31] : memref<8x32768xi32, #tpu.memory_space<hbm>> -> memref<1x32768xi32, #tpu.memory_space<hbm>>
        %dma_start3A_33 = tpu.memref_squeeze %dma_start3A_32 : memref<1x32768xi32, #tpu.memory_space<hbm>> -> memref<32768xi32, #tpu.memory_space<hbm>>
        tpu.enqueue_dma source(%dma_start3A_33 : memref<32768xi32, #tpu.memory_space<hbm>>) target(%arg8 : memref<32768xi32, #tpu.memory_space<vmem>>) target_semaphore(%run_scoped3A : memref<!tpu.dma_semaphore, #tpu.memory_space<semaphore_mem>>)
        %dma_wait3A = arith.constant 0 : i32
        %dma_wait3A_34 = tpu.memref_slice %arg4[%add3A, %dma_wait3A] : memref<8x32768xi32, #tpu.memory_space<hbm>> -> memref<1x32768xi32, #tpu.memory_space<hbm>>
        %dma_wait3A_35 = tpu.memref_squeeze %dma_wait3A_34 : memref<1x32768xi32, #tpu.memory_space<hbm>> -> memref<32768xi32, #tpu.memory_space<hbm>>
        %dma_wait3A_36 = arith.constant 0 : i32
        %dma_wait3A_37 = tpu.memref_slice %arg4[%add3A, %dma_wait3A_36] : memref<8x32768xi32, #tpu.memory_space<hbm>> -> memref<1x32768xi32, #tpu.memory_space<hbm>>
        %dma_wait3A_38 = tpu.memref_squeeze %dma_wait3A_37 : memref<1x32768xi32, #tpu.memory_space<hbm>> -> memref<32768xi32, #tpu.memory_space<hbm>>
        tpu.wait_dma2 semaphore(%run_scoped3A : memref<!tpu.dma_semaphore, #tpu.memory_space<semaphore_mem>>) src(%dma_wait3A_38 : memref<32768xi32, #tpu.memory_space<hbm>>) dst(%arg8 : memref<32768xi32, #tpu.memory_space<vmem>>)
        tpu.yield
      }) : () -> ()
      %iota3A = tpu.iota {dimensions = array<i32: 0>} : vector<16xi32>
      %sub3A = arith.constant 2 : i32
      %sub3A_3 = vector.broadcast %sub3A : i32 to vector<16xi32>
      %sub3A_4 = arith.subi %iota3A, %sub3A_3 : vector<16xi32>
      %jit3A = arith.constant 0 : i32
      %jit3A_5 = arith.constant 3 : i32
      %max3A = vector.broadcast %jit3A : i32 to vector<16xi32>
      %max3A_6 = arith.maxsi %max3A, %sub3A_4 : vector<16xi32>
      %min3A = vector.broadcast %jit3A_5 : i32 to vector<16xi32>
      %min3A_7 = arith.minsi %min3A, %max3A_6 : vector<16xi32>
      %scan3A = arith.constant 0 : i32
      %scan3A_8 = arith.constant 0 : i32
      %scan3A_9 = arith.constant 1024 : i32
      %scan3A_10 = arith.addi %scan3A_8, %scan3A_9 : i32
      %scan3A_11 = arith.constant 1 : i32
      %scan3A_12 = scf.for %scan3A_29 = %scan3A_8 to %scan3A_10 step %scan3A_11 iter_args(%scan3A_30 = %scan3A) -> (i32)  : i32 {
        %mul3A_31 = arith.constant 16 : i32
        %mul3A_32 = arith.muli %scan3A_29, %mul3A_31 : i32
        %add3A_33 = vector.broadcast %mul3A_32 : i32 to vector<16xi32>
        %add3A_34 = arith.addi %add3A_33, %iota3A : vector<16xi32>
        %and3A = arith.constant 511 : i32
        %and3A_35 = vector.broadcast %and3A : i32 to vector<16xi32>
        %and3A_36 = arith.andi %add3A_34, %and3A_35 : vector<16xi32>
        %lt3A_37 = arith.constant 400 : i32
        %lt3A_38 = vector.broadcast %lt3A_37 : i32 to vector<16xi32>
        %lt3A_39 = arith.cmpi slt, %and3A_36, %lt3A_38 : vector<16xi32>
        %lt3A_40 = arith.constant 10240 : i32
        %lt3A_41 = vector.broadcast %lt3A_40 : i32 to vector<16xi32>
        %lt3A_42 = arith.cmpi slt, %add3A_34, %lt3A_41 : vector<16xi32>
        %and3A_43 = arith.andi %lt3A_39, %lt3A_42 : vector<16xi1>
        %jit3A_44 = arith.constant 0.000000e+00 : f32
        %jit3A_45 = arith.constant -1.000000e+00 : f32
        %broadcast_in_dim3A_46 = vector.broadcast %jit3A_44 : f32 to vector<16xf32>
        %broadcast_in_dim3A_47 = vector.broadcast %jit3A_45 : f32 to vector<16xf32>
        %select_n3A = arith.select %and3A_43, %broadcast_in_dim3A_46, %broadcast_in_dim3A_47 : vector<16xi1>, vector<16xf32>
        tpu.vector_store_idx %arg9[%add3A_34], %select_n3A : memref<16384xf32, #tpu.memory_space<vmem>>[vector<16xi32>], vector<16xf32>,
        %scan3A_48 = arith.constant 0 : i32
        scf.yield %scan3A_48 : i32
      }
      %scan3A_13 = arith.constant 1024 : i32
      %scan3A_14 = arith.constant 0 : i32
      %scan3A_15 = arith.constant 0 : i32
      %scan3A_16 = arith.constant 1280 : i32
      %scan3A_17 = arith.addi %scan3A_15, %scan3A_16 : i32
      %scan3A_18 = arith.constant 1 : i32
      %scan3A_19 = scf.for %scan3A_29 = %scan3A_15 to %scan3A_17 step %scan3A_18 iter_args(%scan3A_30 = %scan3A_14) -> (i32)  : i32 {
        %jit3A_31 = arith.constant 64 : i32
        %div3A = arith.divsi %scan3A_29, %jit3A_31 : i32
        %sign3A = arith.constant 0 : i32
        %sign3A_32 = arith.cmpi sgt, %scan3A_29, %sign3A : i32
        %sign3A_33 = arith.extui %sign3A_32 : i1 to i32
        %sign3A_34 = arith.constant 0 : i32
        %sign3A_35 = arith.cmpi slt, %scan3A_29, %sign3A_34 : i32
        %sign3A_36 = arith.extui %sign3A_35 : i1 to i32
        %sign3A_37 = arith.subi %sign3A_33, %sign3A_36 : i32
        %sign3A_38 = arith.constant 0 : i32
        %sign3A_39 = arith.cmpi sgt, %jit3A_31, %sign3A_38 : i32
        %sign3A_40 = arith.extui %sign3A_39 : i1 to i32
        %sign3A_41 = arith.constant 0 : i32
        %sign3A_42 = arith.cmpi slt, %jit3A_31, %sign3A_41 : i32
        %sign3A_43 = arith.extui %sign3A_42 : i1 to i32
        %sign3A_44 = arith.subi %sign3A_40, %sign3A_43 : i32
        %ne3A = arith.cmpi ne, %sign3A_37, %sign3A_44 : i32
        %rem3A = arith.remsi %scan3A_29, %jit3A_31 : i32
        %ne3A_45 = arith.constant 0 : i32
        %ne3A_46 = arith.cmpi ne, %rem3A, %ne3A_45 : i32
        %and3A = arith.andi %ne3A, %ne3A_46 : i1
        %sub3A_47 = arith.constant 1 : i32
        %sub3A_48 = arith.subi %div3A, %sub3A_47 : i32
        %select_n3A = arith.select %and3A, %sub3A_48, %div3A : i32
        %mul3A_49 = arith.constant 64 : i32
        %mul3A_50 = arith.muli %select_n3A, %mul3A_49 : i32
        %sub3A_51 = arith.subi %scan3A_29, %mul3A_50 : i32
        %mul3A_52 = arith.constant 16 : i32
        %mul3A_53 = arith.muli %sub3A_51, %mul3A_52 : i32
        %add3A_54 = vector.broadcast %mul3A_53 : i32 to vector<16xi32>
        %add3A_55 = arith.addi %add3A_54, %iota3A : vector<16xi32>
        %mul3A_56 = arith.constant 32 : i32
        %mul3A_57 = vector.broadcast %mul3A_56 : i32 to vector<16xi32>
        %mul3A_58 = arith.muli %add3A_55, %mul3A_57 : vector<16xi32>
        %add3A_59 = vector.broadcast %select_n3A : i32 to vector<16xi32>
        %add3A_60 = arith.addi %mul3A_58, %add3A_59 : vector<16xi32>
        %gather3A = tpu.vector_load_idx %arg8[%add3A_60] : memref<32768xi32, #tpu.memory_space<vmem>>[vector<16xi32>], vector<16xi32>,
        %mul3A_61 = arith.constant 1024 : i32
        %mul3A_62 = arith.muli %select_n3A, %mul3A_61 : i32
        %add3A_63 = vector.broadcast %mul3A_62 : i32 to vector<16xi32>
        %add3A_64 = arith.addi %add3A_63, %add3A_55 : vector<16xi32>
        %gather3A_65 = tpu.vector_load_idx %arg6[%add3A_64] : memref<20480xf32, #tpu.memory_space<vmem>>[vector<16xi32>], vector<16xf32>,
        %mul3A_66 = arith.constant 512 : i32
        %mul3A_67 = arith.muli %select_n3A, %mul3A_66 : i32
        %add3A_68 = vector.broadcast %mul3A_67 : i32 to vector<16xi32>
        %add3A_69 = arith.addi %add3A_68, %gather3A : vector<16xi32>
        tpu.vector_store_idx %arg9[%add3A_69], %gather3A_65 : memref<16384xf32, #tpu.memory_space<vmem>>[vector<16xi32>], vector<16xf32>,
        tpu.vector_store_idx %arg10[%add3A_69], %add3A_55 : memref<16384xi32, #tpu.memory_space<vmem>>[vector<16xi32>], vector<16xi32>,
        %scan3A_70 = arith.constant 0 : i32
        scf.yield %scan3A_70 : i32
      }
      %scan3A_20 = arith.constant 1280 : i32
      %broadcast_in_dim3A = arith.constant 0 : i32
      %broadcast_in_dim3A_21 = vector.broadcast %broadcast_in_dim3A : i32 to vector<16xi32>
      %scan3A_22 = arith.constant 1073741824 : i32
      %scan3A_23 = arith.constant 0 : i32
      %scan3A_24 = arith.constant 200 : i32
      %scan3A_25 = arith.addi %scan3A_23, %scan3A_24 : i32
      %scan3A_26 = arith.constant 1 : i32
      %scan3A_27:2 = scf.for %scan3A_29 = %scan3A_23 to %scan3A_25 step %scan3A_26 iter_args(%scan3A_30 = %broadcast_in_dim3A_21, %scan3A_31 = %broadcast_in_dim3A_21) -> (vector<16xi32>, vector<16xi32>)  : i32 {
        %mul3A_32 = arith.constant 512 : i32
        %mul3A_33 = vector.broadcast %mul3A_32 : i32 to vector<16xi32>
        %mul3A_34 = arith.muli %iota3A, %mul3A_33 : vector<16xi32>
        %add3A_35 = arith.addi %mul3A_34, %scan3A_30 : vector<16xi32>
        %gather3A = tpu.vector_load_idx %arg9[%add3A_35] : memref<16384xf32, #tpu.memory_space<vmem>>[vector<16xi32>], vector<16xf32>,
        %add3A_36 = arith.constant 16 : i32
        %add3A_37 = vector.broadcast %add3A_36 : i32 to vector<16xi32>
        %add3A_38 = arith.addi %iota3A, %add3A_37 : vector<16xi32>
        %mul3A_39 = arith.constant 512 : i32
        %mul3A_40 = vector.broadcast %mul3A_39 : i32 to vector<16xi32>
        %mul3A_41 = arith.muli %add3A_38, %mul3A_40 : vector<16xi32>
        %add3A_42 = arith.addi %mul3A_41, %scan3A_31 : vector<16xi32>
        %gather3A_43 = tpu.vector_load_idx %arg9[%add3A_42] : memref<16384xf32, #tpu.memory_space<vmem>>[vector<16xi32>], vector<16xf32>,
        %max3A_44 = arith.maximumf %gather3A, %gather3A_43 : vector<16xf32>
        %reduce_max3A = arith.constant true
        %reduce_max3A_45 = vector.broadcast %reduce_max3A : i1 to vector<16xi1>
        %reduce_max3A_46 = tpu.scan <max>, %max3A_44 masked %reduce_max3A_45 : vector<16xf32>, vector<16xi1> -> vector<16xf32>
        %reduce_max3A_47 = vector.extract %reduce_max3A_46[15] : f32 from vector<16xf32>
        %eq3A = vector.broadcast %reduce_max3A_47 : f32 to vector<16xf32>
        %eq3A_48 = arith.cmpf oeq, %gather3A, %eq3A : vector<16xf32>
        %mul3A_49 = arith.constant 512 : i32
        %mul3A_50 = vector.broadcast %mul3A_49 : i32 to vector<16xi32>
        %mul3A_51 = arith.muli %iota3A, %mul3A_50 : vector<16xi32>
        %add3A_52 = arith.addi %mul3A_51, %scan3A_30 : vector<16xi32>
        %broadcast_in_dim3A_53 = vector.broadcast %scan3A_22 : i32 to vector<16xi32>
        %select_n3A = arith.select %eq3A_48, %add3A_52, %broadcast_in_dim3A_53 : vector<16xi1>, vector<16xi32>
        %reduce_min3A = arith.constant true
        %reduce_min3A_54 = vector.broadcast %reduce_min3A : i1 to vector<16xi1>
        %reduce_min3A_55 = arith.constant -2147483648 : i32
        %reduce_min3A_56 = vector.broadcast %reduce_min3A_55 : i32 to vector<16xi32>
        %reduce_min3A_57 = arith.xori %select_n3A, %reduce_min3A_56 : vector<16xi32>
        %reduce_min3A_58 = tpu.scan <min>, %reduce_min3A_57 masked %reduce_min3A_54 : vector<16xi32>, vector<16xi1> -> vector<16xi32>
        %reduce_min3A_59 = arith.xori %reduce_min3A_58, %reduce_min3A_56 : vector<16xi32>
        %reduce_min3A_60 = vector.extract %reduce_min3A_59[15] : i32 from vector<16xi32>
        %eq3A_61 = vector.broadcast %reduce_max3A_47 : f32 to vector<16xf32>
        %eq3A_62 = arith.cmpf oeq, %gather3A_43, %eq3A_61 : vector<16xf32>
        %add3A_63 = arith.constant 16 : i32
        %add3A_64 = vector.broadcast %add3A_63 : i32 to vector<16xi32>
        %add3A_65 = arith.addi %iota3A, %add3A_64 : vector<16xi32>
        %mul3A_66 = arith.constant 512 : i32
        %mul3A_67 = vector.broadcast %mul3A_66 : i32 to vector<16xi32>
        %mul3A_68 = arith.muli %add3A_65, %mul3A_67 : vector<16xi32>
        %add3A_69 = arith.addi %mul3A_68, %scan3A_31 : vector<16xi32>
        %broadcast_in_dim3A_70 = vector.broadcast %scan3A_22 : i32 to vector<16xi32>
        %select_n3A_71 = arith.select %eq3A_62, %add3A_69, %broadcast_in_dim3A_70 : vector<16xi1>, vector<16xi32>
        %reduce_min3A_72 = arith.constant true
        %reduce_min3A_73 = vector.broadcast %reduce_min3A_72 : i1 to vector<16xi1>
        %reduce_min3A_74 = arith.constant -2147483648 : i32
        %reduce_min3A_75 = vector.broadcast %reduce_min3A_74 : i32 to vector<16xi32>
        %reduce_min3A_76 = arith.xori %select_n3A_71, %reduce_min3A_75 : vector<16xi32>
        %reduce_min3A_77 = tpu.scan <min>, %reduce_min3A_76 masked %reduce_min3A_73 : vector<16xi32>, vector<16xi1> -> vector<16xi32>
        %reduce_min3A_78 = arith.xori %reduce_min3A_77, %reduce_min3A_75 : vector<16xi32>
        %reduce_min3A_79 = vector.extract %reduce_min3A_78[15] : i32 from vector<16xi32>
        %min3A_80 = arith.minsi %reduce_min3A_60, %reduce_min3A_79 : i32
        %shift_right_logical3A = arith.constant 9 : i32
        %shift_right_logical3A_81 = arith.shrui %min3A_80, %shift_right_logical3A : i32
        %broadcast_in_dim3A_82 = vector.broadcast %min3A_80 : i32 to vector<16xi32>
        %gather3A_83 = tpu.vector_load_idx %arg10[%broadcast_in_dim3A_82] : memref<16384xi32, #tpu.memory_space<vmem>>[vector<16xi32>], vector<16xi32>,
        %reduce_max3A_84 = arith.constant true
        %reduce_max3A_85 = vector.broadcast %reduce_max3A_84 : i1 to vector<16xi1>
        %reduce_max3A_86 = arith.constant -2147483648 : i32
        %reduce_max3A_87 = vector.broadcast %reduce_max3A_86 : i32 to vector<16xi32>
        %reduce_max3A_88 = arith.xori %gather3A_83, %reduce_max3A_87 : vector<16xi32>
        %reduce_max3A_89 = tpu.scan <max>, %reduce_max3A_88 masked %reduce_max3A_85 : vector<16xi32>, vector<16xi1> -> vector<16xi32>
        %reduce_max3A_90 = arith.xori %reduce_max3A_89, %reduce_max3A_87 : vector<16xi32>
        %reduce_max3A_91 = vector.extract %reduce_max3A_90[15] : i32 from vector<16xi32>
        %jit3A_92 = arith.constant 0 : i32
        %jit3A_93 = arith.constant 1023 : i32
        %max3A_94 = arith.maxsi %jit3A_92, %reduce_max3A_91 : i32
        %min3A_95 = arith.minsi %jit3A_93, %max3A_94 : i32
        %mul3A_96 = arith.constant 1024 : i32
        %mul3A_97 = vector.broadcast %mul3A_96 : i32 to vector<16xi32>
        %mul3A_98 = arith.muli %min3A_7, %mul3A_97 : vector<16xi32>
        %add3A_99 = vector.broadcast %min3A_95 : i32 to vector<16xi32>
        %add3A_100 = arith.addi %mul3A_98, %add3A_99 : vector<16xi32>
        %gather3A_101 = tpu.vector_load_idx %arg7[%add3A_100] : memref<4096xf32, #tpu.memory_space<vmem>>[vector<16xi32>], vector<16xf32>,
        %broadcast_in_dim3A_102 = vector.broadcast %reduce_max3A_47 : f32 to vector<16xf32>
        %gt3A = arith.constant 0.000000e+00 : f32
        %gt3A_103 = vector.broadcast %gt3A : f32 to vector<16xf32>
        %gt3A_104 = arith.cmpf ogt, %broadcast_in_dim3A_102, %gt3A_103 : vector<16xf32>
        %gt3A_105 = arith.constant 0.000000e+00 : f32
        %gt3A_106 = arith.cmpf ogt, %reduce_max3A_47, %gt3A_105 : f32
        %convert_element_type3A_107 = arith.sitofp %shift_right_logical3A_81 : i32 to f32
        %add3A_108 = arith.constant 1.000000e+00 : f32
        %add3A_109 = arith.addf %convert_element_type3A_107, %add3A_108 : f32
        %jit3A_110 = arith.constant 1.000000e+00 : f32
        %select_n3A_111 = arith.select %gt3A_106, %add3A_109, %jit3A_110 : f32
        %eq3A_112 = arith.constant 0 : i32
        %eq3A_113 = vector.broadcast %eq3A_112 : i32 to vector<16xi32>
        %eq3A_114 = arith.cmpi eq, %iota3A, %eq3A_113 : vector<16xi32>
        %eq3A_115 = arith.constant 1 : i32
        %eq3A_116 = vector.broadcast %eq3A_115 : i32 to vector<16xi32>
        %eq3A_117 = arith.cmpi eq, %iota3A, %eq3A_116 : vector<16xi32>
        %jit3A_118 = arith.constant 0.000000e+00 : f32
        %broadcast_in_dim3A_119 = vector.broadcast %jit3A_118 : f32 to vector<16xf32>
        %select_n3A_120 = arith.select %gt3A_104, %gather3A_101, %broadcast_in_dim3A_119 : vector<16xi1>, vector<16xf32>
        %broadcast_in_dim3A_121 = vector.broadcast %reduce_max3A_47 : f32 to vector<16xf32>
        %select_n3A_122 = arith.select %eq3A_117, %broadcast_in_dim3A_121, %select_n3A_120 : vector<16xi1>, vector<16xf32>
        %broadcast_in_dim3A_123 = vector.broadcast %select_n3A_111 : f32 to vector<16xf32>
        %select_n3A_124 = arith.select %eq3A_114, %broadcast_in_dim3A_123, %select_n3A_122 : vector<16xi1>, vector<16xf32>
        %mul3A_125 = arith.constant 8 : i32
        %mul3A_126 = arith.muli %scan3A_29, %mul3A_125 : i32
        %add3A_127 = vector.broadcast %mul3A_126 : i32 to vector<16xi32>
        %add3A_128 = arith.addi %add3A_127, %iota3A : vector<16xi32>
        %lt3A_129 = arith.constant 6 : i32
        %lt3A_130 = vector.broadcast %lt3A_129 : i32 to vector<16xi32>
        %lt3A_131 = arith.cmpi slt, %iota3A, %lt3A_130 : vector<16xi32>
        tpu.vector_store_idx %arg11[%add3A_128], %select_n3A_124 masked %lt3A_131 : memref<2048xf32, #tpu.memory_space<vmem>>[vector<16xi32>], vector<16xf32>, vector<16xi1>
        %mul3A_132 = arith.constant 512 : i32
        %mul3A_133 = arith.muli %shift_right_logical3A_81, %mul3A_132 : i32
        %sub3A_134 = arith.subi %min3A_80, %mul3A_133 : i32
        %eq3A_135 = vector.broadcast %shift_right_logical3A_81 : i32 to vector<16xi32>
        %eq3A_136 = arith.cmpi eq, %iota3A, %eq3A_135 : vector<16xi32>
        %eq3A_137 = vector.broadcast %sub3A_134 : i32 to vector<16xi32>
        %eq3A_138 = arith.cmpi eq, %scan3A_30, %eq3A_137 : vector<16xi32>
        %and3A = arith.andi %eq3A_136, %eq3A_138 : vector<16xi1>
        %add3A_139 = arith.constant 16 : i32
        %add3A_140 = vector.broadcast %add3A_139 : i32 to vector<16xi32>
        %add3A_141 = arith.addi %iota3A, %add3A_140 : vector<16xi32>
        %eq3A_142 = vector.broadcast %shift_right_logical3A_81 : i32 to vector<16xi32>
        %eq3A_143 = arith.cmpi eq, %add3A_141, %eq3A_142 : vector<16xi32>
        %eq3A_144 = vector.broadcast %sub3A_134 : i32 to vector<16xi32>
        %eq3A_145 = arith.cmpi eq, %scan3A_31, %eq3A_144 : vector<16xi32>
        %and3A_146 = arith.andi %eq3A_143, %eq3A_145 : vector<16xi1>
        %convert_element_type3A_147 = arith.extui %and3A : vector<16xi1> to vector<16xi32>
        %add3A_148 = arith.addi %scan3A_30, %convert_element_type3A_147 : vector<16xi32>
        %convert_element_type3A_149 = arith.extui %and3A_146 : vector<16xi1> to vector<16xi32>
        %add3A_150 = arith.addi %scan3A_31, %convert_element_type3A_149 : vector<16xi32>
        scf.yield %add3A_148, %add3A_150 : vector<16xi32>, vector<16xi32>
      }
      %scan3A_28 = arith.constant 200 : i32
      "tpu.region"() ({
        %run_scoped3A = tpu.sem_alloc : memref<!tpu.dma_semaphore, #tpu.memory_space<semaphore_mem>>
        %dma_start3A = arith.constant 0 : i32
        %dma_start3A_29 = tpu.memref_slice %arg5[%add3A, %dma_start3A] : memref<8x2048xf32, #tpu.memory_space<hbm>> -> memref<1x2048xf32, #tpu.memory_space<hbm>>
        %dma_start3A_30 = tpu.memref_squeeze %dma_start3A_29 : memref<1x2048xf32, #tpu.memory_space<hbm>> -> memref<2048xf32, #tpu.memory_space<hbm>>
        %dma_start3A_31 = arith.constant 0 : i32
        %dma_start3A_32 = tpu.memref_slice %arg5[%add3A, %dma_start3A_31] : memref<8x2048xf32, #tpu.memory_space<hbm>> -> memref<1x2048xf32, #tpu.memory_space<hbm>>
        %dma_start3A_33 = tpu.memref_squeeze %dma_start3A_32 : memref<1x2048xf32, #tpu.memory_space<hbm>> -> memref<2048xf32, #tpu.memory_space<hbm>>
        tpu.enqueue_dma source(%arg11 : memref<2048xf32, #tpu.memory_space<vmem>>) target(%dma_start3A_33 : memref<2048xf32, #tpu.memory_space<hbm>>) target_semaphore(%run_scoped3A : memref<!tpu.dma_semaphore, #tpu.memory_space<semaphore_mem>>)
        %dma_wait3A = arith.constant 0 : i32
        %dma_wait3A_34 = tpu.memref_slice %arg5[%add3A, %dma_wait3A] : memref<8x2048xf32, #tpu.memory_space<hbm>> -> memref<1x2048xf32, #tpu.memory_space<hbm>>
        %dma_wait3A_35 = tpu.memref_squeeze %dma_wait3A_34 : memref<1x2048xf32, #tpu.memory_space<hbm>> -> memref<2048xf32, #tpu.memory_space<hbm>>
        %dma_wait3A_36 = arith.constant 0 : i32
        %dma_wait3A_37 = tpu.memref_slice %arg5[%add3A, %dma_wait3A_36] : memref<8x2048xf32, #tpu.memory_space<hbm>> -> memref<1x2048xf32, #tpu.memory_space<hbm>>
        %dma_wait3A_38 = tpu.memref_squeeze %dma_wait3A_37 : memref<1x2048xf32, #tpu.memory_space<hbm>> -> memref<2048xf32, #tpu.memory_space<hbm>>
        tpu.wait_dma2 semaphore(%run_scoped3A : memref<!tpu.dma_semaphore, #tpu.memory_space<semaphore_mem>>) src(%arg11 : memref<2048xf32, #tpu.memory_space<vmem>>) dst(%dma_wait3A_38 : memref<2048xf32, #tpu.memory_space<hbm>>)
        tpu.yield
      }) : () -> ()
    } else {
    }
    return
  }
}

module attributes {stable_mosaic.version = 14 : i64} {
  func.func @_nms_tc_kernel(%arg0: i32, %arg1: memref<1x1000x33xf32, #tpu.memory_space<vmem>>, %arg2: memref<1x20x1024xf32, #tpu.memory_space<vmem>>, %arg3: memref<1x4x1024xf32, #tpu.memory_space<vmem>>, %arg4: memref<1x1024x32xi32, #tpu.memory_space<vmem>>, %arg5: memref<1000x1000xbf16, #tpu.memory_space<vmem>>, %arg6: memref<1000x1000xbf16, #tpu.memory_space<vmem>>, %arg7: memref<1000x1000xbf16, #tpu.memory_space<vmem>>, %arg8: memref<1000x1xbf16, #tpu.memory_space<vmem>>) attributes {dimension_semantics = [#tpu.dimension_semantics<arbitrary>], iteration_bounds = array<i64: 8>, scalar_prefetch = 0 : i64, scratch_operands = 4 : i64, tpu.core_type = #tpu.core_type<tc>, window_params = [{transform_indices = @transform_0, window_bounds = array<i64: 1, 1000, 33>}, {transform_indices = @transform_1, window_bounds = array<i64: 1, 20, 1024>}, {transform_indices = @transform_2, window_bounds = array<i64: 1, 4, 1024>}, {transform_indices = @transform_3, window_bounds = array<i64: 1, 1024, 32>}]} {
    %get3A = arith.constant 0 : index
    %get3A_0 = arith.constant 0 : index
    %get3A_1 = arith.constant 0 : index
    %get3A_2 = vector.load %arg1[%get3A, %get3A_0, %get3A_1] : memref<1x1000x33xf32, #tpu.memory_space<vmem>>, vector<1x1000x33xf32>
    %get3A_3 = vector.shape_cast %get3A_2 : vector<1x1000x33xf32> to vector<1000x33xf32>
    %transpose3A = tpu.transpose %get3A_3, [1, 0] : vector<1000x33xf32> -> vector<33x1000xf32>
    %slice3A = vector.extract_strided_slice %get3A_3 {offsets = [0, 21], sizes = [1000, 1], strides = [1, 1]} : vector<1000x33xf32> to vector<1000x1xf32>
    %slice3A_4 = vector.extract_strided_slice %get3A_3 {offsets = [0, 29], sizes = [1000, 1], strides = [1, 1]} : vector<1000x33xf32> to vector<1000x1xf32>
    %mul3A = arith.mulf %slice3A, %slice3A_4 : vector<1000x1xf32>
    %slice3A_5 = vector.extract_strided_slice %get3A_3 {offsets = [0, 27], sizes = [1000, 1], strides = [1, 1]} : vector<1000x33xf32> to vector<1000x1xf32>
    %mul3A_6 = arith.mulf %mul3A, %slice3A_5 : vector<1000x1xf32>
    %slice3A_7 = vector.extract_strided_slice %get3A_3 {offsets = [0, 25], sizes = [1000, 1], strides = [1, 1]} : vector<1000x33xf32> to vector<1000x1xf32>
    %add3A = arith.addf %mul3A_6, %slice3A_7 : vector<1000x1xf32>
    %slice3A_8 = vector.extract_strided_slice %get3A_3 {offsets = [0, 22], sizes = [1000, 1], strides = [1, 1]} : vector<1000x33xf32> to vector<1000x1xf32>
    %slice3A_9 = vector.extract_strided_slice %get3A_3 {offsets = [0, 30], sizes = [1000, 1], strides = [1, 1]} : vector<1000x33xf32> to vector<1000x1xf32>
    %mul3A_10 = arith.mulf %slice3A_8, %slice3A_9 : vector<1000x1xf32>
    %slice3A_11 = vector.extract_strided_slice %get3A_3 {offsets = [0, 28], sizes = [1000, 1], strides = [1, 1]} : vector<1000x33xf32> to vector<1000x1xf32>
    %mul3A_12 = arith.mulf %mul3A_10, %slice3A_11 : vector<1000x1xf32>
    %slice3A_13 = vector.extract_strided_slice %get3A_3 {offsets = [0, 26], sizes = [1000, 1], strides = [1, 1]} : vector<1000x33xf32> to vector<1000x1xf32>
    %add3A_14 = arith.addf %mul3A_12, %slice3A_13 : vector<1000x1xf32>
    %slice3A_15 = vector.extract_strided_slice %get3A_3 {offsets = [0, 23], sizes = [1000, 1], strides = [1, 1]} : vector<1000x33xf32> to vector<1000x1xf32>
    %slice3A_16 = vector.extract_strided_slice %get3A_3 {offsets = [0, 31], sizes = [1000, 1], strides = [1, 1]} : vector<1000x33xf32> to vector<1000x1xf32>
    %mul3A_17 = arith.mulf %slice3A_15, %slice3A_16 : vector<1000x1xf32>
    %exp3A = math.exp %mul3A_17 : vector<1000x1xf32>
    %slice3A_18 = vector.extract_strided_slice %get3A_3 {offsets = [0, 27], sizes = [1000, 1], strides = [1, 1]} : vector<1000x33xf32> to vector<1000x1xf32>
    %mul3A_19 = arith.mulf %exp3A, %slice3A_18 : vector<1000x1xf32>
    %slice3A_20 = vector.extract_strided_slice %get3A_3 {offsets = [0, 24], sizes = [1000, 1], strides = [1, 1]} : vector<1000x33xf32> to vector<1000x1xf32>
    %slice3A_21 = vector.extract_strided_slice %get3A_3 {offsets = [0, 32], sizes = [1000, 1], strides = [1, 1]} : vector<1000x33xf32> to vector<1000x1xf32>
    %mul3A_22 = arith.mulf %slice3A_20, %slice3A_21 : vector<1000x1xf32>
    %exp3A_23 = math.exp %mul3A_22 : vector<1000x1xf32>
    %slice3A_24 = vector.extract_strided_slice %get3A_3 {offsets = [0, 28], sizes = [1000, 1], strides = [1, 1]} : vector<1000x33xf32> to vector<1000x1xf32>
    %mul3A_25 = arith.mulf %exp3A_23, %slice3A_24 : vector<1000x1xf32>
    %mul3A_26 = arith.constant 5.000000e-01 : f32
    %mul3A_27 = vector.broadcast %mul3A_26 : f32 to vector<1000x1xf32>
    %mul3A_28 = arith.mulf %mul3A_27, %mul3A_19 : vector<1000x1xf32>
    %sub3A = arith.subf %add3A, %mul3A_28 : vector<1000x1xf32>
    %mul3A_29 = arith.constant 5.120000e+02 : f32
    %mul3A_30 = vector.broadcast %mul3A_29 : f32 to vector<1000x1xf32>
    %mul3A_31 = arith.mulf %sub3A, %mul3A_30 : vector<1000x1xf32>
    %mul3A_32 = arith.constant 5.000000e-01 : f32
    %mul3A_33 = vector.broadcast %mul3A_32 : f32 to vector<1000x1xf32>
    %mul3A_34 = arith.mulf %mul3A_33, %mul3A_25 : vector<1000x1xf32>
    %sub3A_35 = arith.subf %add3A_14, %mul3A_34 : vector<1000x1xf32>
    %mul3A_36 = arith.constant 5.120000e+02 : f32
    %mul3A_37 = vector.broadcast %mul3A_36 : f32 to vector<1000x1xf32>
    %mul3A_38 = arith.mulf %sub3A_35, %mul3A_37 : vector<1000x1xf32>
    %mul3A_39 = arith.constant 5.000000e-01 : f32
    %mul3A_40 = vector.broadcast %mul3A_39 : f32 to vector<1000x1xf32>
    %mul3A_41 = arith.mulf %mul3A_40, %mul3A_19 : vector<1000x1xf32>
    %add3A_42 = arith.addf %add3A, %mul3A_41 : vector<1000x1xf32>
    %mul3A_43 = arith.constant 5.120000e+02 : f32
    %mul3A_44 = vector.broadcast %mul3A_43 : f32 to vector<1000x1xf32>
    %mul3A_45 = arith.mulf %add3A_42, %mul3A_44 : vector<1000x1xf32>
    %mul3A_46 = arith.constant 5.000000e-01 : f32
    %mul3A_47 = vector.broadcast %mul3A_46 : f32 to vector<1000x1xf32>
    %mul3A_48 = arith.mulf %mul3A_47, %mul3A_25 : vector<1000x1xf32>
    %add3A_49 = arith.addf %add3A_14, %mul3A_48 : vector<1000x1xf32>
    %mul3A_50 = arith.constant 5.120000e+02 : f32
    %mul3A_51 = vector.broadcast %mul3A_50 : f32 to vector<1000x1xf32>
    %mul3A_52 = arith.mulf %add3A_49, %mul3A_51 : vector<1000x1xf32>
    %slice3A_53 = vector.extract_strided_slice %transpose3A {offsets = [21, 0], sizes = [1, 1000], strides = [1, 1]} : vector<33x1000xf32> to vector<1x1000xf32>
    %slice3A_54 = vector.extract_strided_slice %transpose3A {offsets = [29, 0], sizes = [1, 1000], strides = [1, 1]} : vector<33x1000xf32> to vector<1x1000xf32>
    %mul3A_55 = arith.mulf %slice3A_53, %slice3A_54 : vector<1x1000xf32>
    %slice3A_56 = vector.extract_strided_slice %transpose3A {offsets = [27, 0], sizes = [1, 1000], strides = [1, 1]} : vector<33x1000xf32> to vector<1x1000xf32>
    %mul3A_57 = arith.mulf %mul3A_55, %slice3A_56 : vector<1x1000xf32>
    %slice3A_58 = vector.extract_strided_slice %transpose3A {offsets = [25, 0], sizes = [1, 1000], strides = [1, 1]} : vector<33x1000xf32> to vector<1x1000xf32>
    %add3A_59 = arith.addf %mul3A_57, %slice3A_58 : vector<1x1000xf32>
    %slice3A_60 = vector.extract_strided_slice %transpose3A {offsets = [22, 0], sizes = [1, 1000], strides = [1, 1]} : vector<33x1000xf32> to vector<1x1000xf32>
    %slice3A_61 = vector.extract_strided_slice %transpose3A {offsets = [30, 0], sizes = [1, 1000], strides = [1, 1]} : vector<33x1000xf32> to vector<1x1000xf32>
    %mul3A_62 = arith.mulf %slice3A_60, %slice3A_61 : vector<1x1000xf32>
    %slice3A_63 = vector.extract_strided_slice %transpose3A {offsets = [28, 0], sizes = [1, 1000], strides = [1, 1]} : vector<33x1000xf32> to vector<1x1000xf32>
    %mul3A_64 = arith.mulf %mul3A_62, %slice3A_63 : vector<1x1000xf32>
    %slice3A_65 = vector.extract_strided_slice %transpose3A {offsets = [26, 0], sizes = [1, 1000], strides = [1, 1]} : vector<33x1000xf32> to vector<1x1000xf32>
    %add3A_66 = arith.addf %mul3A_64, %slice3A_65 : vector<1x1000xf32>
    %slice3A_67 = vector.extract_strided_slice %transpose3A {offsets = [23, 0], sizes = [1, 1000], strides = [1, 1]} : vector<33x1000xf32> to vector<1x1000xf32>
    %slice3A_68 = vector.extract_strided_slice %transpose3A {offsets = [31, 0], sizes = [1, 1000], strides = [1, 1]} : vector<33x1000xf32> to vector<1x1000xf32>
    %mul3A_69 = arith.mulf %slice3A_67, %slice3A_68 : vector<1x1000xf32>
    %exp3A_70 = math.exp %mul3A_69 : vector<1x1000xf32>
    %slice3A_71 = vector.extract_strided_slice %transpose3A {offsets = [27, 0], sizes = [1, 1000], strides = [1, 1]} : vector<33x1000xf32> to vector<1x1000xf32>
    %mul3A_72 = arith.mulf %exp3A_70, %slice3A_71 : vector<1x1000xf32>
    %slice3A_73 = vector.extract_strided_slice %transpose3A {offsets = [24, 0], sizes = [1, 1000], strides = [1, 1]} : vector<33x1000xf32> to vector<1x1000xf32>
    %slice3A_74 = vector.extract_strided_slice %transpose3A {offsets = [32, 0], sizes = [1, 1000], strides = [1, 1]} : vector<33x1000xf32> to vector<1x1000xf32>
    %mul3A_75 = arith.mulf %slice3A_73, %slice3A_74 : vector<1x1000xf32>
    %exp3A_76 = math.exp %mul3A_75 : vector<1x1000xf32>
    %slice3A_77 = vector.extract_strided_slice %transpose3A {offsets = [28, 0], sizes = [1, 1000], strides = [1, 1]} : vector<33x1000xf32> to vector<1x1000xf32>
    %mul3A_78 = arith.mulf %exp3A_76, %slice3A_77 : vector<1x1000xf32>
    %mul3A_79 = arith.constant 5.000000e-01 : f32
    %mul3A_80 = vector.broadcast %mul3A_79 : f32 to vector<1x1000xf32>
    %mul3A_81 = arith.mulf %mul3A_80, %mul3A_72 : vector<1x1000xf32>
    %sub3A_82 = arith.subf %add3A_59, %mul3A_81 : vector<1x1000xf32>
    %mul3A_83 = arith.constant 5.120000e+02 : f32
    %mul3A_84 = vector.broadcast %mul3A_83 : f32 to vector<1x1000xf32>
    %mul3A_85 = arith.mulf %sub3A_82, %mul3A_84 : vector<1x1000xf32>
    %mul3A_86 = arith.constant 5.000000e-01 : f32
    %mul3A_87 = vector.broadcast %mul3A_86 : f32 to vector<1x1000xf32>
    %mul3A_88 = arith.mulf %mul3A_87, %mul3A_78 : vector<1x1000xf32>
    %sub3A_89 = arith.subf %add3A_66, %mul3A_88 : vector<1x1000xf32>
    %mul3A_90 = arith.constant 5.120000e+02 : f32
    %mul3A_91 = vector.broadcast %mul3A_90 : f32 to vector<1x1000xf32>
    %mul3A_92 = arith.mulf %sub3A_89, %mul3A_91 : vector<1x1000xf32>
    %mul3A_93 = arith.constant 5.000000e-01 : f32
    %mul3A_94 = vector.broadcast %mul3A_93 : f32 to vector<1x1000xf32>
    %mul3A_95 = arith.mulf %mul3A_94, %mul3A_72 : vector<1x1000xf32>
    %add3A_96 = arith.addf %add3A_59, %mul3A_95 : vector<1x1000xf32>
    %mul3A_97 = arith.constant 5.120000e+02 : f32
    %mul3A_98 = vector.broadcast %mul3A_97 : f32 to vector<1x1000xf32>
    %mul3A_99 = arith.mulf %add3A_96, %mul3A_98 : vector<1x1000xf32>
    %mul3A_100 = arith.constant 5.000000e-01 : f32
    %mul3A_101 = vector.broadcast %mul3A_100 : f32 to vector<1x1000xf32>
    %mul3A_102 = arith.mulf %mul3A_101, %mul3A_78 : vector<1x1000xf32>
    %add3A_103 = arith.addf %add3A_66, %mul3A_102 : vector<1x1000xf32>
    %mul3A_104 = arith.constant 5.120000e+02 : f32
    %mul3A_105 = vector.broadcast %mul3A_104 : f32 to vector<1x1000xf32>
    %mul3A_106 = arith.mulf %add3A_103, %mul3A_105 : vector<1x1000xf32>
    %max3A = vector.broadcast %mul3A_31 : vector<1000x1xf32> to vector<1000x1000xf32>
    %max3A_107 = vector.broadcast %mul3A_85 : vector<1x1000xf32> to vector<1000x1000xf32>
    %max3A_108 = arith.maximumf %max3A, %max3A_107 : vector<1000x1000xf32>
    %max3A_109 = vector.broadcast %mul3A_38 : vector<1000x1xf32> to vector<1000x1000xf32>
    %max3A_110 = vector.broadcast %mul3A_92 : vector<1x1000xf32> to vector<1000x1000xf32>
    %max3A_111 = arith.maximumf %max3A_109, %max3A_110 : vector<1000x1000xf32>
    %min3A = vector.broadcast %mul3A_45 : vector<1000x1xf32> to vector<1000x1000xf32>
    %min3A_112 = vector.broadcast %mul3A_99 : vector<1x1000xf32> to vector<1000x1000xf32>
    %min3A_113 = arith.minimumf %min3A, %min3A_112 : vector<1000x1000xf32>
    %min3A_114 = vector.broadcast %mul3A_52 : vector<1000x1xf32> to vector<1000x1000xf32>
    %min3A_115 = vector.broadcast %mul3A_106 : vector<1x1000xf32> to vector<1000x1000xf32>
    %min3A_116 = arith.minimumf %min3A_114, %min3A_115 : vector<1000x1000xf32>
    %sub3A_117 = arith.subf %min3A_113, %max3A_108 : vector<1000x1000xf32>
    %max3A_118 = arith.constant 0.000000e+00 : f32
    %max3A_119 = vector.broadcast %max3A_118 : f32 to vector<1000x1000xf32>
    %max3A_120 = arith.maximumf %sub3A_117, %max3A_119 : vector<1000x1000xf32>
    %sub3A_121 = arith.subf %min3A_116, %max3A_111 : vector<1000x1000xf32>
    %max3A_122 = arith.constant 0.000000e+00 : f32
    %max3A_123 = vector.broadcast %max3A_122 : f32 to vector<1000x1000xf32>
    %max3A_124 = arith.maximumf %sub3A_121, %max3A_123 : vector<1000x1000xf32>
    %mul3A_125 = arith.mulf %max3A_120, %max3A_124 : vector<1000x1000xf32>
    %sub3A_126 = arith.subf %mul3A_45, %mul3A_31 : vector<1000x1xf32>
    %max3A_127 = arith.constant 0.000000e+00 : f32
    %max3A_128 = vector.broadcast %max3A_127 : f32 to vector<1000x1xf32>
    %max3A_129 = arith.maximumf %sub3A_126, %max3A_128 : vector<1000x1xf32>
    %sub3A_130 = arith.subf %mul3A_52, %mul3A_38 : vector<1000x1xf32>
    %max3A_131 = arith.constant 0.000000e+00 : f32
    %max3A_132 = vector.broadcast %max3A_131 : f32 to vector<1000x1xf32>
    %max3A_133 = arith.maximumf %sub3A_130, %max3A_132 : vector<1000x1xf32>
    %mul3A_134 = arith.mulf %max3A_129, %max3A_133 : vector<1000x1xf32>
    %sub3A_135 = arith.subf %mul3A_99, %mul3A_85 : vector<1x1000xf32>
    %max3A_136 = arith.constant 0.000000e+00 : f32
    %max3A_137 = vector.broadcast %max3A_136 : f32 to vector<1x1000xf32>
    %max3A_138 = arith.maximumf %sub3A_135, %max3A_137 : vector<1x1000xf32>
    %sub3A_139 = arith.subf %mul3A_106, %mul3A_92 : vector<1x1000xf32>
    %max3A_140 = arith.constant 0.000000e+00 : f32
    %max3A_141 = vector.broadcast %max3A_140 : f32 to vector<1x1000xf32>
    %max3A_142 = arith.maximumf %sub3A_139, %max3A_141 : vector<1x1000xf32>
    %mul3A_143 = arith.mulf %max3A_138, %max3A_142 : vector<1x1000xf32>
    %add3A_144 = vector.broadcast %mul3A_134 : vector<1000x1xf32> to vector<1000x1000xf32>
    %add3A_145 = vector.broadcast %mul3A_143 : vector<1x1000xf32> to vector<1000x1000xf32>
    %add3A_146 = arith.addf %add3A_144, %add3A_145 : vector<1000x1000xf32>
    %sub3A_147 = arith.subf %add3A_146, %mul3A_125 : vector<1000x1000xf32>
    %gt3A = arith.constant 0.000000e+00 : f32
    %gt3A_148 = vector.broadcast %gt3A : f32 to vector<1000x1000xf32>
    %gt3A_149 = arith.cmpf ogt, %sub3A_147, %gt3A_148 : vector<1000x1000xf32>
    %jit3A = arith.constant 1.000000e+00 : f32
    %broadcast_in_dim3A = vector.broadcast %jit3A : f32 to vector<1000x1000xf32>
    %select_n3A = arith.select %gt3A_149, %sub3A_147, %broadcast_in_dim3A : vector<1000x1000xi1>, vector<1000x1000xf32>
    %gt3A_150 = arith.constant 0.000000e+00 : f32
    %gt3A_151 = vector.broadcast %gt3A_150 : f32 to vector<1000x1000xf32>
    %gt3A_152 = arith.cmpf ogt, %sub3A_147, %gt3A_151 : vector<1000x1000xf32>
    %div3A = arith.divf %mul3A_125, %select_n3A : vector<1000x1000xf32>
    %jit3A_153 = arith.constant 0.000000e+00 : f32
    %broadcast_in_dim3A_154 = vector.broadcast %jit3A_153 : f32 to vector<1000x1000xf32>
    %select_n3A_155 = arith.select %gt3A_152, %div3A, %broadcast_in_dim3A_154 : vector<1000x1000xi1>, vector<1000x1000xf32>
    %gt3A_156 = arith.constant 4.500000e-01 : f32
    %gt3A_157 = vector.broadcast %gt3A_156 : f32 to vector<1000x1000xf32>
    %gt3A_158 = arith.cmpf ogt, %select_n3A_155, %gt3A_157 : vector<1000x1000xf32>
    %convert_element_type3A = arith.extui %gt3A_158 : vector<1000x1000xi1> to vector<1000x1000xi32>
    %convert_element_type3A_159 = arith.sitofp %convert_element_type3A : vector<1000x1000xi32> to vector<1000x1000xf32>
    %convert_element_type3A_160 = arith.truncf %convert_element_type3A_159 : vector<1000x1000xf32> to vector<1000x1000xbf16>
    %swap3A = arith.constant 0 : index
    %swap3A_161 = arith.constant 0 : index
    %swap3A_162 = vector.load %arg5[%swap3A, %swap3A_161] : memref<1000x1000xbf16, #tpu.memory_space<vmem>>, vector<1000x1000xbf16>
    tpu.vector_store %arg5[%swap3A, %swap3A_161], %convert_element_type3A_160 {strides = array<i32>} : memref<1000x1000xbf16, #tpu.memory_space<vmem>>, vector<1000x1000xbf16>,
    %iota3A = tpu.iota {dimensions = array<i32: 0>} : vector<1000x1000xi32>
    %iota3A_163 = tpu.iota {dimensions = array<i32: 1>} : vector<1000x1000xi32>
    %slice3A_164 = vector.extract_strided_slice %transpose3A {offsets = [1, 0], sizes = [20, 1000], strides = [1, 1]} : vector<33x1000xf32> to vector<20x1000xf32>
    %swap3A_165 = arith.constant 0 : index
    %swap3A_166 = arith.constant 0 : index
    %swap3A_167 = arith.constant 0 : index
    %swap3A_168 = vector.load %arg2[%swap3A_165, %swap3A_166, %swap3A_167] : memref<1x20x1024xf32, #tpu.memory_space<vmem>>, vector<1x20x1000xf32>
    %swap3A_169 = vector.shape_cast %swap3A_168 : vector<1x20x1000xf32> to vector<20x1000xf32>
    %swap3A_170 = vector.shape_cast %slice3A_164 : vector<20x1000xf32> to vector<1x20x1000xf32>
    tpu.vector_store %arg2[%swap3A_165, %swap3A_166, %swap3A_167], %swap3A_170 {strides = array<i32>} : memref<1x20x1024xf32, #tpu.memory_space<vmem>>, vector<1x20x1000xf32>,
    %broadcast_in_dim3A_171 = arith.constant 0.000000e+00 : f32
    %broadcast_in_dim3A_172 = vector.broadcast %broadcast_in_dim3A_171 : f32 to vector<20x24xf32>
    %swap3A_173 = arith.constant 0 : index
    %swap3A_174 = arith.constant 0 : index
    %swap3A_175 = arith.constant 1000 : index
    %swap3A_176 = vector.load %arg2[%swap3A_173, %swap3A_174, %swap3A_175] : memref<1x20x1024xf32, #tpu.memory_space<vmem>>, vector<1x20x24xf32>
    %swap3A_177 = vector.shape_cast %swap3A_176 : vector<1x20x24xf32> to vector<20x24xf32>
    %swap3A_178 = vector.shape_cast %broadcast_in_dim3A_172 : vector<20x24xf32> to vector<1x20x24xf32>
    tpu.vector_store %arg2[%swap3A_173, %swap3A_174, %swap3A_175], %swap3A_178 {strides = array<i32>} : memref<1x20x1024xf32, #tpu.memory_space<vmem>>, vector<1x20x24xf32>,
    %concatenate3A = tpu.concatenate %mul3A_85, %mul3A_92, %mul3A_99, %mul3A_106 in 0 : vector<1x1000xf32>, vector<1x1000xf32>, vector<1x1000xf32>, vector<1x1000xf32> -> vector<4x1000xf32>
    %swap3A_179 = arith.constant 0 : index
    %swap3A_180 = arith.constant 0 : index
    %swap3A_181 = arith.constant 0 : index
    %swap3A_182 = vector.load %arg3[%swap3A_179, %swap3A_180, %swap3A_181] : memref<1x4x1024xf32, #tpu.memory_space<vmem>>, vector<1x4x1000xf32>
    %swap3A_183 = vector.shape_cast %swap3A_182 : vector<1x4x1000xf32> to vector<4x1000xf32>
    %swap3A_184 = vector.shape_cast %concatenate3A : vector<4x1000xf32> to vector<1x4x1000xf32>
    tpu.vector_store %arg3[%swap3A_179, %swap3A_180, %swap3A_181], %swap3A_184 {strides = array<i32>} : memref<1x4x1024xf32, #tpu.memory_space<vmem>>, vector<1x4x1000xf32>,
    %broadcast_in_dim3A_185 = arith.constant 0.000000e+00 : f32
    %broadcast_in_dim3A_186 = vector.broadcast %broadcast_in_dim3A_185 : f32 to vector<4x24xf32>
    %swap3A_187 = arith.constant 0 : index
    %swap3A_188 = arith.constant 0 : index
    %swap3A_189 = arith.constant 1000 : index
    %swap3A_190 = vector.load %arg3[%swap3A_187, %swap3A_188, %swap3A_189] : memref<1x4x1024xf32, #tpu.memory_space<vmem>>, vector<1x4x24xf32>
    %swap3A_191 = vector.shape_cast %swap3A_190 : vector<1x4x24xf32> to vector<4x24xf32>
    %swap3A_192 = vector.shape_cast %broadcast_in_dim3A_186 : vector<4x24xf32> to vector<1x4x24xf32>
    tpu.vector_store %arg3[%swap3A_187, %swap3A_188, %swap3A_189], %swap3A_192 {strides = array<i32>} : memref<1x4x1024xf32, #tpu.memory_space<vmem>>, vector<1x4x24xf32>,
    %broadcast_in_dim3A_193 = arith.constant 511 : i32
    %broadcast_in_dim3A_194 = vector.broadcast %broadcast_in_dim3A_193 : i32 to vector<24x32xi32>
    %swap3A_195 = arith.constant 0 : index
    %swap3A_196 = arith.constant 1000 : index
    %swap3A_197 = arith.constant 0 : index
    %swap3A_198 = vector.load %arg4[%swap3A_195, %swap3A_196, %swap3A_197] : memref<1x1024x32xi32, #tpu.memory_space<vmem>>, vector<1x24x32xi32>
    %swap3A_199 = vector.shape_cast %swap3A_198 : vector<1x24x32xi32> to vector<24x32xi32>
    %swap3A_200 = vector.shape_cast %broadcast_in_dim3A_194 : vector<24x32xi32> to vector<1x24x32xi32>
    tpu.vector_store %arg4[%swap3A_195, %swap3A_196, %swap3A_197], %swap3A_200 {strides = array<i32>} : memref<1x1024x32xi32, #tpu.memory_space<vmem>>, vector<1x24x32xi32>,
    %slice3A_201 = vector.extract_strided_slice %get3A_3 {offsets = [0, 1], sizes = [1000, 1], strides = [1, 1]} : vector<1000x33xf32> to vector<1000x1xf32>
    %slice3A_202 = vector.extract_strided_slice %transpose3A {offsets = [1, 0], sizes = [1, 1000], strides = [1, 1]} : vector<33x1000xf32> to vector<1x1000xf32>
    %gt3A_203 = arith.constant 0.00999999977 : f32
    %gt3A_204 = vector.broadcast %gt3A_203 : f32 to vector<1000x1xf32>
    %gt3A_205 = arith.cmpf ogt, %slice3A_201, %gt3A_204 : vector<1000x1xf32>
    %convert_element_type3A_206 = arith.extui %gt3A_205 : vector<1000x1xi1> to vector<1000x1xi32>
    %convert_element_type3A_207 = arith.sitofp %convert_element_type3A_206 : vector<1000x1xi32> to vector<1000x1xf32>
    %convert_element_type3A_208 = arith.truncf %convert_element_type3A_207 : vector<1000x1xf32> to vector<1000x1xbf16>
    %gt3A_209 = vector.broadcast %slice3A_202 : vector<1x1000xf32> to vector<1000x1000xf32>
    %gt3A_210 = vector.broadcast %slice3A_201 : vector<1000x1xf32> to vector<1000x1000xf32>
    %gt3A_211 = arith.cmpf ogt, %gt3A_209, %gt3A_210 : vector<1000x1000xf32>
    %eq3A = vector.broadcast %slice3A_202 : vector<1x1000xf32> to vector<1000x1000xf32>
    %eq3A_212 = vector.broadcast %slice3A_201 : vector<1000x1xf32> to vector<1000x1000xf32>
    %eq3A_213 = arith.cmpf oeq, %eq3A, %eq3A_212 : vector<1000x1000xf32>
    %lt3A = arith.cmpi slt, %iota3A_163, %iota3A : vector<1000x1000xi32>
    %and3A = arith.andi %eq3A_213, %lt3A : vector<1000x1000xi1>
    %or3A = arith.ori %gt3A_211, %and3A : vector<1000x1000xi1>
    %convert_element_type3A_214 = arith.extui %or3A : vector<1000x1000xi1> to vector<1000x1000xi32>
    %convert_element_type3A_215 = arith.sitofp %convert_element_type3A_214 : vector<1000x1000xi32> to vector<1000x1000xf32>
    %convert_element_type3A_216 = arith.truncf %convert_element_type3A_215 : vector<1000x1000xf32> to vector<1000x1000xbf16>
    %swap3A_217 = arith.constant 0 : index
    %swap3A_218 = arith.constant 0 : index
    %swap3A_219 = vector.load %arg6[%swap3A_217, %swap3A_218] : memref<1000x1000xbf16, #tpu.memory_space<vmem>>, vector<1000x1000xbf16>
    tpu.vector_store %arg6[%swap3A_217, %swap3A_218], %convert_element_type3A_216 {strides = array<i32>} : memref<1000x1000xbf16, #tpu.memory_space<vmem>>, vector<1000x1000xbf16>,
    %gt3A_220 = arith.constant 0.00999999977 : f32
    %gt3A_221 = vector.broadcast %gt3A_220 : f32 to vector<1x1000xf32>
    %gt3A_222 = arith.cmpf ogt, %slice3A_202, %gt3A_221 : vector<1x1000xf32>
    %convert_element_type3A_223 = arith.extui %gt3A_222 : vector<1x1000xi1> to vector<1x1000xi32>
    %convert_element_type3A_224 = arith.sitofp %convert_element_type3A_223 : vector<1x1000xi32> to vector<1x1000xf32>
    %convert_element_type3A_225 = arith.truncf %convert_element_type3A_224 : vector<1x1000xf32> to vector<1x1000xbf16>
    %get3A_226 = arith.constant 0 : index
    %get3A_227 = arith.constant 0 : index
    %get3A_228 = vector.load %arg5[%get3A_226, %get3A_227] : memref<1000x1000xbf16, #tpu.memory_space<vmem>>, vector<1000x1000xbf16>
    %mul3A_229 = vector.broadcast %convert_element_type3A_225 : vector<1x1000xbf16> to vector<1000x1000xbf16>
    %mul3A_230 = arith.mulf %get3A_228, %mul3A_229 : vector<1000x1000xbf16>
    %mul3A_231 = arith.mulf %convert_element_type3A_216, %mul3A_230 : vector<1000x1000xbf16>
    %swap3A_232 = arith.constant 0 : index
    %swap3A_233 = arith.constant 0 : index
    %swap3A_234 = vector.load %arg7[%swap3A_232, %swap3A_233] : memref<1000x1000xbf16, #tpu.memory_space<vmem>>, vector<1000x1000xbf16>
    tpu.vector_store %arg7[%swap3A_232, %swap3A_233], %mul3A_231 {strides = array<i32>} : memref<1000x1000xbf16, #tpu.memory_space<vmem>>, vector<1000x1000xbf16>,
    %reduce_max3A = arith.constant dense<0xFF80> : vector<1000xbf16>
    %reduce_max3A_235 = vector.multi_reduction <maximumf>, %mul3A_231, %reduce_max3A [1] : vector<1000x1000xbf16> to vector<1000xbf16>
    %broadcast_in_dim3A_236 = vector.shape_cast %reduce_max3A_235 : vector<1000xbf16> to vector<1000x1xbf16>
    %eq3A_237 = arith.constant 0.000000e+00 : bf16
    %eq3A_238 = vector.broadcast %eq3A_237 : bf16 to vector<1000x1xbf16>
    %eq3A_239 = arith.cmpf oeq, %broadcast_in_dim3A_236, %eq3A_238 : vector<1000x1xbf16>
    %convert_element_type3A_240 = arith.extui %eq3A_239 : vector<1000x1xi1> to vector<1000x1xi32>
    %convert_element_type3A_241 = arith.sitofp %convert_element_type3A_240 : vector<1000x1xi32> to vector<1000x1xf32>
    %convert_element_type3A_242 = arith.truncf %convert_element_type3A_241 : vector<1000x1xf32> to vector<1000x1xbf16>
    %mul3A_243 = arith.mulf %convert_element_type3A_208, %convert_element_type3A_242 : vector<1000x1xbf16>
    %swap3A_244 = arith.constant 0 : index
    %swap3A_245 = arith.constant 0 : index
    %swap3A_246 = vector.load %arg8[%swap3A_244, %swap3A_245] : memref<1000x1xbf16, #tpu.memory_space<vmem>>, vector<1000x1xbf16>
    tpu.vector_store %arg8[%swap3A_244, %swap3A_245], %mul3A_243 {strides = array<i32>} : memref<1000x1xbf16, #tpu.memory_space<vmem>>, vector<1000x1xbf16>,
    %while3A = arith.constant 0 : i32
    %while3A_247 = arith.constant 1 : i32
    %while3A_248:2 = scf.while (%while3A_1794 = %while3A, %while3A_1795 = %while3A_247) : (i32, i32) -> (i32, i32) {
      %gt3A_1796 = arith.constant 0 : i32
      %gt3A_1797 = arith.cmpi sgt, %while3A_1795, %gt3A_1796 : i32
      scf.condition(%gt3A_1797) %while3A_1794, %while3A_1795 : i32, i32
    } do {
    ^bb0(%while3A_1794: i32, %while3A_1795: i32):
      %get3A_1796 = arith.constant 0 : index
      %get3A_1797 = arith.constant 0 : index
      %get3A_1798 = vector.load %arg8[%get3A_1796, %get3A_1797] : memref<1000x1xbf16, #tpu.memory_space<vmem>>, vector<1000x1xbf16>
      %get3A_1799 = arith.constant 0 : index
      %get3A_1800 = arith.constant 0 : index
      %get3A_1801 = vector.load %arg7[%get3A_1799, %get3A_1800] : memref<1000x1000xbf16, #tpu.memory_space<vmem>>, vector<1000x1000xbf16>
      %dot_general3A_1802 = arith.constant dense<0.000000e+00> : vector<1000x1xf32>
      %dot_general3A_1803 = tpu.matmul %get3A_1801, %get3A_1798, %dot_general3A_1802 {dimension_numbers = #tpu.dot_dimension_numbers<[1], [0], [0], [1], [0, 0, 1, 1], [], []>, transpose_lhs_hint = false} : vector<1000x1000xbf16>, vector<1000x1xbf16>, vector<1000x1xf32> -> vector<1000x1xf32>
      %eq3A_1804 = arith.constant 0.000000e+00 : f32
      %eq3A_1805 = vector.broadcast %eq3A_1804 : f32 to vector<1000x1xf32>
      %eq3A_1806 = arith.cmpf oeq, %dot_general3A_1803, %eq3A_1805 : vector<1000x1xf32>
      %convert_element_type3A_1807 = arith.extui %eq3A_1806 : vector<1000x1xi1> to vector<1000x1xi32>
      %convert_element_type3A_1808 = arith.sitofp %convert_element_type3A_1807 : vector<1000x1xi32> to vector<1000x1xf32>
      %convert_element_type3A_1809 = arith.truncf %convert_element_type3A_1808 : vector<1000x1xf32> to vector<1000x1xbf16>
      %mul3A_1810 = arith.mulf %convert_element_type3A_208, %convert_element_type3A_1809 : vector<1000x1xbf16>
      %sub3A_1811 = arith.subf %mul3A_1810, %get3A_1798 : vector<1000x1xbf16>
      %convert_element_type3A_1812 = arith.extf %sub3A_1811 : vector<1000x1xbf16> to vector<1000x1xf32>
      %abs3A = math.absf %convert_element_type3A_1812 : vector<1000x1xf32>
      %reduce_sum3A = vector.shape_cast %abs3A : vector<1000x1xf32> to vector<1x1000x1xf32>
      %reduce_sum3A_1813 = arith.constant dense<0.000000e+00> : vector<1xf32>
      %reduce_sum3A_1814 = vector.multi_reduction <add>, %reduce_sum3A, %reduce_sum3A_1813 [1, 2] : vector<1x1000x1xf32> to vector<1xf32>
      %reduce_sum3A_1815 = vector.shape_cast %reduce_sum3A_1814 : vector<1xf32> to vector<1x1x1xf32>
      %reduce_sum3A_1816 = vector.extract %reduce_sum3A_1815[0, 0, 0] : f32 from vector<1x1x1xf32>
      %swap3A_1817 = arith.constant 0 : index
      %swap3A_1818 = arith.constant 0 : index
      %swap3A_1819 = vector.load %arg8[%swap3A_1817, %swap3A_1818] : memref<1000x1xbf16, #tpu.memory_space<vmem>>, vector<1000x1xbf16>
      tpu.vector_store %arg8[%swap3A_1817, %swap3A_1818], %mul3A_1810 {strides = array<i32>} : memref<1000x1xbf16, #tpu.memory_space<vmem>>, vector<1000x1xbf16>,
      %add3A_1820 = arith.constant 1 : i32
      %add3A_1821 = arith.addi %while3A_1794, %add3A_1820 : i32
      %gt3A_1822 = arith.constant 0.000000e+00 : f32
      %gt3A_1823 = arith.cmpf ogt, %reduce_sum3A_1816, %gt3A_1822 : f32
      %convert_element_type3A_1824 = arith.extui %gt3A_1823 : i1 to i32
      scf.yield %add3A_1821, %convert_element_type3A_1824 : i32, i32
    }
    %get3A_249 = arith.constant 0 : index
    %get3A_250 = arith.constant 0 : index
    %get3A_251 = vector.load %arg8[%get3A_249, %get3A_250] : memref<1000x1xbf16, #tpu.memory_space<vmem>>, vector<1000x1xbf16>
    %get3A_252 = arith.constant 0 : index
    %get3A_253 = arith.constant 0 : index
    %get3A_254 = vector.load %arg6[%get3A_252, %get3A_253] : memref<1000x1000xbf16, #tpu.memory_space<vmem>>, vector<1000x1000xbf16>
    %dot_general3A = arith.constant dense<0.000000e+00> : vector<1000x1xf32>
    %dot_general3A_255 = tpu.matmul %get3A_254, %get3A_251, %dot_general3A {dimension_numbers = #tpu.dot_dimension_numbers<[1], [0], [0], [1], [0, 0, 1, 1], [], []>, transpose_lhs_hint = false} : vector<1000x1000xbf16>, vector<1000x1xbf16>, vector<1000x1xf32> -> vector<1000x1xf32>
    %convert_element_type3A_256 = arith.extf %get3A_251 : vector<1000x1xbf16> to vector<1000x1xf32>
    %gt3A_257 = arith.constant 0.000000e+00 : f32
    %gt3A_258 = vector.broadcast %gt3A_257 : f32 to vector<1000x1xf32>
    %gt3A_259 = arith.cmpf ogt, %convert_element_type3A_256, %gt3A_258 : vector<1000x1xf32>
    %lt3A_260 = arith.constant 4.000000e+02 : f32
    %lt3A_261 = vector.broadcast %lt3A_260 : f32 to vector<1000x1xf32>
    %lt3A_262 = arith.cmpf olt, %dot_general3A_255, %lt3A_261 : vector<1000x1xf32>
    %and3A_263 = arith.andi %gt3A_259, %lt3A_262 : vector<1000x1xi1>
    %jit3A_264 = arith.constant 5.110000e+02 : f32
    %broadcast_in_dim3A_265 = vector.broadcast %jit3A_264 : f32 to vector<1000x1xf32>
    %select_n3A_266 = arith.select %and3A_263, %dot_general3A_255, %broadcast_in_dim3A_265 : vector<1000x1xi1>, vector<1000x1xf32>
    %convert_element_type3A_267 = arith.fptosi %select_n3A_266 : vector<1000x1xf32> to vector<1000x1xi32>
    %swap3A_268 = arith.constant 0 : index
    %swap3A_269 = arith.constant 0 : index
    %swap3A_270 = arith.constant 0 : index
    %swap3A_271 = vector.load %arg4[%swap3A_268, %swap3A_269, %swap3A_270] : memref<1x1024x32xi32, #tpu.memory_space<vmem>>, vector<1x1000x1xi32>
    %swap3A_272 = vector.shape_cast %swap3A_271 : vector<1x1000x1xi32> to vector<1000x1xi32>
    %swap3A_273 = vector.shape_cast %convert_element_type3A_267 : vector<1000x1xi32> to vector<1x1000x1xi32>
    tpu.vector_store %arg4[%swap3A_268, %swap3A_269, %swap3A_270], %swap3A_273 {strides = array<i32>} : memref<1x1024x32xi32, #tpu.memory_space<vmem>>, vector<1x1000x1xi32>,
    %slice3A_274 = vector.extract_strided_slice %get3A_3 {offsets = [0, 2], sizes = [1000, 1], strides = [1, 1]} : vector<1000x33xf32> to vector<1000x1xf32>
    %slice3A_275 = vector.extract_strided_slice %transpose3A {offsets = [2, 0], sizes = [1, 1000], strides = [1, 1]} : vector<33x1000xf32> to vector<1x1000xf32>
    %gt3A_276 = arith.constant 0.00999999977 : f32
    %gt3A_277 = vector.broadcast %gt3A_276 : f32 to vector<1000x1xf32>
    %gt3A_278 = arith.cmpf ogt, %slice3A_274, %gt3A_277 : vector<1000x1xf32>
    %convert_element_type3A_279 = arith.extui %gt3A_278 : vector<1000x1xi1> to vector<1000x1xi32>
    %convert_element_type3A_280 = arith.sitofp %convert_element_type3A_279 : vector<1000x1xi32> to vector<1000x1xf32>
    %convert_element_type3A_281 = arith.truncf %convert_element_type3A_280 : vector<1000x1xf32> to vector<1000x1xbf16>
    %gt3A_282 = vector.broadcast %slice3A_275 : vector<1x1000xf32> to vector<1000x1000xf32>
    %gt3A_283 = vector.broadcast %slice3A_274 : vector<1000x1xf32> to vector<1000x1000xf32>
    %gt3A_284 = arith.cmpf ogt, %gt3A_282, %gt3A_283 : vector<1000x1000xf32>
    %eq3A_285 = vector.broadcast %slice3A_275 : vector<1x1000xf32> to vector<1000x1000xf32>
    %eq3A_286 = vector.broadcast %slice3A_274 : vector<1000x1xf32> to vector<1000x1000xf32>
    %eq3A_287 = arith.cmpf oeq, %eq3A_285, %eq3A_286 : vector<1000x1000xf32>
    %lt3A_288 = arith.cmpi slt, %iota3A_163, %iota3A : vector<1000x1000xi32>
    %and3A_289 = arith.andi %eq3A_287, %lt3A_288 : vector<1000x1000xi1>
    %or3A_290 = arith.ori %gt3A_284, %and3A_289 : vector<1000x1000xi1>
    %convert_element_type3A_291 = arith.extui %or3A_290 : vector<1000x1000xi1> to vector<1000x1000xi32>
    %convert_element_type3A_292 = arith.sitofp %convert_element_type3A_291 : vector<1000x1000xi32> to vector<1000x1000xf32>
    %convert_element_type3A_293 = arith.truncf %convert_element_type3A_292 : vector<1000x1000xf32> to vector<1000x1000xbf16>
    %swap3A_294 = arith.constant 0 : index
    %swap3A_295 = arith.constant 0 : index
    %swap3A_296 = vector.load %arg6[%swap3A_294, %swap3A_295] : memref<1000x1000xbf16, #tpu.memory_space<vmem>>, vector<1000x1000xbf16>
    tpu.vector_store %arg6[%swap3A_294, %swap3A_295], %convert_element_type3A_293 {strides = array<i32>} : memref<1000x1000xbf16, #tpu.memory_space<vmem>>, vector<1000x1000xbf16>,
    %gt3A_297 = arith.constant 0.00999999977 : f32
    %gt3A_298 = vector.broadcast %gt3A_297 : f32 to vector<1x1000xf32>
    %gt3A_299 = arith.cmpf ogt, %slice3A_275, %gt3A_298 : vector<1x1000xf32>
    %convert_element_type3A_300 = arith.extui %gt3A_299 : vector<1x1000xi1> to vector<1x1000xi32>
    %convert_element_type3A_301 = arith.sitofp %convert_element_type3A_300 : vector<1x1000xi32> to vector<1x1000xf32>
    %convert_element_type3A_302 = arith.truncf %convert_element_type3A_301 : vector<1x1000xf32> to vector<1x1000xbf16>
    %get3A_303 = arith.constant 0 : index
    %get3A_304 = arith.constant 0 : index
    %get3A_305 = vector.load %arg5[%get3A_303, %get3A_304] : memref<1000x1000xbf16, #tpu.memory_space<vmem>>, vector<1000x1000xbf16>
    %mul3A_306 = vector.broadcast %convert_element_type3A_302 : vector<1x1000xbf16> to vector<1000x1000xbf16>
    %mul3A_307 = arith.mulf %get3A_305, %mul3A_306 : vector<1000x1000xbf16>
    %mul3A_308 = arith.mulf %convert_element_type3A_293, %mul3A_307 : vector<1000x1000xbf16>
    %swap3A_309 = arith.constant 0 : index
    %swap3A_310 = arith.constant 0 : index
    %swap3A_311 = vector.load %arg7[%swap3A_309, %swap3A_310] : memref<1000x1000xbf16, #tpu.memory_space<vmem>>, vector<1000x1000xbf16>
    tpu.vector_store %arg7[%swap3A_309, %swap3A_310], %mul3A_308 {strides = array<i32>} : memref<1000x1000xbf16, #tpu.memory_space<vmem>>, vector<1000x1000xbf16>,
    %reduce_max3A_312 = arith.constant dense<0xFF80> : vector<1000xbf16>
    %reduce_max3A_313 = vector.multi_reduction <maximumf>, %mul3A_308, %reduce_max3A_312 [1] : vector<1000x1000xbf16> to vector<1000xbf16>
    %broadcast_in_dim3A_314 = vector.shape_cast %reduce_max3A_313 : vector<1000xbf16> to vector<1000x1xbf16>
    %eq3A_315 = arith.constant 0.000000e+00 : bf16
    %eq3A_316 = vector.broadcast %eq3A_315 : bf16 to vector<1000x1xbf16>
    %eq3A_317 = arith.cmpf oeq, %broadcast_in_dim3A_314, %eq3A_316 : vector<1000x1xbf16>
    %convert_element_type3A_318 = arith.extui %eq3A_317 : vector<1000x1xi1> to vector<1000x1xi32>
    %convert_element_type3A_319 = arith.sitofp %convert_element_type3A_318 : vector<1000x1xi32> to vector<1000x1xf32>
    %convert_element_type3A_320 = arith.truncf %convert_element_type3A_319 : vector<1000x1xf32> to vector<1000x1xbf16>
    %mul3A_321 = arith.mulf %convert_element_type3A_281, %convert_element_type3A_320 : vector<1000x1xbf16>
    %swap3A_322 = arith.constant 0 : index
    %swap3A_323 = arith.constant 0 : index
    %swap3A_324 = vector.load %arg8[%swap3A_322, %swap3A_323] : memref<1000x1xbf16, #tpu.memory_space<vmem>>, vector<1000x1xbf16>
    tpu.vector_store %arg8[%swap3A_322, %swap3A_323], %mul3A_321 {strides = array<i32>} : memref<1000x1xbf16, #tpu.memory_space<vmem>>, vector<1000x1xbf16>,
    %while3A_325 = arith.constant 0 : i32
    %while3A_326 = arith.constant 1 : i32
    %while3A_327:2 = scf.while (%while3A_1794 = %while3A_325, %while3A_1795 = %while3A_326) : (i32, i32) -> (i32, i32) {
      %gt3A_1796 = arith.constant 0 : i32
      %gt3A_1797 = arith.cmpi sgt, %while3A_1795, %gt3A_1796 : i32
      scf.condition(%gt3A_1797) %while3A_1794, %while3A_1795 : i32, i32
    } do {
    ^bb0(%while3A_1794: i32, %while3A_1795: i32):
      %get3A_1796 = arith.constant 0 : index
      %get3A_1797 = arith.constant 0 : index
      %get3A_1798 = vector.load %arg8[%get3A_1796, %get3A_1797] : memref<1000x1xbf16, #tpu.memory_space<vmem>>, vector<1000x1xbf16>
      %get3A_1799 = arith.constant 0 : index
      %get3A_1800 = arith.constant 0 : index
      %get3A_1801 = vector.load %arg7[%get3A_1799, %get3A_1800] : memref<1000x1000xbf16, #tpu.memory_space<vmem>>, vector<1000x1000xbf16>
      %dot_general3A_1802 = arith.constant dense<0.000000e+00> : vector<1000x1xf32>
      %dot_general3A_1803 = tpu.matmul %get3A_1801, %get3A_1798, %dot_general3A_1802 {dimension_numbers = #tpu.dot_dimension_numbers<[1], [0], [0], [1], [0, 0, 1, 1], [], []>, transpose_lhs_hint = false} : vector<1000x1000xbf16>, vector<1000x1xbf16>, vector<1000x1xf32> -> vector<1000x1xf32>
      %eq3A_1804 = arith.constant 0.000000e+00 : f32
      %eq3A_1805 = vector.broadcast %eq3A_1804 : f32 to vector<1000x1xf32>
      %eq3A_1806 = arith.cmpf oeq, %dot_general3A_1803, %eq3A_1805 : vector<1000x1xf32>
      %convert_element_type3A_1807 = arith.extui %eq3A_1806 : vector<1000x1xi1> to vector<1000x1xi32>
      %convert_element_type3A_1808 = arith.sitofp %convert_element_type3A_1807 : vector<1000x1xi32> to vector<1000x1xf32>
      %convert_element_type3A_1809 = arith.truncf %convert_element_type3A_1808 : vector<1000x1xf32> to vector<1000x1xbf16>
      %mul3A_1810 = arith.mulf %convert_element_type3A_281, %convert_element_type3A_1809 : vector<1000x1xbf16>
      %sub3A_1811 = arith.subf %mul3A_1810, %get3A_1798 : vector<1000x1xbf16>
      %convert_element_type3A_1812 = arith.extf %sub3A_1811 : vector<1000x1xbf16> to vector<1000x1xf32>
      %abs3A = math.absf %convert_element_type3A_1812 : vector<1000x1xf32>
      %reduce_sum3A = vector.shape_cast %abs3A : vector<1000x1xf32> to vector<1x1000x1xf32>
      %reduce_sum3A_1813 = arith.constant dense<0.000000e+00> : vector<1xf32>
      %reduce_sum3A_1814 = vector.multi_reduction <add>, %reduce_sum3A, %reduce_sum3A_1813 [1, 2] : vector<1x1000x1xf32> to vector<1xf32>
      %reduce_sum3A_1815 = vector.shape_cast %reduce_sum3A_1814 : vector<1xf32> to vector<1x1x1xf32>
      %reduce_sum3A_1816 = vector.extract %reduce_sum3A_1815[0, 0, 0] : f32 from vector<1x1x1xf32>
      %swap3A_1817 = arith.constant 0 : index
      %swap3A_1818 = arith.constant 0 : index
      %swap3A_1819 = vector.load %arg8[%swap3A_1817, %swap3A_1818] : memref<1000x1xbf16, #tpu.memory_space<vmem>>, vector<1000x1xbf16>
      tpu.vector_store %arg8[%swap3A_1817, %swap3A_1818], %mul3A_1810 {strides = array<i32>} : memref<1000x1xbf16, #tpu.memory_space<vmem>>, vector<1000x1xbf16>,
      %add3A_1820 = arith.constant 1 : i32
      %add3A_1821 = arith.addi %while3A_1794, %add3A_1820 : i32
      %gt3A_1822 = arith.constant 0.000000e+00 : f32
      %gt3A_1823 = arith.cmpf ogt, %reduce_sum3A_1816, %gt3A_1822 : f32
      %convert_element_type3A_1824 = arith.extui %gt3A_1823 : i1 to i32
      scf.yield %add3A_1821, %convert_element_type3A_1824 : i32, i32
    }
    %get3A_328 = arith.constant 0 : index
    %get3A_329 = arith.constant 0 : index
    %get3A_330 = vector.load %arg8[%get3A_328, %get3A_329] : memref<1000x1xbf16, #tpu.memory_space<vmem>>, vector<1000x1xbf16>
    %get3A_331 = arith.constant 0 : index
    %get3A_332 = arith.constant 0 : index
    %get3A_333 = vector.load %arg6[%get3A_331, %get3A_332] : memref<1000x1000xbf16, #tpu.memory_space<vmem>>, vector<1000x1000xbf16>
    %dot_general3A_334 = arith.constant dense<0.000000e+00> : vector<1000x1xf32>
    %dot_general3A_335 = tpu.matmul %get3A_333, %get3A_330, %dot_general3A_334 {dimension_numbers = #tpu.dot_dimension_numbers<[1], [0], [0], [1], [0, 0, 1, 1], [], []>, transpose_lhs_hint = false} : vector<1000x1000xbf16>, vector<1000x1xbf16>, vector<1000x1xf32> -> vector<1000x1xf32>
    %convert_element_type3A_336 = arith.extf %get3A_330 : vector<1000x1xbf16> to vector<1000x1xf32>
    %gt3A_337 = arith.constant 0.000000e+00 : f32
    %gt3A_338 = vector.broadcast %gt3A_337 : f32 to vector<1000x1xf32>
    %gt3A_339 = arith.cmpf ogt, %convert_element_type3A_336, %gt3A_338 : vector<1000x1xf32>
    %lt3A_340 = arith.constant 4.000000e+02 : f32
    %lt3A_341 = vector.broadcast %lt3A_340 : f32 to vector<1000x1xf32>
    %lt3A_342 = arith.cmpf olt, %dot_general3A_335, %lt3A_341 : vector<1000x1xf32>
    %and3A_343 = arith.andi %gt3A_339, %lt3A_342 : vector<1000x1xi1>
    %jit3A_344 = arith.constant 5.110000e+02 : f32
    %broadcast_in_dim3A_345 = vector.broadcast %jit3A_344 : f32 to vector<1000x1xf32>
    %select_n3A_346 = arith.select %and3A_343, %dot_general3A_335, %broadcast_in_dim3A_345 : vector<1000x1xi1>, vector<1000x1xf32>
    %convert_element_type3A_347 = arith.fptosi %select_n3A_346 : vector<1000x1xf32> to vector<1000x1xi32>
    %swap3A_348 = arith.constant 0 : index
    %swap3A_349 = arith.constant 0 : index
    %swap3A_350 = arith.constant 1 : index
    %swap3A_351 = vector.load %arg4[%swap3A_348, %swap3A_349, %swap3A_350] : memref<1x1024x32xi32, #tpu.memory_space<vmem>>, vector<1x1000x1xi32>
    %swap3A_352 = vector.shape_cast %swap3A_351 : vector<1x1000x1xi32> to vector<1000x1xi32>
    %swap3A_353 = vector.shape_cast %convert_element_type3A_347 : vector<1000x1xi32> to vector<1x1000x1xi32>
    tpu.vector_store %arg4[%swap3A_348, %swap3A_349, %swap3A_350], %swap3A_353 {strides = array<i32>} : memref<1x1024x32xi32, #tpu.memory_space<vmem>>, vector<1x1000x1xi32>,
    %slice3A_354 = vector.extract_strided_slice %get3A_3 {offsets = [0, 3], sizes = [1000, 1], strides = [1, 1]} : vector<1000x33xf32> to vector<1000x1xf32>
    %slice3A_355 = vector.extract_strided_slice %transpose3A {offsets = [3, 0], sizes = [1, 1000], strides = [1, 1]} : vector<33x1000xf32> to vector<1x1000xf32>
    %gt3A_356 = arith.constant 0.00999999977 : f32
    %gt3A_357 = vector.broadcast %gt3A_356 : f32 to vector<1000x1xf32>
    %gt3A_358 = arith.cmpf ogt, %slice3A_354, %gt3A_357 : vector<1000x1xf32>
    %convert_element_type3A_359 = arith.extui %gt3A_358 : vector<1000x1xi1> to vector<1000x1xi32>
    %convert_element_type3A_360 = arith.sitofp %convert_element_type3A_359 : vector<1000x1xi32> to vector<1000x1xf32>
    %convert_element_type3A_361 = arith.truncf %convert_element_type3A_360 : vector<1000x1xf32> to vector<1000x1xbf16>
    %gt3A_362 = vector.broadcast %slice3A_355 : vector<1x1000xf32> to vector<1000x1000xf32>
    %gt3A_363 = vector.broadcast %slice3A_354 : vector<1000x1xf32> to vector<1000x1000xf32>
    %gt3A_364 = arith.cmpf ogt, %gt3A_362, %gt3A_363 : vector<1000x1000xf32>
    %eq3A_365 = vector.broadcast %slice3A_355 : vector<1x1000xf32> to vector<1000x1000xf32>
    %eq3A_366 = vector.broadcast %slice3A_354 : vector<1000x1xf32> to vector<1000x1000xf32>
    %eq3A_367 = arith.cmpf oeq, %eq3A_365, %eq3A_366 : vector<1000x1000xf32>
    %lt3A_368 = arith.cmpi slt, %iota3A_163, %iota3A : vector<1000x1000xi32>
    %and3A_369 = arith.andi %eq3A_367, %lt3A_368 : vector<1000x1000xi1>
    %or3A_370 = arith.ori %gt3A_364, %and3A_369 : vector<1000x1000xi1>
    %convert_element_type3A_371 = arith.extui %or3A_370 : vector<1000x1000xi1> to vector<1000x1000xi32>
    %convert_element_type3A_372 = arith.sitofp %convert_element_type3A_371 : vector<1000x1000xi32> to vector<1000x1000xf32>
    %convert_element_type3A_373 = arith.truncf %convert_element_type3A_372 : vector<1000x1000xf32> to vector<1000x1000xbf16>
    %swap3A_374 = arith.constant 0 : index
    %swap3A_375 = arith.constant 0 : index
    %swap3A_376 = vector.load %arg6[%swap3A_374, %swap3A_375] : memref<1000x1000xbf16, #tpu.memory_space<vmem>>, vector<1000x1000xbf16>
    tpu.vector_store %arg6[%swap3A_374, %swap3A_375], %convert_element_type3A_373 {strides = array<i32>} : memref<1000x1000xbf16, #tpu.memory_space<vmem>>, vector<1000x1000xbf16>,
    %gt3A_377 = arith.constant 0.00999999977 : f32
    %gt3A_378 = vector.broadcast %gt3A_377 : f32 to vector<1x1000xf32>
    %gt3A_379 = arith.cmpf ogt, %slice3A_355, %gt3A_378 : vector<1x1000xf32>
    %convert_element_type3A_380 = arith.extui %gt3A_379 : vector<1x1000xi1> to vector<1x1000xi32>
    %convert_element_type3A_381 = arith.sitofp %convert_element_type3A_380 : vector<1x1000xi32> to vector<1x1000xf32>
    %convert_element_type3A_382 = arith.truncf %convert_element_type3A_381 : vector<1x1000xf32> to vector<1x1000xbf16>
    %get3A_383 = arith.constant 0 : index
    %get3A_384 = arith.constant 0 : index
    %get3A_385 = vector.load %arg5[%get3A_383, %get3A_384] : memref<1000x1000xbf16, #tpu.memory_space<vmem>>, vector<1000x1000xbf16>
    %mul3A_386 = vector.broadcast %convert_element_type3A_382 : vector<1x1000xbf16> to vector<1000x1000xbf16>
    %mul3A_387 = arith.mulf %get3A_385, %mul3A_386 : vector<1000x1000xbf16>
    %mul3A_388 = arith.mulf %convert_element_type3A_373, %mul3A_387 : vector<1000x1000xbf16>
    %swap3A_389 = arith.constant 0 : index
    %swap3A_390 = arith.constant 0 : index
    %swap3A_391 = vector.load %arg7[%swap3A_389, %swap3A_390] : memref<1000x1000xbf16, #tpu.memory_space<vmem>>, vector<1000x1000xbf16>
    tpu.vector_store %arg7[%swap3A_389, %swap3A_390], %mul3A_388 {strides = array<i32>} : memref<1000x1000xbf16, #tpu.memory_space<vmem>>, vector<1000x1000xbf16>,
    %reduce_max3A_392 = arith.constant dense<0xFF80> : vector<1000xbf16>
    %reduce_max3A_393 = vector.multi_reduction <maximumf>, %mul3A_388, %reduce_max3A_392 [1] : vector<1000x1000xbf16> to vector<1000xbf16>
    %broadcast_in_dim3A_394 = vector.shape_cast %reduce_max3A_393 : vector<1000xbf16> to vector<1000x1xbf16>
    %eq3A_395 = arith.constant 0.000000e+00 : bf16
    %eq3A_396 = vector.broadcast %eq3A_395 : bf16 to vector<1000x1xbf16>
    %eq3A_397 = arith.cmpf oeq, %broadcast_in_dim3A_394, %eq3A_396 : vector<1000x1xbf16>
    %convert_element_type3A_398 = arith.extui %eq3A_397 : vector<1000x1xi1> to vector<1000x1xi32>
    %convert_element_type3A_399 = arith.sitofp %convert_element_type3A_398 : vector<1000x1xi32> to vector<1000x1xf32>
    %convert_element_type3A_400 = arith.truncf %convert_element_type3A_399 : vector<1000x1xf32> to vector<1000x1xbf16>
    %mul3A_401 = arith.mulf %convert_element_type3A_361, %convert_element_type3A_400 : vector<1000x1xbf16>
    %swap3A_402 = arith.constant 0 : index
    %swap3A_403 = arith.constant 0 : index
    %swap3A_404 = vector.load %arg8[%swap3A_402, %swap3A_403] : memref<1000x1xbf16, #tpu.memory_space<vmem>>, vector<1000x1xbf16>
    tpu.vector_store %arg8[%swap3A_402, %swap3A_403], %mul3A_401 {strides = array<i32>} : memref<1000x1xbf16, #tpu.memory_space<vmem>>, vector<1000x1xbf16>,
    %while3A_405 = arith.constant 0 : i32
    %while3A_406 = arith.constant 1 : i32
    %while3A_407:2 = scf.while (%while3A_1794 = %while3A_405, %while3A_1795 = %while3A_406) : (i32, i32) -> (i32, i32) {
      %gt3A_1796 = arith.constant 0 : i32
      %gt3A_1797 = arith.cmpi sgt, %while3A_1795, %gt3A_1796 : i32
      scf.condition(%gt3A_1797) %while3A_1794, %while3A_1795 : i32, i32
    } do {
    ^bb0(%while3A_1794: i32, %while3A_1795: i32):
      %get3A_1796 = arith.constant 0 : index
      %get3A_1797 = arith.constant 0 : index
      %get3A_1798 = vector.load %arg8[%get3A_1796, %get3A_1797] : memref<1000x1xbf16, #tpu.memory_space<vmem>>, vector<1000x1xbf16>
      %get3A_1799 = arith.constant 0 : index
      %get3A_1800 = arith.constant 0 : index
      %get3A_1801 = vector.load %arg7[%get3A_1799, %get3A_1800] : memref<1000x1000xbf16, #tpu.memory_space<vmem>>, vector<1000x1000xbf16>
      %dot_general3A_1802 = arith.constant dense<0.000000e+00> : vector<1000x1xf32>
      %dot_general3A_1803 = tpu.matmul %get3A_1801, %get3A_1798, %dot_general3A_1802 {dimension_numbers = #tpu.dot_dimension_numbers<[1], [0], [0], [1], [0, 0, 1, 1], [], []>, transpose_lhs_hint = false} : vector<1000x1000xbf16>, vector<1000x1xbf16>, vector<1000x1xf32> -> vector<1000x1xf32>
      %eq3A_1804 = arith.constant 0.000000e+00 : f32
      %eq3A_1805 = vector.broadcast %eq3A_1804 : f32 to vector<1000x1xf32>
      %eq3A_1806 = arith.cmpf oeq, %dot_general3A_1803, %eq3A_1805 : vector<1000x1xf32>
      %convert_element_type3A_1807 = arith.extui %eq3A_1806 : vector<1000x1xi1> to vector<1000x1xi32>
      %convert_element_type3A_1808 = arith.sitofp %convert_element_type3A_1807 : vector<1000x1xi32> to vector<1000x1xf32>
      %convert_element_type3A_1809 = arith.truncf %convert_element_type3A_1808 : vector<1000x1xf32> to vector<1000x1xbf16>
      %mul3A_1810 = arith.mulf %convert_element_type3A_361, %convert_element_type3A_1809 : vector<1000x1xbf16>
      %sub3A_1811 = arith.subf %mul3A_1810, %get3A_1798 : vector<1000x1xbf16>
      %convert_element_type3A_1812 = arith.extf %sub3A_1811 : vector<1000x1xbf16> to vector<1000x1xf32>
      %abs3A = math.absf %convert_element_type3A_1812 : vector<1000x1xf32>
      %reduce_sum3A = vector.shape_cast %abs3A : vector<1000x1xf32> to vector<1x1000x1xf32>
      %reduce_sum3A_1813 = arith.constant dense<0.000000e+00> : vector<1xf32>
      %reduce_sum3A_1814 = vector.multi_reduction <add>, %reduce_sum3A, %reduce_sum3A_1813 [1, 2] : vector<1x1000x1xf32> to vector<1xf32>
      %reduce_sum3A_1815 = vector.shape_cast %reduce_sum3A_1814 : vector<1xf32> to vector<1x1x1xf32>
      %reduce_sum3A_1816 = vector.extract %reduce_sum3A_1815[0, 0, 0] : f32 from vector<1x1x1xf32>
      %swap3A_1817 = arith.constant 0 : index
      %swap3A_1818 = arith.constant 0 : index
      %swap3A_1819 = vector.load %arg8[%swap3A_1817, %swap3A_1818] : memref<1000x1xbf16, #tpu.memory_space<vmem>>, vector<1000x1xbf16>
      tpu.vector_store %arg8[%swap3A_1817, %swap3A_1818], %mul3A_1810 {strides = array<i32>} : memref<1000x1xbf16, #tpu.memory_space<vmem>>, vector<1000x1xbf16>,
      %add3A_1820 = arith.constant 1 : i32
      %add3A_1821 = arith.addi %while3A_1794, %add3A_1820 : i32
      %gt3A_1822 = arith.constant 0.000000e+00 : f32
      %gt3A_1823 = arith.cmpf ogt, %reduce_sum3A_1816, %gt3A_1822 : f32
      %convert_element_type3A_1824 = arith.extui %gt3A_1823 : i1 to i32
      scf.yield %add3A_1821, %convert_element_type3A_1824 : i32, i32
    }
    %get3A_408 = arith.constant 0 : index
    %get3A_409 = arith.constant 0 : index
    %get3A_410 = vector.load %arg8[%get3A_408, %get3A_409] : memref<1000x1xbf16, #tpu.memory_space<vmem>>, vector<1000x1xbf16>
    %get3A_411 = arith.constant 0 : index
    %get3A_412 = arith.constant 0 : index
    %get3A_413 = vector.load %arg6[%get3A_411, %get3A_412] : memref<1000x1000xbf16, #tpu.memory_space<vmem>>, vector<1000x1000xbf16>
    %dot_general3A_414 = arith.constant dense<0.000000e+00> : vector<1000x1xf32>
    %dot_general3A_415 = tpu.matmul %get3A_413, %get3A_410, %dot_general3A_414 {dimension_numbers = #tpu.dot_dimension_numbers<[1], [0], [0], [1], [0, 0, 1, 1], [], []>, transpose_lhs_hint = false} : vector<1000x1000xbf16>, vector<1000x1xbf16>, vector<1000x1xf32> -> vector<1000x1xf32>
    %convert_element_type3A_416 = arith.extf %get3A_410 : vector<1000x1xbf16> to vector<1000x1xf32>
    %gt3A_417 = arith.constant 0.000000e+00 : f32
    %gt3A_418 = vector.broadcast %gt3A_417 : f32 to vector<1000x1xf32>
    %gt3A_419 = arith.cmpf ogt, %convert_element_type3A_416, %gt3A_418 : vector<1000x1xf32>
    %lt3A_420 = arith.constant 4.000000e+02 : f32
    %lt3A_421 = vector.broadcast %lt3A_420 : f32 to vector<1000x1xf32>
    %lt3A_422 = arith.cmpf olt, %dot_general3A_415, %lt3A_421 : vector<1000x1xf32>
    %and3A_423 = arith.andi %gt3A_419, %lt3A_422 : vector<1000x1xi1>
    %jit3A_424 = arith.constant 5.110000e+02 : f32
    %broadcast_in_dim3A_425 = vector.broadcast %jit3A_424 : f32 to vector<1000x1xf32>
    %select_n3A_426 = arith.select %and3A_423, %dot_general3A_415, %broadcast_in_dim3A_425 : vector<1000x1xi1>, vector<1000x1xf32>
    %convert_element_type3A_427 = arith.fptosi %select_n3A_426 : vector<1000x1xf32> to vector<1000x1xi32>
    %swap3A_428 = arith.constant 0 : index
    %swap3A_429 = arith.constant 0 : index
    %swap3A_430 = arith.constant 2 : index
    %swap3A_431 = vector.load %arg4[%swap3A_428, %swap3A_429, %swap3A_430] : memref<1x1024x32xi32, #tpu.memory_space<vmem>>, vector<1x1000x1xi32>
    %swap3A_432 = vector.shape_cast %swap3A_431 : vector<1x1000x1xi32> to vector<1000x1xi32>
    %swap3A_433 = vector.shape_cast %convert_element_type3A_427 : vector<1000x1xi32> to vector<1x1000x1xi32>
    tpu.vector_store %arg4[%swap3A_428, %swap3A_429, %swap3A_430], %swap3A_433 {strides = array<i32>} : memref<1x1024x32xi32, #tpu.memory_space<vmem>>, vector<1x1000x1xi32>,
    %slice3A_434 = vector.extract_strided_slice %get3A_3 {offsets = [0, 4], sizes = [1000, 1], strides = [1, 1]} : vector<1000x33xf32> to vector<1000x1xf32>
    %slice3A_435 = vector.extract_strided_slice %transpose3A {offsets = [4, 0], sizes = [1, 1000], strides = [1, 1]} : vector<33x1000xf32> to vector<1x1000xf32>
    %gt3A_436 = arith.constant 0.00999999977 : f32
    %gt3A_437 = vector.broadcast %gt3A_436 : f32 to vector<1000x1xf32>
    %gt3A_438 = arith.cmpf ogt, %slice3A_434, %gt3A_437 : vector<1000x1xf32>
    %convert_element_type3A_439 = arith.extui %gt3A_438 : vector<1000x1xi1> to vector<1000x1xi32>
    %convert_element_type3A_440 = arith.sitofp %convert_element_type3A_439 : vector<1000x1xi32> to vector<1000x1xf32>
    %convert_element_type3A_441 = arith.truncf %convert_element_type3A_440 : vector<1000x1xf32> to vector<1000x1xbf16>
    %gt3A_442 = vector.broadcast %slice3A_435 : vector<1x1000xf32> to vector<1000x1000xf32>
    %gt3A_443 = vector.broadcast %slice3A_434 : vector<1000x1xf32> to vector<1000x1000xf32>
    %gt3A_444 = arith.cmpf ogt, %gt3A_442, %gt3A_443 : vector<1000x1000xf32>
    %eq3A_445 = vector.broadcast %slice3A_435 : vector<1x1000xf32> to vector<1000x1000xf32>
    %eq3A_446 = vector.broadcast %slice3A_434 : vector<1000x1xf32> to vector<1000x1000xf32>
    %eq3A_447 = arith.cmpf oeq, %eq3A_445, %eq3A_446 : vector<1000x1000xf32>
    %lt3A_448 = arith.cmpi slt, %iota3A_163, %iota3A : vector<1000x1000xi32>
    %and3A_449 = arith.andi %eq3A_447, %lt3A_448 : vector<1000x1000xi1>
    %or3A_450 = arith.ori %gt3A_444, %and3A_449 : vector<1000x1000xi1>
    %convert_element_type3A_451 = arith.extui %or3A_450 : vector<1000x1000xi1> to vector<1000x1000xi32>
    %convert_element_type3A_452 = arith.sitofp %convert_element_type3A_451 : vector<1000x1000xi32> to vector<1000x1000xf32>
    %convert_element_type3A_453 = arith.truncf %convert_element_type3A_452 : vector<1000x1000xf32> to vector<1000x1000xbf16>
    %swap3A_454 = arith.constant 0 : index
    %swap3A_455 = arith.constant 0 : index
    %swap3A_456 = vector.load %arg6[%swap3A_454, %swap3A_455] : memref<1000x1000xbf16, #tpu.memory_space<vmem>>, vector<1000x1000xbf16>
    tpu.vector_store %arg6[%swap3A_454, %swap3A_455], %convert_element_type3A_453 {strides = array<i32>} : memref<1000x1000xbf16, #tpu.memory_space<vmem>>, vector<1000x1000xbf16>,
    %gt3A_457 = arith.constant 0.00999999977 : f32
    %gt3A_458 = vector.broadcast %gt3A_457 : f32 to vector<1x1000xf32>
    %gt3A_459 = arith.cmpf ogt, %slice3A_435, %gt3A_458 : vector<1x1000xf32>
    %convert_element_type3A_460 = arith.extui %gt3A_459 : vector<1x1000xi1> to vector<1x1000xi32>
    %convert_element_type3A_461 = arith.sitofp %convert_element_type3A_460 : vector<1x1000xi32> to vector<1x1000xf32>
    %convert_element_type3A_462 = arith.truncf %convert_element_type3A_461 : vector<1x1000xf32> to vector<1x1000xbf16>
    %get3A_463 = arith.constant 0 : index
    %get3A_464 = arith.constant 0 : index
    %get3A_465 = vector.load %arg5[%get3A_463, %get3A_464] : memref<1000x1000xbf16, #tpu.memory_space<vmem>>, vector<1000x1000xbf16>
    %mul3A_466 = vector.broadcast %convert_element_type3A_462 : vector<1x1000xbf16> to vector<1000x1000xbf16>
    %mul3A_467 = arith.mulf %get3A_465, %mul3A_466 : vector<1000x1000xbf16>
    %mul3A_468 = arith.mulf %convert_element_type3A_453, %mul3A_467 : vector<1000x1000xbf16>
    %swap3A_469 = arith.constant 0 : index
    %swap3A_470 = arith.constant 0 : index
    %swap3A_471 = vector.load %arg7[%swap3A_469, %swap3A_470] : memref<1000x1000xbf16, #tpu.memory_space<vmem>>, vector<1000x1000xbf16>
    tpu.vector_store %arg7[%swap3A_469, %swap3A_470], %mul3A_468 {strides = array<i32>} : memref<1000x1000xbf16, #tpu.memory_space<vmem>>, vector<1000x1000xbf16>,
    %reduce_max3A_472 = arith.constant dense<0xFF80> : vector<1000xbf16>
    %reduce_max3A_473 = vector.multi_reduction <maximumf>, %mul3A_468, %reduce_max3A_472 [1] : vector<1000x1000xbf16> to vector<1000xbf16>
    %broadcast_in_dim3A_474 = vector.shape_cast %reduce_max3A_473 : vector<1000xbf16> to vector<1000x1xbf16>
    %eq3A_475 = arith.constant 0.000000e+00 : bf16
    %eq3A_476 = vector.broadcast %eq3A_475 : bf16 to vector<1000x1xbf16>
    %eq3A_477 = arith.cmpf oeq, %broadcast_in_dim3A_474, %eq3A_476 : vector<1000x1xbf16>
    %convert_element_type3A_478 = arith.extui %eq3A_477 : vector<1000x1xi1> to vector<1000x1xi32>
    %convert_element_type3A_479 = arith.sitofp %convert_element_type3A_478 : vector<1000x1xi32> to vector<1000x1xf32>
    %convert_element_type3A_480 = arith.truncf %convert_element_type3A_479 : vector<1000x1xf32> to vector<1000x1xbf16>
    %mul3A_481 = arith.mulf %convert_element_type3A_441, %convert_element_type3A_480 : vector<1000x1xbf16>
    %swap3A_482 = arith.constant 0 : index
    %swap3A_483 = arith.constant 0 : index
    %swap3A_484 = vector.load %arg8[%swap3A_482, %swap3A_483] : memref<1000x1xbf16, #tpu.memory_space<vmem>>, vector<1000x1xbf16>
    tpu.vector_store %arg8[%swap3A_482, %swap3A_483], %mul3A_481 {strides = array<i32>} : memref<1000x1xbf16, #tpu.memory_space<vmem>>, vector<1000x1xbf16>,
    %while3A_485 = arith.constant 0 : i32
    %while3A_486 = arith.constant 1 : i32
    %while3A_487:2 = scf.while (%while3A_1794 = %while3A_485, %while3A_1795 = %while3A_486) : (i32, i32) -> (i32, i32) {
      %gt3A_1796 = arith.constant 0 : i32
      %gt3A_1797 = arith.cmpi sgt, %while3A_1795, %gt3A_1796 : i32
      scf.condition(%gt3A_1797) %while3A_1794, %while3A_1795 : i32, i32
    } do {
    ^bb0(%while3A_1794: i32, %while3A_1795: i32):
      %get3A_1796 = arith.constant 0 : index
      %get3A_1797 = arith.constant 0 : index
      %get3A_1798 = vector.load %arg8[%get3A_1796, %get3A_1797] : memref<1000x1xbf16, #tpu.memory_space<vmem>>, vector<1000x1xbf16>
      %get3A_1799 = arith.constant 0 : index
      %get3A_1800 = arith.constant 0 : index
      %get3A_1801 = vector.load %arg7[%get3A_1799, %get3A_1800] : memref<1000x1000xbf16, #tpu.memory_space<vmem>>, vector<1000x1000xbf16>
      %dot_general3A_1802 = arith.constant dense<0.000000e+00> : vector<1000x1xf32>
      %dot_general3A_1803 = tpu.matmul %get3A_1801, %get3A_1798, %dot_general3A_1802 {dimension_numbers = #tpu.dot_dimension_numbers<[1], [0], [0], [1], [0, 0, 1, 1], [], []>, transpose_lhs_hint = false} : vector<1000x1000xbf16>, vector<1000x1xbf16>, vector<1000x1xf32> -> vector<1000x1xf32>
      %eq3A_1804 = arith.constant 0.000000e+00 : f32
      %eq3A_1805 = vector.broadcast %eq3A_1804 : f32 to vector<1000x1xf32>
      %eq3A_1806 = arith.cmpf oeq, %dot_general3A_1803, %eq3A_1805 : vector<1000x1xf32>
      %convert_element_type3A_1807 = arith.extui %eq3A_1806 : vector<1000x1xi1> to vector<1000x1xi32>
      %convert_element_type3A_1808 = arith.sitofp %convert_element_type3A_1807 : vector<1000x1xi32> to vector<1000x1xf32>
      %convert_element_type3A_1809 = arith.truncf %convert_element_type3A_1808 : vector<1000x1xf32> to vector<1000x1xbf16>
      %mul3A_1810 = arith.mulf %convert_element_type3A_441, %convert_element_type3A_1809 : vector<1000x1xbf16>
      %sub3A_1811 = arith.subf %mul3A_1810, %get3A_1798 : vector<1000x1xbf16>
      %convert_element_type3A_1812 = arith.extf %sub3A_1811 : vector<1000x1xbf16> to vector<1000x1xf32>
      %abs3A = math.absf %convert_element_type3A_1812 : vector<1000x1xf32>
      %reduce_sum3A = vector.shape_cast %abs3A : vector<1000x1xf32> to vector<1x1000x1xf32>
      %reduce_sum3A_1813 = arith.constant dense<0.000000e+00> : vector<1xf32>
      %reduce_sum3A_1814 = vector.multi_reduction <add>, %reduce_sum3A, %reduce_sum3A_1813 [1, 2] : vector<1x1000x1xf32> to vector<1xf32>
      %reduce_sum3A_1815 = vector.shape_cast %reduce_sum3A_1814 : vector<1xf32> to vector<1x1x1xf32>
      %reduce_sum3A_1816 = vector.extract %reduce_sum3A_1815[0, 0, 0] : f32 from vector<1x1x1xf32>
      %swap3A_1817 = arith.constant 0 : index
      %swap3A_1818 = arith.constant 0 : index
      %swap3A_1819 = vector.load %arg8[%swap3A_1817, %swap3A_1818] : memref<1000x1xbf16, #tpu.memory_space<vmem>>, vector<1000x1xbf16>
      tpu.vector_store %arg8[%swap3A_1817, %swap3A_1818], %mul3A_1810 {strides = array<i32>} : memref<1000x1xbf16, #tpu.memory_space<vmem>>, vector<1000x1xbf16>,
      %add3A_1820 = arith.constant 1 : i32
      %add3A_1821 = arith.addi %while3A_1794, %add3A_1820 : i32
      %gt3A_1822 = arith.constant 0.000000e+00 : f32
      %gt3A_1823 = arith.cmpf ogt, %reduce_sum3A_1816, %gt3A_1822 : f32
      %convert_element_type3A_1824 = arith.extui %gt3A_1823 : i1 to i32
      scf.yield %add3A_1821, %convert_element_type3A_1824 : i32, i32
    }
    %get3A_488 = arith.constant 0 : index
    %get3A_489 = arith.constant 0 : index
    %get3A_490 = vector.load %arg8[%get3A_488, %get3A_489] : memref<1000x1xbf16, #tpu.memory_space<vmem>>, vector<1000x1xbf16>
    %get3A_491 = arith.constant 0 : index
    %get3A_492 = arith.constant 0 : index
    %get3A_493 = vector.load %arg6[%get3A_491, %get3A_492] : memref<1000x1000xbf16, #tpu.memory_space<vmem>>, vector<1000x1000xbf16>
    %dot_general3A_494 = arith.constant dense<0.000000e+00> : vector<1000x1xf32>
    %dot_general3A_495 = tpu.matmul %get3A_493, %get3A_490, %dot_general3A_494 {dimension_numbers = #tpu.dot_dimension_numbers<[1], [0], [0], [1], [0, 0, 1, 1], [], []>, transpose_lhs_hint = false} : vector<1000x1000xbf16>, vector<1000x1xbf16>, vector<1000x1xf32> -> vector<1000x1xf32>
    %convert_element_type3A_496 = arith.extf %get3A_490 : vector<1000x1xbf16> to vector<1000x1xf32>
    %gt3A_497 = arith.constant 0.000000e+00 : f32
    %gt3A_498 = vector.broadcast %gt3A_497 : f32 to vector<1000x1xf32>
    %gt3A_499 = arith.cmpf ogt, %convert_element_type3A_496, %gt3A_498 : vector<1000x1xf32>
    %lt3A_500 = arith.constant 4.000000e+02 : f32
    %lt3A_501 = vector.broadcast %lt3A_500 : f32 to vector<1000x1xf32>
    %lt3A_502 = arith.cmpf olt, %dot_general3A_495, %lt3A_501 : vector<1000x1xf32>
    %and3A_503 = arith.andi %gt3A_499, %lt3A_502 : vector<1000x1xi1>
    %jit3A_504 = arith.constant 5.110000e+02 : f32
    %broadcast_in_dim3A_505 = vector.broadcast %jit3A_504 : f32 to vector<1000x1xf32>
    %select_n3A_506 = arith.select %and3A_503, %dot_general3A_495, %broadcast_in_dim3A_505 : vector<1000x1xi1>, vector<1000x1xf32>
    %convert_element_type3A_507 = arith.fptosi %select_n3A_506 : vector<1000x1xf32> to vector<1000x1xi32>
    %swap3A_508 = arith.constant 0 : index
    %swap3A_509 = arith.constant 0 : index
    %swap3A_510 = arith.constant 3 : index
    %swap3A_511 = vector.load %arg4[%swap3A_508, %swap3A_509, %swap3A_510] : memref<1x1024x32xi32, #tpu.memory_space<vmem>>, vector<1x1000x1xi32>
    %swap3A_512 = vector.shape_cast %swap3A_511 : vector<1x1000x1xi32> to vector<1000x1xi32>
    %swap3A_513 = vector.shape_cast %convert_element_type3A_507 : vector<1000x1xi32> to vector<1x1000x1xi32>
    tpu.vector_store %arg4[%swap3A_508, %swap3A_509, %swap3A_510], %swap3A_513 {strides = array<i32>} : memref<1x1024x32xi32, #tpu.memory_space<vmem>>, vector<1x1000x1xi32>,
    %slice3A_514 = vector.extract_strided_slice %get3A_3 {offsets = [0, 5], sizes = [1000, 1], strides = [1, 1]} : vector<1000x33xf32> to vector<1000x1xf32>
    %slice3A_515 = vector.extract_strided_slice %transpose3A {offsets = [5, 0], sizes = [1, 1000], strides = [1, 1]} : vector<33x1000xf32> to vector<1x1000xf32>
    %gt3A_516 = arith.constant 0.00999999977 : f32
    %gt3A_517 = vector.broadcast %gt3A_516 : f32 to vector<1000x1xf32>
    %gt3A_518 = arith.cmpf ogt, %slice3A_514, %gt3A_517 : vector<1000x1xf32>
    %convert_element_type3A_519 = arith.extui %gt3A_518 : vector<1000x1xi1> to vector<1000x1xi32>
    %convert_element_type3A_520 = arith.sitofp %convert_element_type3A_519 : vector<1000x1xi32> to vector<1000x1xf32>
    %convert_element_type3A_521 = arith.truncf %convert_element_type3A_520 : vector<1000x1xf32> to vector<1000x1xbf16>
    %gt3A_522 = vector.broadcast %slice3A_515 : vector<1x1000xf32> to vector<1000x1000xf32>
    %gt3A_523 = vector.broadcast %slice3A_514 : vector<1000x1xf32> to vector<1000x1000xf32>
    %gt3A_524 = arith.cmpf ogt, %gt3A_522, %gt3A_523 : vector<1000x1000xf32>
    %eq3A_525 = vector.broadcast %slice3A_515 : vector<1x1000xf32> to vector<1000x1000xf32>
    %eq3A_526 = vector.broadcast %slice3A_514 : vector<1000x1xf32> to vector<1000x1000xf32>
    %eq3A_527 = arith.cmpf oeq, %eq3A_525, %eq3A_526 : vector<1000x1000xf32>
    %lt3A_528 = arith.cmpi slt, %iota3A_163, %iota3A : vector<1000x1000xi32>
    %and3A_529 = arith.andi %eq3A_527, %lt3A_528 : vector<1000x1000xi1>
    %or3A_530 = arith.ori %gt3A_524, %and3A_529 : vector<1000x1000xi1>
    %convert_element_type3A_531 = arith.extui %or3A_530 : vector<1000x1000xi1> to vector<1000x1000xi32>
    %convert_element_type3A_532 = arith.sitofp %convert_element_type3A_531 : vector<1000x1000xi32> to vector<1000x1000xf32>
    %convert_element_type3A_533 = arith.truncf %convert_element_type3A_532 : vector<1000x1000xf32> to vector<1000x1000xbf16>
    %swap3A_534 = arith.constant 0 : index
    %swap3A_535 = arith.constant 0 : index
    %swap3A_536 = vector.load %arg6[%swap3A_534, %swap3A_535] : memref<1000x1000xbf16, #tpu.memory_space<vmem>>, vector<1000x1000xbf16>
    tpu.vector_store %arg6[%swap3A_534, %swap3A_535], %convert_element_type3A_533 {strides = array<i32>} : memref<1000x1000xbf16, #tpu.memory_space<vmem>>, vector<1000x1000xbf16>,
    %gt3A_537 = arith.constant 0.00999999977 : f32
    %gt3A_538 = vector.broadcast %gt3A_537 : f32 to vector<1x1000xf32>
    %gt3A_539 = arith.cmpf ogt, %slice3A_515, %gt3A_538 : vector<1x1000xf32>
    %convert_element_type3A_540 = arith.extui %gt3A_539 : vector<1x1000xi1> to vector<1x1000xi32>
    %convert_element_type3A_541 = arith.sitofp %convert_element_type3A_540 : vector<1x1000xi32> to vector<1x1000xf32>
    %convert_element_type3A_542 = arith.truncf %convert_element_type3A_541 : vector<1x1000xf32> to vector<1x1000xbf16>
    %get3A_543 = arith.constant 0 : index
    %get3A_544 = arith.constant 0 : index
    %get3A_545 = vector.load %arg5[%get3A_543, %get3A_544] : memref<1000x1000xbf16, #tpu.memory_space<vmem>>, vector<1000x1000xbf16>
    %mul3A_546 = vector.broadcast %convert_element_type3A_542 : vector<1x1000xbf16> to vector<1000x1000xbf16>
    %mul3A_547 = arith.mulf %get3A_545, %mul3A_546 : vector<1000x1000xbf16>
    %mul3A_548 = arith.mulf %convert_element_type3A_533, %mul3A_547 : vector<1000x1000xbf16>
    %swap3A_549 = arith.constant 0 : index
    %swap3A_550 = arith.constant 0 : index
    %swap3A_551 = vector.load %arg7[%swap3A_549, %swap3A_550] : memref<1000x1000xbf16, #tpu.memory_space<vmem>>, vector<1000x1000xbf16>
    tpu.vector_store %arg7[%swap3A_549, %swap3A_550], %mul3A_548 {strides = array<i32>} : memref<1000x1000xbf16, #tpu.memory_space<vmem>>, vector<1000x1000xbf16>,
    %reduce_max3A_552 = arith.constant dense<0xFF80> : vector<1000xbf16>
    %reduce_max3A_553 = vector.multi_reduction <maximumf>, %mul3A_548, %reduce_max3A_552 [1] : vector<1000x1000xbf16> to vector<1000xbf16>
    %broadcast_in_dim3A_554 = vector.shape_cast %reduce_max3A_553 : vector<1000xbf16> to vector<1000x1xbf16>
    %eq3A_555 = arith.constant 0.000000e+00 : bf16
    %eq3A_556 = vector.broadcast %eq3A_555 : bf16 to vector<1000x1xbf16>
    %eq3A_557 = arith.cmpf oeq, %broadcast_in_dim3A_554, %eq3A_556 : vector<1000x1xbf16>
    %convert_element_type3A_558 = arith.extui %eq3A_557 : vector<1000x1xi1> to vector<1000x1xi32>
    %convert_element_type3A_559 = arith.sitofp %convert_element_type3A_558 : vector<1000x1xi32> to vector<1000x1xf32>
    %convert_element_type3A_560 = arith.truncf %convert_element_type3A_559 : vector<1000x1xf32> to vector<1000x1xbf16>
    %mul3A_561 = arith.mulf %convert_element_type3A_521, %convert_element_type3A_560 : vector<1000x1xbf16>
    %swap3A_562 = arith.constant 0 : index
    %swap3A_563 = arith.constant 0 : index
    %swap3A_564 = vector.load %arg8[%swap3A_562, %swap3A_563] : memref<1000x1xbf16, #tpu.memory_space<vmem>>, vector<1000x1xbf16>
    tpu.vector_store %arg8[%swap3A_562, %swap3A_563], %mul3A_561 {strides = array<i32>} : memref<1000x1xbf16, #tpu.memory_space<vmem>>, vector<1000x1xbf16>,
    %while3A_565 = arith.constant 0 : i32
    %while3A_566 = arith.constant 1 : i32
    %while3A_567:2 = scf.while (%while3A_1794 = %while3A_565, %while3A_1795 = %while3A_566) : (i32, i32) -> (i32, i32) {
      %gt3A_1796 = arith.constant 0 : i32
      %gt3A_1797 = arith.cmpi sgt, %while3A_1795, %gt3A_1796 : i32
      scf.condition(%gt3A_1797) %while3A_1794, %while3A_1795 : i32, i32
    } do {
    ^bb0(%while3A_1794: i32, %while3A_1795: i32):
      %get3A_1796 = arith.constant 0 : index
      %get3A_1797 = arith.constant 0 : index
      %get3A_1798 = vector.load %arg8[%get3A_1796, %get3A_1797] : memref<1000x1xbf16, #tpu.memory_space<vmem>>, vector<1000x1xbf16>
      %get3A_1799 = arith.constant 0 : index
      %get3A_1800 = arith.constant 0 : index
      %get3A_1801 = vector.load %arg7[%get3A_1799, %get3A_1800] : memref<1000x1000xbf16, #tpu.memory_space<vmem>>, vector<1000x1000xbf16>
      %dot_general3A_1802 = arith.constant dense<0.000000e+00> : vector<1000x1xf32>
      %dot_general3A_1803 = tpu.matmul %get3A_1801, %get3A_1798, %dot_general3A_1802 {dimension_numbers = #tpu.dot_dimension_numbers<[1], [0], [0], [1], [0, 0, 1, 1], [], []>, transpose_lhs_hint = false} : vector<1000x1000xbf16>, vector<1000x1xbf16>, vector<1000x1xf32> -> vector<1000x1xf32>
      %eq3A_1804 = arith.constant 0.000000e+00 : f32
      %eq3A_1805 = vector.broadcast %eq3A_1804 : f32 to vector<1000x1xf32>
      %eq3A_1806 = arith.cmpf oeq, %dot_general3A_1803, %eq3A_1805 : vector<1000x1xf32>
      %convert_element_type3A_1807 = arith.extui %eq3A_1806 : vector<1000x1xi1> to vector<1000x1xi32>
      %convert_element_type3A_1808 = arith.sitofp %convert_element_type3A_1807 : vector<1000x1xi32> to vector<1000x1xf32>
      %convert_element_type3A_1809 = arith.truncf %convert_element_type3A_1808 : vector<1000x1xf32> to vector<1000x1xbf16>
      %mul3A_1810 = arith.mulf %convert_element_type3A_521, %convert_element_type3A_1809 : vector<1000x1xbf16>
      %sub3A_1811 = arith.subf %mul3A_1810, %get3A_1798 : vector<1000x1xbf16>
      %convert_element_type3A_1812 = arith.extf %sub3A_1811 : vector<1000x1xbf16> to vector<1000x1xf32>
      %abs3A = math.absf %convert_element_type3A_1812 : vector<1000x1xf32>
      %reduce_sum3A = vector.shape_cast %abs3A : vector<1000x1xf32> to vector<1x1000x1xf32>
      %reduce_sum3A_1813 = arith.constant dense<0.000000e+00> : vector<1xf32>
      %reduce_sum3A_1814 = vector.multi_reduction <add>, %reduce_sum3A, %reduce_sum3A_1813 [1, 2] : vector<1x1000x1xf32> to vector<1xf32>
      %reduce_sum3A_1815 = vector.shape_cast %reduce_sum3A_1814 : vector<1xf32> to vector<1x1x1xf32>
      %reduce_sum3A_1816 = vector.extract %reduce_sum3A_1815[0, 0, 0] : f32 from vector<1x1x1xf32>
      %swap3A_1817 = arith.constant 0 : index
      %swap3A_1818 = arith.constant 0 : index
      %swap3A_1819 = vector.load %arg8[%swap3A_1817, %swap3A_1818] : memref<1000x1xbf16, #tpu.memory_space<vmem>>, vector<1000x1xbf16>
      tpu.vector_store %arg8[%swap3A_1817, %swap3A_1818], %mul3A_1810 {strides = array<i32>} : memref<1000x1xbf16, #tpu.memory_space<vmem>>, vector<1000x1xbf16>,
      %add3A_1820 = arith.constant 1 : i32
      %add3A_1821 = arith.addi %while3A_1794, %add3A_1820 : i32
      %gt3A_1822 = arith.constant 0.000000e+00 : f32
      %gt3A_1823 = arith.cmpf ogt, %reduce_sum3A_1816, %gt3A_1822 : f32
      %convert_element_type3A_1824 = arith.extui %gt3A_1823 : i1 to i32
      scf.yield %add3A_1821, %convert_element_type3A_1824 : i32, i32
    }
    %get3A_568 = arith.constant 0 : index
    %get3A_569 = arith.constant 0 : index
    %get3A_570 = vector.load %arg8[%get3A_568, %get3A_569] : memref<1000x1xbf16, #tpu.memory_space<vmem>>, vector<1000x1xbf16>
    %get3A_571 = arith.constant 0 : index
    %get3A_572 = arith.constant 0 : index
    %get3A_573 = vector.load %arg6[%get3A_571, %get3A_572] : memref<1000x1000xbf16, #tpu.memory_space<vmem>>, vector<1000x1000xbf16>
    %dot_general3A_574 = arith.constant dense<0.000000e+00> : vector<1000x1xf32>
    %dot_general3A_575 = tpu.matmul %get3A_573, %get3A_570, %dot_general3A_574 {dimension_numbers = #tpu.dot_dimension_numbers<[1], [0], [0], [1], [0, 0, 1, 1], [], []>, transpose_lhs_hint = false} : vector<1000x1000xbf16>, vector<1000x1xbf16>, vector<1000x1xf32> -> vector<1000x1xf32>
    %convert_element_type3A_576 = arith.extf %get3A_570 : vector<1000x1xbf16> to vector<1000x1xf32>
    %gt3A_577 = arith.constant 0.000000e+00 : f32
    %gt3A_578 = vector.broadcast %gt3A_577 : f32 to vector<1000x1xf32>
    %gt3A_579 = arith.cmpf ogt, %convert_element_type3A_576, %gt3A_578 : vector<1000x1xf32>
    %lt3A_580 = arith.constant 4.000000e+02 : f32
    %lt3A_581 = vector.broadcast %lt3A_580 : f32 to vector<1000x1xf32>
    %lt3A_582 = arith.cmpf olt, %dot_general3A_575, %lt3A_581 : vector<1000x1xf32>
    %and3A_583 = arith.andi %gt3A_579, %lt3A_582 : vector<1000x1xi1>
    %jit3A_584 = arith.constant 5.110000e+02 : f32
    %broadcast_in_dim3A_585 = vector.broadcast %jit3A_584 : f32 to vector<1000x1xf32>
    %select_n3A_586 = arith.select %and3A_583, %dot_general3A_575, %broadcast_in_dim3A_585 : vector<1000x1xi1>, vector<1000x1xf32>
    %convert_element_type3A_587 = arith.fptosi %select_n3A_586 : vector<1000x1xf32> to vector<1000x1xi32>
    %swap3A_588 = arith.constant 0 : index
    %swap3A_589 = arith.constant 0 : index
    %swap3A_590 = arith.constant 4 : index
    %swap3A_591 = vector.load %arg4[%swap3A_588, %swap3A_589, %swap3A_590] : memref<1x1024x32xi32, #tpu.memory_space<vmem>>, vector<1x1000x1xi32>
    %swap3A_592 = vector.shape_cast %swap3A_591 : vector<1x1000x1xi32> to vector<1000x1xi32>
    %swap3A_593 = vector.shape_cast %convert_element_type3A_587 : vector<1000x1xi32> to vector<1x1000x1xi32>
    tpu.vector_store %arg4[%swap3A_588, %swap3A_589, %swap3A_590], %swap3A_593 {strides = array<i32>} : memref<1x1024x32xi32, #tpu.memory_space<vmem>>, vector<1x1000x1xi32>,
    %slice3A_594 = vector.extract_strided_slice %get3A_3 {offsets = [0, 6], sizes = [1000, 1], strides = [1, 1]} : vector<1000x33xf32> to vector<1000x1xf32>
    %slice3A_595 = vector.extract_strided_slice %transpose3A {offsets = [6, 0], sizes = [1, 1000], strides = [1, 1]} : vector<33x1000xf32> to vector<1x1000xf32>
    %gt3A_596 = arith.constant 0.00999999977 : f32
    %gt3A_597 = vector.broadcast %gt3A_596 : f32 to vector<1000x1xf32>
    %gt3A_598 = arith.cmpf ogt, %slice3A_594, %gt3A_597 : vector<1000x1xf32>
    %convert_element_type3A_599 = arith.extui %gt3A_598 : vector<1000x1xi1> to vector<1000x1xi32>
    %convert_element_type3A_600 = arith.sitofp %convert_element_type3A_599 : vector<1000x1xi32> to vector<1000x1xf32>
    %convert_element_type3A_601 = arith.truncf %convert_element_type3A_600 : vector<1000x1xf32> to vector<1000x1xbf16>
    %gt3A_602 = vector.broadcast %slice3A_595 : vector<1x1000xf32> to vector<1000x1000xf32>
    %gt3A_603 = vector.broadcast %slice3A_594 : vector<1000x1xf32> to vector<1000x1000xf32>
    %gt3A_604 = arith.cmpf ogt, %gt3A_602, %gt3A_603 : vector<1000x1000xf32>
    %eq3A_605 = vector.broadcast %slice3A_595 : vector<1x1000xf32> to vector<1000x1000xf32>
    %eq3A_606 = vector.broadcast %slice3A_594 : vector<1000x1xf32> to vector<1000x1000xf32>
    %eq3A_607 = arith.cmpf oeq, %eq3A_605, %eq3A_606 : vector<1000x1000xf32>
    %lt3A_608 = arith.cmpi slt, %iota3A_163, %iota3A : vector<1000x1000xi32>
    %and3A_609 = arith.andi %eq3A_607, %lt3A_608 : vector<1000x1000xi1>
    %or3A_610 = arith.ori %gt3A_604, %and3A_609 : vector<1000x1000xi1>
    %convert_element_type3A_611 = arith.extui %or3A_610 : vector<1000x1000xi1> to vector<1000x1000xi32>
    %convert_element_type3A_612 = arith.sitofp %convert_element_type3A_611 : vector<1000x1000xi32> to vector<1000x1000xf32>
    %convert_element_type3A_613 = arith.truncf %convert_element_type3A_612 : vector<1000x1000xf32> to vector<1000x1000xbf16>
    %swap3A_614 = arith.constant 0 : index
    %swap3A_615 = arith.constant 0 : index
    %swap3A_616 = vector.load %arg6[%swap3A_614, %swap3A_615] : memref<1000x1000xbf16, #tpu.memory_space<vmem>>, vector<1000x1000xbf16>
    tpu.vector_store %arg6[%swap3A_614, %swap3A_615], %convert_element_type3A_613 {strides = array<i32>} : memref<1000x1000xbf16, #tpu.memory_space<vmem>>, vector<1000x1000xbf16>,
    %gt3A_617 = arith.constant 0.00999999977 : f32
    %gt3A_618 = vector.broadcast %gt3A_617 : f32 to vector<1x1000xf32>
    %gt3A_619 = arith.cmpf ogt, %slice3A_595, %gt3A_618 : vector<1x1000xf32>
    %convert_element_type3A_620 = arith.extui %gt3A_619 : vector<1x1000xi1> to vector<1x1000xi32>
    %convert_element_type3A_621 = arith.sitofp %convert_element_type3A_620 : vector<1x1000xi32> to vector<1x1000xf32>
    %convert_element_type3A_622 = arith.truncf %convert_element_type3A_621 : vector<1x1000xf32> to vector<1x1000xbf16>
    %get3A_623 = arith.constant 0 : index
    %get3A_624 = arith.constant 0 : index
    %get3A_625 = vector.load %arg5[%get3A_623, %get3A_624] : memref<1000x1000xbf16, #tpu.memory_space<vmem>>, vector<1000x1000xbf16>
    %mul3A_626 = vector.broadcast %convert_element_type3A_622 : vector<1x1000xbf16> to vector<1000x1000xbf16>
    %mul3A_627 = arith.mulf %get3A_625, %mul3A_626 : vector<1000x1000xbf16>
    %mul3A_628 = arith.mulf %convert_element_type3A_613, %mul3A_627 : vector<1000x1000xbf16>
    %swap3A_629 = arith.constant 0 : index
    %swap3A_630 = arith.constant 0 : index
    %swap3A_631 = vector.load %arg7[%swap3A_629, %swap3A_630] : memref<1000x1000xbf16, #tpu.memory_space<vmem>>, vector<1000x1000xbf16>
    tpu.vector_store %arg7[%swap3A_629, %swap3A_630], %mul3A_628 {strides = array<i32>} : memref<1000x1000xbf16, #tpu.memory_space<vmem>>, vector<1000x1000xbf16>,
    %reduce_max3A_632 = arith.constant dense<0xFF80> : vector<1000xbf16>
    %reduce_max3A_633 = vector.multi_reduction <maximumf>, %mul3A_628, %reduce_max3A_632 [1] : vector<1000x1000xbf16> to vector<1000xbf16>
    %broadcast_in_dim3A_634 = vector.shape_cast %reduce_max3A_633 : vector<1000xbf16> to vector<1000x1xbf16>
    %eq3A_635 = arith.constant 0.000000e+00 : bf16
    %eq3A_636 = vector.broadcast %eq3A_635 : bf16 to vector<1000x1xbf16>
    %eq3A_637 = arith.cmpf oeq, %broadcast_in_dim3A_634, %eq3A_636 : vector<1000x1xbf16>
    %convert_element_type3A_638 = arith.extui %eq3A_637 : vector<1000x1xi1> to vector<1000x1xi32>
    %convert_element_type3A_639 = arith.sitofp %convert_element_type3A_638 : vector<1000x1xi32> to vector<1000x1xf32>
    %convert_element_type3A_640 = arith.truncf %convert_element_type3A_639 : vector<1000x1xf32> to vector<1000x1xbf16>
    %mul3A_641 = arith.mulf %convert_element_type3A_601, %convert_element_type3A_640 : vector<1000x1xbf16>
    %swap3A_642 = arith.constant 0 : index
    %swap3A_643 = arith.constant 0 : index
    %swap3A_644 = vector.load %arg8[%swap3A_642, %swap3A_643] : memref<1000x1xbf16, #tpu.memory_space<vmem>>, vector<1000x1xbf16>
    tpu.vector_store %arg8[%swap3A_642, %swap3A_643], %mul3A_641 {strides = array<i32>} : memref<1000x1xbf16, #tpu.memory_space<vmem>>, vector<1000x1xbf16>,
    %while3A_645 = arith.constant 0 : i32
    %while3A_646 = arith.constant 1 : i32
    %while3A_647:2 = scf.while (%while3A_1794 = %while3A_645, %while3A_1795 = %while3A_646) : (i32, i32) -> (i32, i32) {
      %gt3A_1796 = arith.constant 0 : i32
      %gt3A_1797 = arith.cmpi sgt, %while3A_1795, %gt3A_1796 : i32
      scf.condition(%gt3A_1797) %while3A_1794, %while3A_1795 : i32, i32
    } do {
    ^bb0(%while3A_1794: i32, %while3A_1795: i32):
      %get3A_1796 = arith.constant 0 : index
      %get3A_1797 = arith.constant 0 : index
      %get3A_1798 = vector.load %arg8[%get3A_1796, %get3A_1797] : memref<1000x1xbf16, #tpu.memory_space<vmem>>, vector<1000x1xbf16>
      %get3A_1799 = arith.constant 0 : index
      %get3A_1800 = arith.constant 0 : index
      %get3A_1801 = vector.load %arg7[%get3A_1799, %get3A_1800] : memref<1000x1000xbf16, #tpu.memory_space<vmem>>, vector<1000x1000xbf16>
      %dot_general3A_1802 = arith.constant dense<0.000000e+00> : vector<1000x1xf32>
      %dot_general3A_1803 = tpu.matmul %get3A_1801, %get3A_1798, %dot_general3A_1802 {dimension_numbers = #tpu.dot_dimension_numbers<[1], [0], [0], [1], [0, 0, 1, 1], [], []>, transpose_lhs_hint = false} : vector<1000x1000xbf16>, vector<1000x1xbf16>, vector<1000x1xf32> -> vector<1000x1xf32>
      %eq3A_1804 = arith.constant 0.000000e+00 : f32
      %eq3A_1805 = vector.broadcast %eq3A_1804 : f32 to vector<1000x1xf32>
      %eq3A_1806 = arith.cmpf oeq, %dot_general3A_1803, %eq3A_1805 : vector<1000x1xf32>
      %convert_element_type3A_1807 = arith.extui %eq3A_1806 : vector<1000x1xi1> to vector<1000x1xi32>
      %convert_element_type3A_1808 = arith.sitofp %convert_element_type3A_1807 : vector<1000x1xi32> to vector<1000x1xf32>
      %convert_element_type3A_1809 = arith.truncf %convert_element_type3A_1808 : vector<1000x1xf32> to vector<1000x1xbf16>
      %mul3A_1810 = arith.mulf %convert_element_type3A_601, %convert_element_type3A_1809 : vector<1000x1xbf16>
      %sub3A_1811 = arith.subf %mul3A_1810, %get3A_1798 : vector<1000x1xbf16>
      %convert_element_type3A_1812 = arith.extf %sub3A_1811 : vector<1000x1xbf16> to vector<1000x1xf32>
      %abs3A = math.absf %convert_element_type3A_1812 : vector<1000x1xf32>
      %reduce_sum3A = vector.shape_cast %abs3A : vector<1000x1xf32> to vector<1x1000x1xf32>
      %reduce_sum3A_1813 = arith.constant dense<0.000000e+00> : vector<1xf32>
      %reduce_sum3A_1814 = vector.multi_reduction <add>, %reduce_sum3A, %reduce_sum3A_1813 [1, 2] : vector<1x1000x1xf32> to vector<1xf32>
      %reduce_sum3A_1815 = vector.shape_cast %reduce_sum3A_1814 : vector<1xf32> to vector<1x1x1xf32>
      %reduce_sum3A_1816 = vector.extract %reduce_sum3A_1815[0, 0, 0] : f32 from vector<1x1x1xf32>
      %swap3A_1817 = arith.constant 0 : index
      %swap3A_1818 = arith.constant 0 : index
      %swap3A_1819 = vector.load %arg8[%swap3A_1817, %swap3A_1818] : memref<1000x1xbf16, #tpu.memory_space<vmem>>, vector<1000x1xbf16>
      tpu.vector_store %arg8[%swap3A_1817, %swap3A_1818], %mul3A_1810 {strides = array<i32>} : memref<1000x1xbf16, #tpu.memory_space<vmem>>, vector<1000x1xbf16>,
      %add3A_1820 = arith.constant 1 : i32
      %add3A_1821 = arith.addi %while3A_1794, %add3A_1820 : i32
      %gt3A_1822 = arith.constant 0.000000e+00 : f32
      %gt3A_1823 = arith.cmpf ogt, %reduce_sum3A_1816, %gt3A_1822 : f32
      %convert_element_type3A_1824 = arith.extui %gt3A_1823 : i1 to i32
      scf.yield %add3A_1821, %convert_element_type3A_1824 : i32, i32
    }
    %get3A_648 = arith.constant 0 : index
    %get3A_649 = arith.constant 0 : index
    %get3A_650 = vector.load %arg8[%get3A_648, %get3A_649] : memref<1000x1xbf16, #tpu.memory_space<vmem>>, vector<1000x1xbf16>
    %get3A_651 = arith.constant 0 : index
    %get3A_652 = arith.constant 0 : index
    %get3A_653 = vector.load %arg6[%get3A_651, %get3A_652] : memref<1000x1000xbf16, #tpu.memory_space<vmem>>, vector<1000x1000xbf16>
    %dot_general3A_654 = arith.constant dense<0.000000e+00> : vector<1000x1xf32>
    %dot_general3A_655 = tpu.matmul %get3A_653, %get3A_650, %dot_general3A_654 {dimension_numbers = #tpu.dot_dimension_numbers<[1], [0], [0], [1], [0, 0, 1, 1], [], []>, transpose_lhs_hint = false} : vector<1000x1000xbf16>, vector<1000x1xbf16>, vector<1000x1xf32> -> vector<1000x1xf32>
    %convert_element_type3A_656 = arith.extf %get3A_650 : vector<1000x1xbf16> to vector<1000x1xf32>
    %gt3A_657 = arith.constant 0.000000e+00 : f32
    %gt3A_658 = vector.broadcast %gt3A_657 : f32 to vector<1000x1xf32>
    %gt3A_659 = arith.cmpf ogt, %convert_element_type3A_656, %gt3A_658 : vector<1000x1xf32>
    %lt3A_660 = arith.constant 4.000000e+02 : f32
    %lt3A_661 = vector.broadcast %lt3A_660 : f32 to vector<1000x1xf32>
    %lt3A_662 = arith.cmpf olt, %dot_general3A_655, %lt3A_661 : vector<1000x1xf32>
    %and3A_663 = arith.andi %gt3A_659, %lt3A_662 : vector<1000x1xi1>
    %jit3A_664 = arith.constant 5.110000e+02 : f32
    %broadcast_in_dim3A_665 = vector.broadcast %jit3A_664 : f32 to vector<1000x1xf32>
    %select_n3A_666 = arith.select %and3A_663, %dot_general3A_655, %broadcast_in_dim3A_665 : vector<1000x1xi1>, vector<1000x1xf32>
    %convert_element_type3A_667 = arith.fptosi %select_n3A_666 : vector<1000x1xf32> to vector<1000x1xi32>
    %swap3A_668 = arith.constant 0 : index
    %swap3A_669 = arith.constant 0 : index
    %swap3A_670 = arith.constant 5 : index
    %swap3A_671 = vector.load %arg4[%swap3A_668, %swap3A_669, %swap3A_670] : memref<1x1024x32xi32, #tpu.memory_space<vmem>>, vector<1x1000x1xi32>
    %swap3A_672 = vector.shape_cast %swap3A_671 : vector<1x1000x1xi32> to vector<1000x1xi32>
    %swap3A_673 = vector.shape_cast %convert_element_type3A_667 : vector<1000x1xi32> to vector<1x1000x1xi32>
    tpu.vector_store %arg4[%swap3A_668, %swap3A_669, %swap3A_670], %swap3A_673 {strides = array<i32>} : memref<1x1024x32xi32, #tpu.memory_space<vmem>>, vector<1x1000x1xi32>,
    %slice3A_674 = vector.extract_strided_slice %get3A_3 {offsets = [0, 7], sizes = [1000, 1], strides = [1, 1]} : vector<1000x33xf32> to vector<1000x1xf32>
    %slice3A_675 = vector.extract_strided_slice %transpose3A {offsets = [7, 0], sizes = [1, 1000], strides = [1, 1]} : vector<33x1000xf32> to vector<1x1000xf32>
    %gt3A_676 = arith.constant 0.00999999977 : f32
    %gt3A_677 = vector.broadcast %gt3A_676 : f32 to vector<1000x1xf32>
    %gt3A_678 = arith.cmpf ogt, %slice3A_674, %gt3A_677 : vector<1000x1xf32>
    %convert_element_type3A_679 = arith.extui %gt3A_678 : vector<1000x1xi1> to vector<1000x1xi32>
    %convert_element_type3A_680 = arith.sitofp %convert_element_type3A_679 : vector<1000x1xi32> to vector<1000x1xf32>
    %convert_element_type3A_681 = arith.truncf %convert_element_type3A_680 : vector<1000x1xf32> to vector<1000x1xbf16>
    %gt3A_682 = vector.broadcast %slice3A_675 : vector<1x1000xf32> to vector<1000x1000xf32>
    %gt3A_683 = vector.broadcast %slice3A_674 : vector<1000x1xf32> to vector<1000x1000xf32>
    %gt3A_684 = arith.cmpf ogt, %gt3A_682, %gt3A_683 : vector<1000x1000xf32>
    %eq3A_685 = vector.broadcast %slice3A_675 : vector<1x1000xf32> to vector<1000x1000xf32>
    %eq3A_686 = vector.broadcast %slice3A_674 : vector<1000x1xf32> to vector<1000x1000xf32>
    %eq3A_687 = arith.cmpf oeq, %eq3A_685, %eq3A_686 : vector<1000x1000xf32>
    %lt3A_688 = arith.cmpi slt, %iota3A_163, %iota3A : vector<1000x1000xi32>
    %and3A_689 = arith.andi %eq3A_687, %lt3A_688 : vector<1000x1000xi1>
    %or3A_690 = arith.ori %gt3A_684, %and3A_689 : vector<1000x1000xi1>
    %convert_element_type3A_691 = arith.extui %or3A_690 : vector<1000x1000xi1> to vector<1000x1000xi32>
    %convert_element_type3A_692 = arith.sitofp %convert_element_type3A_691 : vector<1000x1000xi32> to vector<1000x1000xf32>
    %convert_element_type3A_693 = arith.truncf %convert_element_type3A_692 : vector<1000x1000xf32> to vector<1000x1000xbf16>
    %swap3A_694 = arith.constant 0 : index
    %swap3A_695 = arith.constant 0 : index
    %swap3A_696 = vector.load %arg6[%swap3A_694, %swap3A_695] : memref<1000x1000xbf16, #tpu.memory_space<vmem>>, vector<1000x1000xbf16>
    tpu.vector_store %arg6[%swap3A_694, %swap3A_695], %convert_element_type3A_693 {strides = array<i32>} : memref<1000x1000xbf16, #tpu.memory_space<vmem>>, vector<1000x1000xbf16>,
    %gt3A_697 = arith.constant 0.00999999977 : f32
    %gt3A_698 = vector.broadcast %gt3A_697 : f32 to vector<1x1000xf32>
    %gt3A_699 = arith.cmpf ogt, %slice3A_675, %gt3A_698 : vector<1x1000xf32>
    %convert_element_type3A_700 = arith.extui %gt3A_699 : vector<1x1000xi1> to vector<1x1000xi32>
    %convert_element_type3A_701 = arith.sitofp %convert_element_type3A_700 : vector<1x1000xi32> to vector<1x1000xf32>
    %convert_element_type3A_702 = arith.truncf %convert_element_type3A_701 : vector<1x1000xf32> to vector<1x1000xbf16>
    %get3A_703 = arith.constant 0 : index
    %get3A_704 = arith.constant 0 : index
    %get3A_705 = vector.load %arg5[%get3A_703, %get3A_704] : memref<1000x1000xbf16, #tpu.memory_space<vmem>>, vector<1000x1000xbf16>
    %mul3A_706 = vector.broadcast %convert_element_type3A_702 : vector<1x1000xbf16> to vector<1000x1000xbf16>
    %mul3A_707 = arith.mulf %get3A_705, %mul3A_706 : vector<1000x1000xbf16>
    %mul3A_708 = arith.mulf %convert_element_type3A_693, %mul3A_707 : vector<1000x1000xbf16>
    %swap3A_709 = arith.constant 0 : index
    %swap3A_710 = arith.constant 0 : index
    %swap3A_711 = vector.load %arg7[%swap3A_709, %swap3A_710] : memref<1000x1000xbf16, #tpu.memory_space<vmem>>, vector<1000x1000xbf16>
    tpu.vector_store %arg7[%swap3A_709, %swap3A_710], %mul3A_708 {strides = array<i32>} : memref<1000x1000xbf16, #tpu.memory_space<vmem>>, vector<1000x1000xbf16>,
    %reduce_max3A_712 = arith.constant dense<0xFF80> : vector<1000xbf16>
    %reduce_max3A_713 = vector.multi_reduction <maximumf>, %mul3A_708, %reduce_max3A_712 [1] : vector<1000x1000xbf16> to vector<1000xbf16>
    %broadcast_in_dim3A_714 = vector.shape_cast %reduce_max3A_713 : vector<1000xbf16> to vector<1000x1xbf16>
    %eq3A_715 = arith.constant 0.000000e+00 : bf16
    %eq3A_716 = vector.broadcast %eq3A_715 : bf16 to vector<1000x1xbf16>
    %eq3A_717 = arith.cmpf oeq, %broadcast_in_dim3A_714, %eq3A_716 : vector<1000x1xbf16>
    %convert_element_type3A_718 = arith.extui %eq3A_717 : vector<1000x1xi1> to vector<1000x1xi32>
    %convert_element_type3A_719 = arith.sitofp %convert_element_type3A_718 : vector<1000x1xi32> to vector<1000x1xf32>
    %convert_element_type3A_720 = arith.truncf %convert_element_type3A_719 : vector<1000x1xf32> to vector<1000x1xbf16>
    %mul3A_721 = arith.mulf %convert_element_type3A_681, %convert_element_type3A_720 : vector<1000x1xbf16>
    %swap3A_722 = arith.constant 0 : index
    %swap3A_723 = arith.constant 0 : index
    %swap3A_724 = vector.load %arg8[%swap3A_722, %swap3A_723] : memref<1000x1xbf16, #tpu.memory_space<vmem>>, vector<1000x1xbf16>
    tpu.vector_store %arg8[%swap3A_722, %swap3A_723], %mul3A_721 {strides = array<i32>} : memref<1000x1xbf16, #tpu.memory_space<vmem>>, vector<1000x1xbf16>,
    %while3A_725 = arith.constant 0 : i32
    %while3A_726 = arith.constant 1 : i32
    %while3A_727:2 = scf.while (%while3A_1794 = %while3A_725, %while3A_1795 = %while3A_726) : (i32, i32) -> (i32, i32) {
      %gt3A_1796 = arith.constant 0 : i32
      %gt3A_1797 = arith.cmpi sgt, %while3A_1795, %gt3A_1796 : i32
      scf.condition(%gt3A_1797) %while3A_1794, %while3A_1795 : i32, i32
    } do {
    ^bb0(%while3A_1794: i32, %while3A_1795: i32):
      %get3A_1796 = arith.constant 0 : index
      %get3A_1797 = arith.constant 0 : index
      %get3A_1798 = vector.load %arg8[%get3A_1796, %get3A_1797] : memref<1000x1xbf16, #tpu.memory_space<vmem>>, vector<1000x1xbf16>
      %get3A_1799 = arith.constant 0 : index
      %get3A_1800 = arith.constant 0 : index
      %get3A_1801 = vector.load %arg7[%get3A_1799, %get3A_1800] : memref<1000x1000xbf16, #tpu.memory_space<vmem>>, vector<1000x1000xbf16>
      %dot_general3A_1802 = arith.constant dense<0.000000e+00> : vector<1000x1xf32>
      %dot_general3A_1803 = tpu.matmul %get3A_1801, %get3A_1798, %dot_general3A_1802 {dimension_numbers = #tpu.dot_dimension_numbers<[1], [0], [0], [1], [0, 0, 1, 1], [], []>, transpose_lhs_hint = false} : vector<1000x1000xbf16>, vector<1000x1xbf16>, vector<1000x1xf32> -> vector<1000x1xf32>
      %eq3A_1804 = arith.constant 0.000000e+00 : f32
      %eq3A_1805 = vector.broadcast %eq3A_1804 : f32 to vector<1000x1xf32>
      %eq3A_1806 = arith.cmpf oeq, %dot_general3A_1803, %eq3A_1805 : vector<1000x1xf32>
      %convert_element_type3A_1807 = arith.extui %eq3A_1806 : vector<1000x1xi1> to vector<1000x1xi32>
      %convert_element_type3A_1808 = arith.sitofp %convert_element_type3A_1807 : vector<1000x1xi32> to vector<1000x1xf32>
      %convert_element_type3A_1809 = arith.truncf %convert_element_type3A_1808 : vector<1000x1xf32> to vector<1000x1xbf16>
      %mul3A_1810 = arith.mulf %convert_element_type3A_681, %convert_element_type3A_1809 : vector<1000x1xbf16>
      %sub3A_1811 = arith.subf %mul3A_1810, %get3A_1798 : vector<1000x1xbf16>
      %convert_element_type3A_1812 = arith.extf %sub3A_1811 : vector<1000x1xbf16> to vector<1000x1xf32>
      %abs3A = math.absf %convert_element_type3A_1812 : vector<1000x1xf32>
      %reduce_sum3A = vector.shape_cast %abs3A : vector<1000x1xf32> to vector<1x1000x1xf32>
      %reduce_sum3A_1813 = arith.constant dense<0.000000e+00> : vector<1xf32>
      %reduce_sum3A_1814 = vector.multi_reduction <add>, %reduce_sum3A, %reduce_sum3A_1813 [1, 2] : vector<1x1000x1xf32> to vector<1xf32>
      %reduce_sum3A_1815 = vector.shape_cast %reduce_sum3A_1814 : vector<1xf32> to vector<1x1x1xf32>
      %reduce_sum3A_1816 = vector.extract %reduce_sum3A_1815[0, 0, 0] : f32 from vector<1x1x1xf32>
      %swap3A_1817 = arith.constant 0 : index
      %swap3A_1818 = arith.constant 0 : index
      %swap3A_1819 = vector.load %arg8[%swap3A_1817, %swap3A_1818] : memref<1000x1xbf16, #tpu.memory_space<vmem>>, vector<1000x1xbf16>
      tpu.vector_store %arg8[%swap3A_1817, %swap3A_1818], %mul3A_1810 {strides = array<i32>} : memref<1000x1xbf16, #tpu.memory_space<vmem>>, vector<1000x1xbf16>,
      %add3A_1820 = arith.constant 1 : i32
      %add3A_1821 = arith.addi %while3A_1794, %add3A_1820 : i32
      %gt3A_1822 = arith.constant 0.000000e+00 : f32
      %gt3A_1823 = arith.cmpf ogt, %reduce_sum3A_1816, %gt3A_1822 : f32
      %convert_element_type3A_1824 = arith.extui %gt3A_1823 : i1 to i32
      scf.yield %add3A_1821, %convert_element_type3A_1824 : i32, i32
    }
    %get3A_728 = arith.constant 0 : index
    %get3A_729 = arith.constant 0 : index
    %get3A_730 = vector.load %arg8[%get3A_728, %get3A_729] : memref<1000x1xbf16, #tpu.memory_space<vmem>>, vector<1000x1xbf16>
    %get3A_731 = arith.constant 0 : index
    %get3A_732 = arith.constant 0 : index
    %get3A_733 = vector.load %arg6[%get3A_731, %get3A_732] : memref<1000x1000xbf16, #tpu.memory_space<vmem>>, vector<1000x1000xbf16>
    %dot_general3A_734 = arith.constant dense<0.000000e+00> : vector<1000x1xf32>
    %dot_general3A_735 = tpu.matmul %get3A_733, %get3A_730, %dot_general3A_734 {dimension_numbers = #tpu.dot_dimension_numbers<[1], [0], [0], [1], [0, 0, 1, 1], [], []>, transpose_lhs_hint = false} : vector<1000x1000xbf16>, vector<1000x1xbf16>, vector<1000x1xf32> -> vector<1000x1xf32>
    %convert_element_type3A_736 = arith.extf %get3A_730 : vector<1000x1xbf16> to vector<1000x1xf32>
    %gt3A_737 = arith.constant 0.000000e+00 : f32
    %gt3A_738 = vector.broadcast %gt3A_737 : f32 to vector<1000x1xf32>
    %gt3A_739 = arith.cmpf ogt, %convert_element_type3A_736, %gt3A_738 : vector<1000x1xf32>
    %lt3A_740 = arith.constant 4.000000e+02 : f32
    %lt3A_741 = vector.broadcast %lt3A_740 : f32 to vector<1000x1xf32>
    %lt3A_742 = arith.cmpf olt, %dot_general3A_735, %lt3A_741 : vector<1000x1xf32>
    %and3A_743 = arith.andi %gt3A_739, %lt3A_742 : vector<1000x1xi1>
    %jit3A_744 = arith.constant 5.110000e+02 : f32
    %broadcast_in_dim3A_745 = vector.broadcast %jit3A_744 : f32 to vector<1000x1xf32>
    %select_n3A_746 = arith.select %and3A_743, %dot_general3A_735, %broadcast_in_dim3A_745 : vector<1000x1xi1>, vector<1000x1xf32>
    %convert_element_type3A_747 = arith.fptosi %select_n3A_746 : vector<1000x1xf32> to vector<1000x1xi32>
    %swap3A_748 = arith.constant 0 : index
    %swap3A_749 = arith.constant 0 : index
    %swap3A_750 = arith.constant 6 : index
    %swap3A_751 = vector.load %arg4[%swap3A_748, %swap3A_749, %swap3A_750] : memref<1x1024x32xi32, #tpu.memory_space<vmem>>, vector<1x1000x1xi32>
    %swap3A_752 = vector.shape_cast %swap3A_751 : vector<1x1000x1xi32> to vector<1000x1xi32>
    %swap3A_753 = vector.shape_cast %convert_element_type3A_747 : vector<1000x1xi32> to vector<1x1000x1xi32>
    tpu.vector_store %arg4[%swap3A_748, %swap3A_749, %swap3A_750], %swap3A_753 {strides = array<i32>} : memref<1x1024x32xi32, #tpu.memory_space<vmem>>, vector<1x1000x1xi32>,
    %slice3A_754 = vector.extract_strided_slice %get3A_3 {offsets = [0, 8], sizes = [1000, 1], strides = [1, 1]} : vector<1000x33xf32> to vector<1000x1xf32>
    %slice3A_755 = vector.extract_strided_slice %transpose3A {offsets = [8, 0], sizes = [1, 1000], strides = [1, 1]} : vector<33x1000xf32> to vector<1x1000xf32>
    %gt3A_756 = arith.constant 0.00999999977 : f32
    %gt3A_757 = vector.broadcast %gt3A_756 : f32 to vector<1000x1xf32>
    %gt3A_758 = arith.cmpf ogt, %slice3A_754, %gt3A_757 : vector<1000x1xf32>
    %convert_element_type3A_759 = arith.extui %gt3A_758 : vector<1000x1xi1> to vector<1000x1xi32>
    %convert_element_type3A_760 = arith.sitofp %convert_element_type3A_759 : vector<1000x1xi32> to vector<1000x1xf32>
    %convert_element_type3A_761 = arith.truncf %convert_element_type3A_760 : vector<1000x1xf32> to vector<1000x1xbf16>
    %gt3A_762 = vector.broadcast %slice3A_755 : vector<1x1000xf32> to vector<1000x1000xf32>
    %gt3A_763 = vector.broadcast %slice3A_754 : vector<1000x1xf32> to vector<1000x1000xf32>
    %gt3A_764 = arith.cmpf ogt, %gt3A_762, %gt3A_763 : vector<1000x1000xf32>
    %eq3A_765 = vector.broadcast %slice3A_755 : vector<1x1000xf32> to vector<1000x1000xf32>
    %eq3A_766 = vector.broadcast %slice3A_754 : vector<1000x1xf32> to vector<1000x1000xf32>
    %eq3A_767 = arith.cmpf oeq, %eq3A_765, %eq3A_766 : vector<1000x1000xf32>
    %lt3A_768 = arith.cmpi slt, %iota3A_163, %iota3A : vector<1000x1000xi32>
    %and3A_769 = arith.andi %eq3A_767, %lt3A_768 : vector<1000x1000xi1>
    %or3A_770 = arith.ori %gt3A_764, %and3A_769 : vector<1000x1000xi1>
    %convert_element_type3A_771 = arith.extui %or3A_770 : vector<1000x1000xi1> to vector<1000x1000xi32>
    %convert_element_type3A_772 = arith.sitofp %convert_element_type3A_771 : vector<1000x1000xi32> to vector<1000x1000xf32>
    %convert_element_type3A_773 = arith.truncf %convert_element_type3A_772 : vector<1000x1000xf32> to vector<1000x1000xbf16>
    %swap3A_774 = arith.constant 0 : index
    %swap3A_775 = arith.constant 0 : index
    %swap3A_776 = vector.load %arg6[%swap3A_774, %swap3A_775] : memref<1000x1000xbf16, #tpu.memory_space<vmem>>, vector<1000x1000xbf16>
    tpu.vector_store %arg6[%swap3A_774, %swap3A_775], %convert_element_type3A_773 {strides = array<i32>} : memref<1000x1000xbf16, #tpu.memory_space<vmem>>, vector<1000x1000xbf16>,
    %gt3A_777 = arith.constant 0.00999999977 : f32
    %gt3A_778 = vector.broadcast %gt3A_777 : f32 to vector<1x1000xf32>
    %gt3A_779 = arith.cmpf ogt, %slice3A_755, %gt3A_778 : vector<1x1000xf32>
    %convert_element_type3A_780 = arith.extui %gt3A_779 : vector<1x1000xi1> to vector<1x1000xi32>
    %convert_element_type3A_781 = arith.sitofp %convert_element_type3A_780 : vector<1x1000xi32> to vector<1x1000xf32>
    %convert_element_type3A_782 = arith.truncf %convert_element_type3A_781 : vector<1x1000xf32> to vector<1x1000xbf16>
    %get3A_783 = arith.constant 0 : index
    %get3A_784 = arith.constant 0 : index
    %get3A_785 = vector.load %arg5[%get3A_783, %get3A_784] : memref<1000x1000xbf16, #tpu.memory_space<vmem>>, vector<1000x1000xbf16>
    %mul3A_786 = vector.broadcast %convert_element_type3A_782 : vector<1x1000xbf16> to vector<1000x1000xbf16>
    %mul3A_787 = arith.mulf %get3A_785, %mul3A_786 : vector<1000x1000xbf16>
    %mul3A_788 = arith.mulf %convert_element_type3A_773, %mul3A_787 : vector<1000x1000xbf16>
    %swap3A_789 = arith.constant 0 : index
    %swap3A_790 = arith.constant 0 : index
    %swap3A_791 = vector.load %arg7[%swap3A_789, %swap3A_790] : memref<1000x1000xbf16, #tpu.memory_space<vmem>>, vector<1000x1000xbf16>
    tpu.vector_store %arg7[%swap3A_789, %swap3A_790], %mul3A_788 {strides = array<i32>} : memref<1000x1000xbf16, #tpu.memory_space<vmem>>, vector<1000x1000xbf16>,
    %reduce_max3A_792 = arith.constant dense<0xFF80> : vector<1000xbf16>
    %reduce_max3A_793 = vector.multi_reduction <maximumf>, %mul3A_788, %reduce_max3A_792 [1] : vector<1000x1000xbf16> to vector<1000xbf16>
    %broadcast_in_dim3A_794 = vector.shape_cast %reduce_max3A_793 : vector<1000xbf16> to vector<1000x1xbf16>
    %eq3A_795 = arith.constant 0.000000e+00 : bf16
    %eq3A_796 = vector.broadcast %eq3A_795 : bf16 to vector<1000x1xbf16>
    %eq3A_797 = arith.cmpf oeq, %broadcast_in_dim3A_794, %eq3A_796 : vector<1000x1xbf16>
    %convert_element_type3A_798 = arith.extui %eq3A_797 : vector<1000x1xi1> to vector<1000x1xi32>
    %convert_element_type3A_799 = arith.sitofp %convert_element_type3A_798 : vector<1000x1xi32> to vector<1000x1xf32>
    %convert_element_type3A_800 = arith.truncf %convert_element_type3A_799 : vector<1000x1xf32> to vector<1000x1xbf16>
    %mul3A_801 = arith.mulf %convert_element_type3A_761, %convert_element_type3A_800 : vector<1000x1xbf16>
    %swap3A_802 = arith.constant 0 : index
    %swap3A_803 = arith.constant 0 : index
    %swap3A_804 = vector.load %arg8[%swap3A_802, %swap3A_803] : memref<1000x1xbf16, #tpu.memory_space<vmem>>, vector<1000x1xbf16>
    tpu.vector_store %arg8[%swap3A_802, %swap3A_803], %mul3A_801 {strides = array<i32>} : memref<1000x1xbf16, #tpu.memory_space<vmem>>, vector<1000x1xbf16>,
    %while3A_805 = arith.constant 0 : i32
    %while3A_806 = arith.constant 1 : i32
    %while3A_807:2 = scf.while (%while3A_1794 = %while3A_805, %while3A_1795 = %while3A_806) : (i32, i32) -> (i32, i32) {
      %gt3A_1796 = arith.constant 0 : i32
      %gt3A_1797 = arith.cmpi sgt, %while3A_1795, %gt3A_1796 : i32
      scf.condition(%gt3A_1797) %while3A_1794, %while3A_1795 : i32, i32
    } do {
    ^bb0(%while3A_1794: i32, %while3A_1795: i32):
      %get3A_1796 = arith.constant 0 : index
      %get3A_1797 = arith.constant 0 : index
      %get3A_1798 = vector.load %arg8[%get3A_1796, %get3A_1797] : memref<1000x1xbf16, #tpu.memory_space<vmem>>, vector<1000x1xbf16>
      %get3A_1799 = arith.constant 0 : index
      %get3A_1800 = arith.constant 0 : index
      %get3A_1801 = vector.load %arg7[%get3A_1799, %get3A_1800] : memref<1000x1000xbf16, #tpu.memory_space<vmem>>, vector<1000x1000xbf16>
      %dot_general3A_1802 = arith.constant dense<0.000000e+00> : vector<1000x1xf32>
      %dot_general3A_1803 = tpu.matmul %get3A_1801, %get3A_1798, %dot_general3A_1802 {dimension_numbers = #tpu.dot_dimension_numbers<[1], [0], [0], [1], [0, 0, 1, 1], [], []>, transpose_lhs_hint = false} : vector<1000x1000xbf16>, vector<1000x1xbf16>, vector<1000x1xf32> -> vector<1000x1xf32>
      %eq3A_1804 = arith.constant 0.000000e+00 : f32
      %eq3A_1805 = vector.broadcast %eq3A_1804 : f32 to vector<1000x1xf32>
      %eq3A_1806 = arith.cmpf oeq, %dot_general3A_1803, %eq3A_1805 : vector<1000x1xf32>
      %convert_element_type3A_1807 = arith.extui %eq3A_1806 : vector<1000x1xi1> to vector<1000x1xi32>
      %convert_element_type3A_1808 = arith.sitofp %convert_element_type3A_1807 : vector<1000x1xi32> to vector<1000x1xf32>
      %convert_element_type3A_1809 = arith.truncf %convert_element_type3A_1808 : vector<1000x1xf32> to vector<1000x1xbf16>
      %mul3A_1810 = arith.mulf %convert_element_type3A_761, %convert_element_type3A_1809 : vector<1000x1xbf16>
      %sub3A_1811 = arith.subf %mul3A_1810, %get3A_1798 : vector<1000x1xbf16>
      %convert_element_type3A_1812 = arith.extf %sub3A_1811 : vector<1000x1xbf16> to vector<1000x1xf32>
      %abs3A = math.absf %convert_element_type3A_1812 : vector<1000x1xf32>
      %reduce_sum3A = vector.shape_cast %abs3A : vector<1000x1xf32> to vector<1x1000x1xf32>
      %reduce_sum3A_1813 = arith.constant dense<0.000000e+00> : vector<1xf32>
      %reduce_sum3A_1814 = vector.multi_reduction <add>, %reduce_sum3A, %reduce_sum3A_1813 [1, 2] : vector<1x1000x1xf32> to vector<1xf32>
      %reduce_sum3A_1815 = vector.shape_cast %reduce_sum3A_1814 : vector<1xf32> to vector<1x1x1xf32>
      %reduce_sum3A_1816 = vector.extract %reduce_sum3A_1815[0, 0, 0] : f32 from vector<1x1x1xf32>
      %swap3A_1817 = arith.constant 0 : index
      %swap3A_1818 = arith.constant 0 : index
      %swap3A_1819 = vector.load %arg8[%swap3A_1817, %swap3A_1818] : memref<1000x1xbf16, #tpu.memory_space<vmem>>, vector<1000x1xbf16>
      tpu.vector_store %arg8[%swap3A_1817, %swap3A_1818], %mul3A_1810 {strides = array<i32>} : memref<1000x1xbf16, #tpu.memory_space<vmem>>, vector<1000x1xbf16>,
      %add3A_1820 = arith.constant 1 : i32
      %add3A_1821 = arith.addi %while3A_1794, %add3A_1820 : i32
      %gt3A_1822 = arith.constant 0.000000e+00 : f32
      %gt3A_1823 = arith.cmpf ogt, %reduce_sum3A_1816, %gt3A_1822 : f32
      %convert_element_type3A_1824 = arith.extui %gt3A_1823 : i1 to i32
      scf.yield %add3A_1821, %convert_element_type3A_1824 : i32, i32
    }
    %get3A_808 = arith.constant 0 : index
    %get3A_809 = arith.constant 0 : index
    %get3A_810 = vector.load %arg8[%get3A_808, %get3A_809] : memref<1000x1xbf16, #tpu.memory_space<vmem>>, vector<1000x1xbf16>
    %get3A_811 = arith.constant 0 : index
    %get3A_812 = arith.constant 0 : index
    %get3A_813 = vector.load %arg6[%get3A_811, %get3A_812] : memref<1000x1000xbf16, #tpu.memory_space<vmem>>, vector<1000x1000xbf16>
    %dot_general3A_814 = arith.constant dense<0.000000e+00> : vector<1000x1xf32>
    %dot_general3A_815 = tpu.matmul %get3A_813, %get3A_810, %dot_general3A_814 {dimension_numbers = #tpu.dot_dimension_numbers<[1], [0], [0], [1], [0, 0, 1, 1], [], []>, transpose_lhs_hint = false} : vector<1000x1000xbf16>, vector<1000x1xbf16>, vector<1000x1xf32> -> vector<1000x1xf32>
    %convert_element_type3A_816 = arith.extf %get3A_810 : vector<1000x1xbf16> to vector<1000x1xf32>
    %gt3A_817 = arith.constant 0.000000e+00 : f32
    %gt3A_818 = vector.broadcast %gt3A_817 : f32 to vector<1000x1xf32>
    %gt3A_819 = arith.cmpf ogt, %convert_element_type3A_816, %gt3A_818 : vector<1000x1xf32>
    %lt3A_820 = arith.constant 4.000000e+02 : f32
    %lt3A_821 = vector.broadcast %lt3A_820 : f32 to vector<1000x1xf32>
    %lt3A_822 = arith.cmpf olt, %dot_general3A_815, %lt3A_821 : vector<1000x1xf32>
    %and3A_823 = arith.andi %gt3A_819, %lt3A_822 : vector<1000x1xi1>
    %jit3A_824 = arith.constant 5.110000e+02 : f32
    %broadcast_in_dim3A_825 = vector.broadcast %jit3A_824 : f32 to vector<1000x1xf32>
    %select_n3A_826 = arith.select %and3A_823, %dot_general3A_815, %broadcast_in_dim3A_825 : vector<1000x1xi1>, vector<1000x1xf32>
    %convert_element_type3A_827 = arith.fptosi %select_n3A_826 : vector<1000x1xf32> to vector<1000x1xi32>
    %swap3A_828 = arith.constant 0 : index
    %swap3A_829 = arith.constant 0 : index
    %swap3A_830 = arith.constant 7 : index
    %swap3A_831 = vector.load %arg4[%swap3A_828, %swap3A_829, %swap3A_830] : memref<1x1024x32xi32, #tpu.memory_space<vmem>>, vector<1x1000x1xi32>
    %swap3A_832 = vector.shape_cast %swap3A_831 : vector<1x1000x1xi32> to vector<1000x1xi32>
    %swap3A_833 = vector.shape_cast %convert_element_type3A_827 : vector<1000x1xi32> to vector<1x1000x1xi32>
    tpu.vector_store %arg4[%swap3A_828, %swap3A_829, %swap3A_830], %swap3A_833 {strides = array<i32>} : memref<1x1024x32xi32, #tpu.memory_space<vmem>>, vector<1x1000x1xi32>,
    %slice3A_834 = vector.extract_strided_slice %get3A_3 {offsets = [0, 9], sizes = [1000, 1], strides = [1, 1]} : vector<1000x33xf32> to vector<1000x1xf32>
    %slice3A_835 = vector.extract_strided_slice %transpose3A {offsets = [9, 0], sizes = [1, 1000], strides = [1, 1]} : vector<33x1000xf32> to vector<1x1000xf32>
    %gt3A_836 = arith.constant 0.00999999977 : f32
    %gt3A_837 = vector.broadcast %gt3A_836 : f32 to vector<1000x1xf32>
    %gt3A_838 = arith.cmpf ogt, %slice3A_834, %gt3A_837 : vector<1000x1xf32>
    %convert_element_type3A_839 = arith.extui %gt3A_838 : vector<1000x1xi1> to vector<1000x1xi32>
    %convert_element_type3A_840 = arith.sitofp %convert_element_type3A_839 : vector<1000x1xi32> to vector<1000x1xf32>
    %convert_element_type3A_841 = arith.truncf %convert_element_type3A_840 : vector<1000x1xf32> to vector<1000x1xbf16>
    %gt3A_842 = vector.broadcast %slice3A_835 : vector<1x1000xf32> to vector<1000x1000xf32>
    %gt3A_843 = vector.broadcast %slice3A_834 : vector<1000x1xf32> to vector<1000x1000xf32>
    %gt3A_844 = arith.cmpf ogt, %gt3A_842, %gt3A_843 : vector<1000x1000xf32>
    %eq3A_845 = vector.broadcast %slice3A_835 : vector<1x1000xf32> to vector<1000x1000xf32>
    %eq3A_846 = vector.broadcast %slice3A_834 : vector<1000x1xf32> to vector<1000x1000xf32>
    %eq3A_847 = arith.cmpf oeq, %eq3A_845, %eq3A_846 : vector<1000x1000xf32>
    %lt3A_848 = arith.cmpi slt, %iota3A_163, %iota3A : vector<1000x1000xi32>
    %and3A_849 = arith.andi %eq3A_847, %lt3A_848 : vector<1000x1000xi1>
    %or3A_850 = arith.ori %gt3A_844, %and3A_849 : vector<1000x1000xi1>
    %convert_element_type3A_851 = arith.extui %or3A_850 : vector<1000x1000xi1> to vector<1000x1000xi32>
    %convert_element_type3A_852 = arith.sitofp %convert_element_type3A_851 : vector<1000x1000xi32> to vector<1000x1000xf32>
    %convert_element_type3A_853 = arith.truncf %convert_element_type3A_852 : vector<1000x1000xf32> to vector<1000x1000xbf16>
    %swap3A_854 = arith.constant 0 : index
    %swap3A_855 = arith.constant 0 : index
    %swap3A_856 = vector.load %arg6[%swap3A_854, %swap3A_855] : memref<1000x1000xbf16, #tpu.memory_space<vmem>>, vector<1000x1000xbf16>
    tpu.vector_store %arg6[%swap3A_854, %swap3A_855], %convert_element_type3A_853 {strides = array<i32>} : memref<1000x1000xbf16, #tpu.memory_space<vmem>>, vector<1000x1000xbf16>,
    %gt3A_857 = arith.constant 0.00999999977 : f32
    %gt3A_858 = vector.broadcast %gt3A_857 : f32 to vector<1x1000xf32>
    %gt3A_859 = arith.cmpf ogt, %slice3A_835, %gt3A_858 : vector<1x1000xf32>
    %convert_element_type3A_860 = arith.extui %gt3A_859 : vector<1x1000xi1> to vector<1x1000xi32>
    %convert_element_type3A_861 = arith.sitofp %convert_element_type3A_860 : vector<1x1000xi32> to vector<1x1000xf32>
    %convert_element_type3A_862 = arith.truncf %convert_element_type3A_861 : vector<1x1000xf32> to vector<1x1000xbf16>
    %get3A_863 = arith.constant 0 : index
    %get3A_864 = arith.constant 0 : index
    %get3A_865 = vector.load %arg5[%get3A_863, %get3A_864] : memref<1000x1000xbf16, #tpu.memory_space<vmem>>, vector<1000x1000xbf16>
    %mul3A_866 = vector.broadcast %convert_element_type3A_862 : vector<1x1000xbf16> to vector<1000x1000xbf16>
    %mul3A_867 = arith.mulf %get3A_865, %mul3A_866 : vector<1000x1000xbf16>
    %mul3A_868 = arith.mulf %convert_element_type3A_853, %mul3A_867 : vector<1000x1000xbf16>
    %swap3A_869 = arith.constant 0 : index
    %swap3A_870 = arith.constant 0 : index
    %swap3A_871 = vector.load %arg7[%swap3A_869, %swap3A_870] : memref<1000x1000xbf16, #tpu.memory_space<vmem>>, vector<1000x1000xbf16>
    tpu.vector_store %arg7[%swap3A_869, %swap3A_870], %mul3A_868 {strides = array<i32>} : memref<1000x1000xbf16, #tpu.memory_space<vmem>>, vector<1000x1000xbf16>,
    %reduce_max3A_872 = arith.constant dense<0xFF80> : vector<1000xbf16>
    %reduce_max3A_873 = vector.multi_reduction <maximumf>, %mul3A_868, %reduce_max3A_872 [1] : vector<1000x1000xbf16> to vector<1000xbf16>
    %broadcast_in_dim3A_874 = vector.shape_cast %reduce_max3A_873 : vector<1000xbf16> to vector<1000x1xbf16>
    %eq3A_875 = arith.constant 0.000000e+00 : bf16
    %eq3A_876 = vector.broadcast %eq3A_875 : bf16 to vector<1000x1xbf16>
    %eq3A_877 = arith.cmpf oeq, %broadcast_in_dim3A_874, %eq3A_876 : vector<1000x1xbf16>
    %convert_element_type3A_878 = arith.extui %eq3A_877 : vector<1000x1xi1> to vector<1000x1xi32>
    %convert_element_type3A_879 = arith.sitofp %convert_element_type3A_878 : vector<1000x1xi32> to vector<1000x1xf32>
    %convert_element_type3A_880 = arith.truncf %convert_element_type3A_879 : vector<1000x1xf32> to vector<1000x1xbf16>
    %mul3A_881 = arith.mulf %convert_element_type3A_841, %convert_element_type3A_880 : vector<1000x1xbf16>
    %swap3A_882 = arith.constant 0 : index
    %swap3A_883 = arith.constant 0 : index
    %swap3A_884 = vector.load %arg8[%swap3A_882, %swap3A_883] : memref<1000x1xbf16, #tpu.memory_space<vmem>>, vector<1000x1xbf16>
    tpu.vector_store %arg8[%swap3A_882, %swap3A_883], %mul3A_881 {strides = array<i32>} : memref<1000x1xbf16, #tpu.memory_space<vmem>>, vector<1000x1xbf16>,
    %while3A_885 = arith.constant 0 : i32
    %while3A_886 = arith.constant 1 : i32
    %while3A_887:2 = scf.while (%while3A_1794 = %while3A_885, %while3A_1795 = %while3A_886) : (i32, i32) -> (i32, i32) {
      %gt3A_1796 = arith.constant 0 : i32
      %gt3A_1797 = arith.cmpi sgt, %while3A_1795, %gt3A_1796 : i32
      scf.condition(%gt3A_1797) %while3A_1794, %while3A_1795 : i32, i32
    } do {
    ^bb0(%while3A_1794: i32, %while3A_1795: i32):
      %get3A_1796 = arith.constant 0 : index
      %get3A_1797 = arith.constant 0 : index
      %get3A_1798 = vector.load %arg8[%get3A_1796, %get3A_1797] : memref<1000x1xbf16, #tpu.memory_space<vmem>>, vector<1000x1xbf16>
      %get3A_1799 = arith.constant 0 : index
      %get3A_1800 = arith.constant 0 : index
      %get3A_1801 = vector.load %arg7[%get3A_1799, %get3A_1800] : memref<1000x1000xbf16, #tpu.memory_space<vmem>>, vector<1000x1000xbf16>
      %dot_general3A_1802 = arith.constant dense<0.000000e+00> : vector<1000x1xf32>
      %dot_general3A_1803 = tpu.matmul %get3A_1801, %get3A_1798, %dot_general3A_1802 {dimension_numbers = #tpu.dot_dimension_numbers<[1], [0], [0], [1], [0, 0, 1, 1], [], []>, transpose_lhs_hint = false} : vector<1000x1000xbf16>, vector<1000x1xbf16>, vector<1000x1xf32> -> vector<1000x1xf32>
      %eq3A_1804 = arith.constant 0.000000e+00 : f32
      %eq3A_1805 = vector.broadcast %eq3A_1804 : f32 to vector<1000x1xf32>
      %eq3A_1806 = arith.cmpf oeq, %dot_general3A_1803, %eq3A_1805 : vector<1000x1xf32>
      %convert_element_type3A_1807 = arith.extui %eq3A_1806 : vector<1000x1xi1> to vector<1000x1xi32>
      %convert_element_type3A_1808 = arith.sitofp %convert_element_type3A_1807 : vector<1000x1xi32> to vector<1000x1xf32>
      %convert_element_type3A_1809 = arith.truncf %convert_element_type3A_1808 : vector<1000x1xf32> to vector<1000x1xbf16>
      %mul3A_1810 = arith.mulf %convert_element_type3A_841, %convert_element_type3A_1809 : vector<1000x1xbf16>
      %sub3A_1811 = arith.subf %mul3A_1810, %get3A_1798 : vector<1000x1xbf16>
      %convert_element_type3A_1812 = arith.extf %sub3A_1811 : vector<1000x1xbf16> to vector<1000x1xf32>
      %abs3A = math.absf %convert_element_type3A_1812 : vector<1000x1xf32>
      %reduce_sum3A = vector.shape_cast %abs3A : vector<1000x1xf32> to vector<1x1000x1xf32>
      %reduce_sum3A_1813 = arith.constant dense<0.000000e+00> : vector<1xf32>
      %reduce_sum3A_1814 = vector.multi_reduction <add>, %reduce_sum3A, %reduce_sum3A_1813 [1, 2] : vector<1x1000x1xf32> to vector<1xf32>
      %reduce_sum3A_1815 = vector.shape_cast %reduce_sum3A_1814 : vector<1xf32> to vector<1x1x1xf32>
      %reduce_sum3A_1816 = vector.extract %reduce_sum3A_1815[0, 0, 0] : f32 from vector<1x1x1xf32>
      %swap3A_1817 = arith.constant 0 : index
      %swap3A_1818 = arith.constant 0 : index
      %swap3A_1819 = vector.load %arg8[%swap3A_1817, %swap3A_1818] : memref<1000x1xbf16, #tpu.memory_space<vmem>>, vector<1000x1xbf16>
      tpu.vector_store %arg8[%swap3A_1817, %swap3A_1818], %mul3A_1810 {strides = array<i32>} : memref<1000x1xbf16, #tpu.memory_space<vmem>>, vector<1000x1xbf16>,
      %add3A_1820 = arith.constant 1 : i32
      %add3A_1821 = arith.addi %while3A_1794, %add3A_1820 : i32
      %gt3A_1822 = arith.constant 0.000000e+00 : f32
      %gt3A_1823 = arith.cmpf ogt, %reduce_sum3A_1816, %gt3A_1822 : f32
      %convert_element_type3A_1824 = arith.extui %gt3A_1823 : i1 to i32
      scf.yield %add3A_1821, %convert_element_type3A_1824 : i32, i32
    }
    %get3A_888 = arith.constant 0 : index
    %get3A_889 = arith.constant 0 : index
    %get3A_890 = vector.load %arg8[%get3A_888, %get3A_889] : memref<1000x1xbf16, #tpu.memory_space<vmem>>, vector<1000x1xbf16>
    %get3A_891 = arith.constant 0 : index
    %get3A_892 = arith.constant 0 : index
    %get3A_893 = vector.load %arg6[%get3A_891, %get3A_892] : memref<1000x1000xbf16, #tpu.memory_space<vmem>>, vector<1000x1000xbf16>
    %dot_general3A_894 = arith.constant dense<0.000000e+00> : vector<1000x1xf32>
    %dot_general3A_895 = tpu.matmul %get3A_893, %get3A_890, %dot_general3A_894 {dimension_numbers = #tpu.dot_dimension_numbers<[1], [0], [0], [1], [0, 0, 1, 1], [], []>, transpose_lhs_hint = false} : vector<1000x1000xbf16>, vector<1000x1xbf16>, vector<1000x1xf32> -> vector<1000x1xf32>
    %convert_element_type3A_896 = arith.extf %get3A_890 : vector<1000x1xbf16> to vector<1000x1xf32>
    %gt3A_897 = arith.constant 0.000000e+00 : f32
    %gt3A_898 = vector.broadcast %gt3A_897 : f32 to vector<1000x1xf32>
    %gt3A_899 = arith.cmpf ogt, %convert_element_type3A_896, %gt3A_898 : vector<1000x1xf32>
    %lt3A_900 = arith.constant 4.000000e+02 : f32
    %lt3A_901 = vector.broadcast %lt3A_900 : f32 to vector<1000x1xf32>
    %lt3A_902 = arith.cmpf olt, %dot_general3A_895, %lt3A_901 : vector<1000x1xf32>
    %and3A_903 = arith.andi %gt3A_899, %lt3A_902 : vector<1000x1xi1>
    %jit3A_904 = arith.constant 5.110000e+02 : f32
    %broadcast_in_dim3A_905 = vector.broadcast %jit3A_904 : f32 to vector<1000x1xf32>
    %select_n3A_906 = arith.select %and3A_903, %dot_general3A_895, %broadcast_in_dim3A_905 : vector<1000x1xi1>, vector<1000x1xf32>
    %convert_element_type3A_907 = arith.fptosi %select_n3A_906 : vector<1000x1xf32> to vector<1000x1xi32>
    %swap3A_908 = arith.constant 0 : index
    %swap3A_909 = arith.constant 0 : index
    %swap3A_910 = arith.constant 8 : index
    %swap3A_911 = vector.load %arg4[%swap3A_908, %swap3A_909, %swap3A_910] : memref<1x1024x32xi32, #tpu.memory_space<vmem>>, vector<1x1000x1xi32>
    %swap3A_912 = vector.shape_cast %swap3A_911 : vector<1x1000x1xi32> to vector<1000x1xi32>
    %swap3A_913 = vector.shape_cast %convert_element_type3A_907 : vector<1000x1xi32> to vector<1x1000x1xi32>
    tpu.vector_store %arg4[%swap3A_908, %swap3A_909, %swap3A_910], %swap3A_913 {strides = array<i32>} : memref<1x1024x32xi32, #tpu.memory_space<vmem>>, vector<1x1000x1xi32>,
    %slice3A_914 = vector.extract_strided_slice %get3A_3 {offsets = [0, 10], sizes = [1000, 1], strides = [1, 1]} : vector<1000x33xf32> to vector<1000x1xf32>
    %slice3A_915 = vector.extract_strided_slice %transpose3A {offsets = [10, 0], sizes = [1, 1000], strides = [1, 1]} : vector<33x1000xf32> to vector<1x1000xf32>
    %gt3A_916 = arith.constant 0.00999999977 : f32
    %gt3A_917 = vector.broadcast %gt3A_916 : f32 to vector<1000x1xf32>
    %gt3A_918 = arith.cmpf ogt, %slice3A_914, %gt3A_917 : vector<1000x1xf32>
    %convert_element_type3A_919 = arith.extui %gt3A_918 : vector<1000x1xi1> to vector<1000x1xi32>
    %convert_element_type3A_920 = arith.sitofp %convert_element_type3A_919 : vector<1000x1xi32> to vector<1000x1xf32>
    %convert_element_type3A_921 = arith.truncf %convert_element_type3A_920 : vector<1000x1xf32> to vector<1000x1xbf16>
    %gt3A_922 = vector.broadcast %slice3A_915 : vector<1x1000xf32> to vector<1000x1000xf32>
    %gt3A_923 = vector.broadcast %slice3A_914 : vector<1000x1xf32> to vector<1000x1000xf32>
    %gt3A_924 = arith.cmpf ogt, %gt3A_922, %gt3A_923 : vector<1000x1000xf32>
    %eq3A_925 = vector.broadcast %slice3A_915 : vector<1x1000xf32> to vector<1000x1000xf32>
    %eq3A_926 = vector.broadcast %slice3A_914 : vector<1000x1xf32> to vector<1000x1000xf32>
    %eq3A_927 = arith.cmpf oeq, %eq3A_925, %eq3A_926 : vector<1000x1000xf32>
    %lt3A_928 = arith.cmpi slt, %iota3A_163, %iota3A : vector<1000x1000xi32>
    %and3A_929 = arith.andi %eq3A_927, %lt3A_928 : vector<1000x1000xi1>
    %or3A_930 = arith.ori %gt3A_924, %and3A_929 : vector<1000x1000xi1>
    %convert_element_type3A_931 = arith.extui %or3A_930 : vector<1000x1000xi1> to vector<1000x1000xi32>
    %convert_element_type3A_932 = arith.sitofp %convert_element_type3A_931 : vector<1000x1000xi32> to vector<1000x1000xf32>
    %convert_element_type3A_933 = arith.truncf %convert_element_type3A_932 : vector<1000x1000xf32> to vector<1000x1000xbf16>
    %swap3A_934 = arith.constant 0 : index
    %swap3A_935 = arith.constant 0 : index
    %swap3A_936 = vector.load %arg6[%swap3A_934, %swap3A_935] : memref<1000x1000xbf16, #tpu.memory_space<vmem>>, vector<1000x1000xbf16>
    tpu.vector_store %arg6[%swap3A_934, %swap3A_935], %convert_element_type3A_933 {strides = array<i32>} : memref<1000x1000xbf16, #tpu.memory_space<vmem>>, vector<1000x1000xbf16>,
    %gt3A_937 = arith.constant 0.00999999977 : f32
    %gt3A_938 = vector.broadcast %gt3A_937 : f32 to vector<1x1000xf32>
    %gt3A_939 = arith.cmpf ogt, %slice3A_915, %gt3A_938 : vector<1x1000xf32>
    %convert_element_type3A_940 = arith.extui %gt3A_939 : vector<1x1000xi1> to vector<1x1000xi32>
    %convert_element_type3A_941 = arith.sitofp %convert_element_type3A_940 : vector<1x1000xi32> to vector<1x1000xf32>
    %convert_element_type3A_942 = arith.truncf %convert_element_type3A_941 : vector<1x1000xf32> to vector<1x1000xbf16>
    %get3A_943 = arith.constant 0 : index
    %get3A_944 = arith.constant 0 : index
    %get3A_945 = vector.load %arg5[%get3A_943, %get3A_944] : memref<1000x1000xbf16, #tpu.memory_space<vmem>>, vector<1000x1000xbf16>
    %mul3A_946 = vector.broadcast %convert_element_type3A_942 : vector<1x1000xbf16> to vector<1000x1000xbf16>
    %mul3A_947 = arith.mulf %get3A_945, %mul3A_946 : vector<1000x1000xbf16>
    %mul3A_948 = arith.mulf %convert_element_type3A_933, %mul3A_947 : vector<1000x1000xbf16>
    %swap3A_949 = arith.constant 0 : index
    %swap3A_950 = arith.constant 0 : index
    %swap3A_951 = vector.load %arg7[%swap3A_949, %swap3A_950] : memref<1000x1000xbf16, #tpu.memory_space<vmem>>, vector<1000x1000xbf16>
    tpu.vector_store %arg7[%swap3A_949, %swap3A_950], %mul3A_948 {strides = array<i32>} : memref<1000x1000xbf16, #tpu.memory_space<vmem>>, vector<1000x1000xbf16>,
    %reduce_max3A_952 = arith.constant dense<0xFF80> : vector<1000xbf16>
    %reduce_max3A_953 = vector.multi_reduction <maximumf>, %mul3A_948, %reduce_max3A_952 [1] : vector<1000x1000xbf16> to vector<1000xbf16>
    %broadcast_in_dim3A_954 = vector.shape_cast %reduce_max3A_953 : vector<1000xbf16> to vector<1000x1xbf16>
    %eq3A_955 = arith.constant 0.000000e+00 : bf16
    %eq3A_956 = vector.broadcast %eq3A_955 : bf16 to vector<1000x1xbf16>
    %eq3A_957 = arith.cmpf oeq, %broadcast_in_dim3A_954, %eq3A_956 : vector<1000x1xbf16>
    %convert_element_type3A_958 = arith.extui %eq3A_957 : vector<1000x1xi1> to vector<1000x1xi32>
    %convert_element_type3A_959 = arith.sitofp %convert_element_type3A_958 : vector<1000x1xi32> to vector<1000x1xf32>
    %convert_element_type3A_960 = arith.truncf %convert_element_type3A_959 : vector<1000x1xf32> to vector<1000x1xbf16>
    %mul3A_961 = arith.mulf %convert_element_type3A_921, %convert_element_type3A_960 : vector<1000x1xbf16>
    %swap3A_962 = arith.constant 0 : index
    %swap3A_963 = arith.constant 0 : index
    %swap3A_964 = vector.load %arg8[%swap3A_962, %swap3A_963] : memref<1000x1xbf16, #tpu.memory_space<vmem>>, vector<1000x1xbf16>
    tpu.vector_store %arg8[%swap3A_962, %swap3A_963], %mul3A_961 {strides = array<i32>} : memref<1000x1xbf16, #tpu.memory_space<vmem>>, vector<1000x1xbf16>,
    %while3A_965 = arith.constant 0 : i32
    %while3A_966 = arith.constant 1 : i32
    %while3A_967:2 = scf.while (%while3A_1794 = %while3A_965, %while3A_1795 = %while3A_966) : (i32, i32) -> (i32, i32) {
      %gt3A_1796 = arith.constant 0 : i32
      %gt3A_1797 = arith.cmpi sgt, %while3A_1795, %gt3A_1796 : i32
      scf.condition(%gt3A_1797) %while3A_1794, %while3A_1795 : i32, i32
    } do {
    ^bb0(%while3A_1794: i32, %while3A_1795: i32):
      %get3A_1796 = arith.constant 0 : index
      %get3A_1797 = arith.constant 0 : index
      %get3A_1798 = vector.load %arg8[%get3A_1796, %get3A_1797] : memref<1000x1xbf16, #tpu.memory_space<vmem>>, vector<1000x1xbf16>
      %get3A_1799 = arith.constant 0 : index
      %get3A_1800 = arith.constant 0 : index
      %get3A_1801 = vector.load %arg7[%get3A_1799, %get3A_1800] : memref<1000x1000xbf16, #tpu.memory_space<vmem>>, vector<1000x1000xbf16>
      %dot_general3A_1802 = arith.constant dense<0.000000e+00> : vector<1000x1xf32>
      %dot_general3A_1803 = tpu.matmul %get3A_1801, %get3A_1798, %dot_general3A_1802 {dimension_numbers = #tpu.dot_dimension_numbers<[1], [0], [0], [1], [0, 0, 1, 1], [], []>, transpose_lhs_hint = false} : vector<1000x1000xbf16>, vector<1000x1xbf16>, vector<1000x1xf32> -> vector<1000x1xf32>
      %eq3A_1804 = arith.constant 0.000000e+00 : f32
      %eq3A_1805 = vector.broadcast %eq3A_1804 : f32 to vector<1000x1xf32>
      %eq3A_1806 = arith.cmpf oeq, %dot_general3A_1803, %eq3A_1805 : vector<1000x1xf32>
      %convert_element_type3A_1807 = arith.extui %eq3A_1806 : vector<1000x1xi1> to vector<1000x1xi32>
      %convert_element_type3A_1808 = arith.sitofp %convert_element_type3A_1807 : vector<1000x1xi32> to vector<1000x1xf32>
      %convert_element_type3A_1809 = arith.truncf %convert_element_type3A_1808 : vector<1000x1xf32> to vector<1000x1xbf16>
      %mul3A_1810 = arith.mulf %convert_element_type3A_921, %convert_element_type3A_1809 : vector<1000x1xbf16>
      %sub3A_1811 = arith.subf %mul3A_1810, %get3A_1798 : vector<1000x1xbf16>
      %convert_element_type3A_1812 = arith.extf %sub3A_1811 : vector<1000x1xbf16> to vector<1000x1xf32>
      %abs3A = math.absf %convert_element_type3A_1812 : vector<1000x1xf32>
      %reduce_sum3A = vector.shape_cast %abs3A : vector<1000x1xf32> to vector<1x1000x1xf32>
      %reduce_sum3A_1813 = arith.constant dense<0.000000e+00> : vector<1xf32>
      %reduce_sum3A_1814 = vector.multi_reduction <add>, %reduce_sum3A, %reduce_sum3A_1813 [1, 2] : vector<1x1000x1xf32> to vector<1xf32>
      %reduce_sum3A_1815 = vector.shape_cast %reduce_sum3A_1814 : vector<1xf32> to vector<1x1x1xf32>
      %reduce_sum3A_1816 = vector.extract %reduce_sum3A_1815[0, 0, 0] : f32 from vector<1x1x1xf32>
      %swap3A_1817 = arith.constant 0 : index
      %swap3A_1818 = arith.constant 0 : index
      %swap3A_1819 = vector.load %arg8[%swap3A_1817, %swap3A_1818] : memref<1000x1xbf16, #tpu.memory_space<vmem>>, vector<1000x1xbf16>
      tpu.vector_store %arg8[%swap3A_1817, %swap3A_1818], %mul3A_1810 {strides = array<i32>} : memref<1000x1xbf16, #tpu.memory_space<vmem>>, vector<1000x1xbf16>,
      %add3A_1820 = arith.constant 1 : i32
      %add3A_1821 = arith.addi %while3A_1794, %add3A_1820 : i32
      %gt3A_1822 = arith.constant 0.000000e+00 : f32
      %gt3A_1823 = arith.cmpf ogt, %reduce_sum3A_1816, %gt3A_1822 : f32
      %convert_element_type3A_1824 = arith.extui %gt3A_1823 : i1 to i32
      scf.yield %add3A_1821, %convert_element_type3A_1824 : i32, i32
    }
    %get3A_968 = arith.constant 0 : index
    %get3A_969 = arith.constant 0 : index
    %get3A_970 = vector.load %arg8[%get3A_968, %get3A_969] : memref<1000x1xbf16, #tpu.memory_space<vmem>>, vector<1000x1xbf16>
    %get3A_971 = arith.constant 0 : index
    %get3A_972 = arith.constant 0 : index
    %get3A_973 = vector.load %arg6[%get3A_971, %get3A_972] : memref<1000x1000xbf16, #tpu.memory_space<vmem>>, vector<1000x1000xbf16>
    %dot_general3A_974 = arith.constant dense<0.000000e+00> : vector<1000x1xf32>
    %dot_general3A_975 = tpu.matmul %get3A_973, %get3A_970, %dot_general3A_974 {dimension_numbers = #tpu.dot_dimension_numbers<[1], [0], [0], [1], [0, 0, 1, 1], [], []>, transpose_lhs_hint = false} : vector<1000x1000xbf16>, vector<1000x1xbf16>, vector<1000x1xf32> -> vector<1000x1xf32>
    %convert_element_type3A_976 = arith.extf %get3A_970 : vector<1000x1xbf16> to vector<1000x1xf32>
    %gt3A_977 = arith.constant 0.000000e+00 : f32
    %gt3A_978 = vector.broadcast %gt3A_977 : f32 to vector<1000x1xf32>
    %gt3A_979 = arith.cmpf ogt, %convert_element_type3A_976, %gt3A_978 : vector<1000x1xf32>
    %lt3A_980 = arith.constant 4.000000e+02 : f32
    %lt3A_981 = vector.broadcast %lt3A_980 : f32 to vector<1000x1xf32>
    %lt3A_982 = arith.cmpf olt, %dot_general3A_975, %lt3A_981 : vector<1000x1xf32>
    %and3A_983 = arith.andi %gt3A_979, %lt3A_982 : vector<1000x1xi1>
    %jit3A_984 = arith.constant 5.110000e+02 : f32
    %broadcast_in_dim3A_985 = vector.broadcast %jit3A_984 : f32 to vector<1000x1xf32>
    %select_n3A_986 = arith.select %and3A_983, %dot_general3A_975, %broadcast_in_dim3A_985 : vector<1000x1xi1>, vector<1000x1xf32>
    %convert_element_type3A_987 = arith.fptosi %select_n3A_986 : vector<1000x1xf32> to vector<1000x1xi32>
    %swap3A_988 = arith.constant 0 : index
    %swap3A_989 = arith.constant 0 : index
    %swap3A_990 = arith.constant 9 : index
    %swap3A_991 = vector.load %arg4[%swap3A_988, %swap3A_989, %swap3A_990] : memref<1x1024x32xi32, #tpu.memory_space<vmem>>, vector<1x1000x1xi32>
    %swap3A_992 = vector.shape_cast %swap3A_991 : vector<1x1000x1xi32> to vector<1000x1xi32>
    %swap3A_993 = vector.shape_cast %convert_element_type3A_987 : vector<1000x1xi32> to vector<1x1000x1xi32>
    tpu.vector_store %arg4[%swap3A_988, %swap3A_989, %swap3A_990], %swap3A_993 {strides = array<i32>} : memref<1x1024x32xi32, #tpu.memory_space<vmem>>, vector<1x1000x1xi32>,
    %slice3A_994 = vector.extract_strided_slice %get3A_3 {offsets = [0, 11], sizes = [1000, 1], strides = [1, 1]} : vector<1000x33xf32> to vector<1000x1xf32>
    %slice3A_995 = vector.extract_strided_slice %transpose3A {offsets = [11, 0], sizes = [1, 1000], strides = [1, 1]} : vector<33x1000xf32> to vector<1x1000xf32>
    %gt3A_996 = arith.constant 0.00999999977 : f32
    %gt3A_997 = vector.broadcast %gt3A_996 : f32 to vector<1000x1xf32>
    %gt3A_998 = arith.cmpf ogt, %slice3A_994, %gt3A_997 : vector<1000x1xf32>
    %convert_element_type3A_999 = arith.extui %gt3A_998 : vector<1000x1xi1> to vector<1000x1xi32>
    %convert_element_type3A_1000 = arith.sitofp %convert_element_type3A_999 : vector<1000x1xi32> to vector<1000x1xf32>
    %convert_element_type3A_1001 = arith.truncf %convert_element_type3A_1000 : vector<1000x1xf32> to vector<1000x1xbf16>
    %gt3A_1002 = vector.broadcast %slice3A_995 : vector<1x1000xf32> to vector<1000x1000xf32>
    %gt3A_1003 = vector.broadcast %slice3A_994 : vector<1000x1xf32> to vector<1000x1000xf32>
    %gt3A_1004 = arith.cmpf ogt, %gt3A_1002, %gt3A_1003 : vector<1000x1000xf32>
    %eq3A_1005 = vector.broadcast %slice3A_995 : vector<1x1000xf32> to vector<1000x1000xf32>
    %eq3A_1006 = vector.broadcast %slice3A_994 : vector<1000x1xf32> to vector<1000x1000xf32>
    %eq3A_1007 = arith.cmpf oeq, %eq3A_1005, %eq3A_1006 : vector<1000x1000xf32>
    %lt3A_1008 = arith.cmpi slt, %iota3A_163, %iota3A : vector<1000x1000xi32>
    %and3A_1009 = arith.andi %eq3A_1007, %lt3A_1008 : vector<1000x1000xi1>
    %or3A_1010 = arith.ori %gt3A_1004, %and3A_1009 : vector<1000x1000xi1>
    %convert_element_type3A_1011 = arith.extui %or3A_1010 : vector<1000x1000xi1> to vector<1000x1000xi32>
    %convert_element_type3A_1012 = arith.sitofp %convert_element_type3A_1011 : vector<1000x1000xi32> to vector<1000x1000xf32>
    %convert_element_type3A_1013 = arith.truncf %convert_element_type3A_1012 : vector<1000x1000xf32> to vector<1000x1000xbf16>
    %swap3A_1014 = arith.constant 0 : index
    %swap3A_1015 = arith.constant 0 : index
    %swap3A_1016 = vector.load %arg6[%swap3A_1014, %swap3A_1015] : memref<1000x1000xbf16, #tpu.memory_space<vmem>>, vector<1000x1000xbf16>
    tpu.vector_store %arg6[%swap3A_1014, %swap3A_1015], %convert_element_type3A_1013 {strides = array<i32>} : memref<1000x1000xbf16, #tpu.memory_space<vmem>>, vector<1000x1000xbf16>,
    %gt3A_1017 = arith.constant 0.00999999977 : f32
    %gt3A_1018 = vector.broadcast %gt3A_1017 : f32 to vector<1x1000xf32>
    %gt3A_1019 = arith.cmpf ogt, %slice3A_995, %gt3A_1018 : vector<1x1000xf32>
    %convert_element_type3A_1020 = arith.extui %gt3A_1019 : vector<1x1000xi1> to vector<1x1000xi32>
    %convert_element_type3A_1021 = arith.sitofp %convert_element_type3A_1020 : vector<1x1000xi32> to vector<1x1000xf32>
    %convert_element_type3A_1022 = arith.truncf %convert_element_type3A_1021 : vector<1x1000xf32> to vector<1x1000xbf16>
    %get3A_1023 = arith.constant 0 : index
    %get3A_1024 = arith.constant 0 : index
    %get3A_1025 = vector.load %arg5[%get3A_1023, %get3A_1024] : memref<1000x1000xbf16, #tpu.memory_space<vmem>>, vector<1000x1000xbf16>
    %mul3A_1026 = vector.broadcast %convert_element_type3A_1022 : vector<1x1000xbf16> to vector<1000x1000xbf16>
    %mul3A_1027 = arith.mulf %get3A_1025, %mul3A_1026 : vector<1000x1000xbf16>
    %mul3A_1028 = arith.mulf %convert_element_type3A_1013, %mul3A_1027 : vector<1000x1000xbf16>
    %swap3A_1029 = arith.constant 0 : index
    %swap3A_1030 = arith.constant 0 : index
    %swap3A_1031 = vector.load %arg7[%swap3A_1029, %swap3A_1030] : memref<1000x1000xbf16, #tpu.memory_space<vmem>>, vector<1000x1000xbf16>
    tpu.vector_store %arg7[%swap3A_1029, %swap3A_1030], %mul3A_1028 {strides = array<i32>} : memref<1000x1000xbf16, #tpu.memory_space<vmem>>, vector<1000x1000xbf16>,
    %reduce_max3A_1032 = arith.constant dense<0xFF80> : vector<1000xbf16>
    %reduce_max3A_1033 = vector.multi_reduction <maximumf>, %mul3A_1028, %reduce_max3A_1032 [1] : vector<1000x1000xbf16> to vector<1000xbf16>
    %broadcast_in_dim3A_1034 = vector.shape_cast %reduce_max3A_1033 : vector<1000xbf16> to vector<1000x1xbf16>
    %eq3A_1035 = arith.constant 0.000000e+00 : bf16
    %eq3A_1036 = vector.broadcast %eq3A_1035 : bf16 to vector<1000x1xbf16>
    %eq3A_1037 = arith.cmpf oeq, %broadcast_in_dim3A_1034, %eq3A_1036 : vector<1000x1xbf16>
    %convert_element_type3A_1038 = arith.extui %eq3A_1037 : vector<1000x1xi1> to vector<1000x1xi32>
    %convert_element_type3A_1039 = arith.sitofp %convert_element_type3A_1038 : vector<1000x1xi32> to vector<1000x1xf32>
    %convert_element_type3A_1040 = arith.truncf %convert_element_type3A_1039 : vector<1000x1xf32> to vector<1000x1xbf16>
    %mul3A_1041 = arith.mulf %convert_element_type3A_1001, %convert_element_type3A_1040 : vector<1000x1xbf16>
    %swap3A_1042 = arith.constant 0 : index
    %swap3A_1043 = arith.constant 0 : index
    %swap3A_1044 = vector.load %arg8[%swap3A_1042, %swap3A_1043] : memref<1000x1xbf16, #tpu.memory_space<vmem>>, vector<1000x1xbf16>
    tpu.vector_store %arg8[%swap3A_1042, %swap3A_1043], %mul3A_1041 {strides = array<i32>} : memref<1000x1xbf16, #tpu.memory_space<vmem>>, vector<1000x1xbf16>,
    %while3A_1045 = arith.constant 0 : i32
    %while3A_1046 = arith.constant 1 : i32
    %while3A_1047:2 = scf.while (%while3A_1794 = %while3A_1045, %while3A_1795 = %while3A_1046) : (i32, i32) -> (i32, i32) {
      %gt3A_1796 = arith.constant 0 : i32
      %gt3A_1797 = arith.cmpi sgt, %while3A_1795, %gt3A_1796 : i32
      scf.condition(%gt3A_1797) %while3A_1794, %while3A_1795 : i32, i32
    } do {
    ^bb0(%while3A_1794: i32, %while3A_1795: i32):
      %get3A_1796 = arith.constant 0 : index
      %get3A_1797 = arith.constant 0 : index
      %get3A_1798 = vector.load %arg8[%get3A_1796, %get3A_1797] : memref<1000x1xbf16, #tpu.memory_space<vmem>>, vector<1000x1xbf16>
      %get3A_1799 = arith.constant 0 : index
      %get3A_1800 = arith.constant 0 : index
      %get3A_1801 = vector.load %arg7[%get3A_1799, %get3A_1800] : memref<1000x1000xbf16, #tpu.memory_space<vmem>>, vector<1000x1000xbf16>
      %dot_general3A_1802 = arith.constant dense<0.000000e+00> : vector<1000x1xf32>
      %dot_general3A_1803 = tpu.matmul %get3A_1801, %get3A_1798, %dot_general3A_1802 {dimension_numbers = #tpu.dot_dimension_numbers<[1], [0], [0], [1], [0, 0, 1, 1], [], []>, transpose_lhs_hint = false} : vector<1000x1000xbf16>, vector<1000x1xbf16>, vector<1000x1xf32> -> vector<1000x1xf32>
      %eq3A_1804 = arith.constant 0.000000e+00 : f32
      %eq3A_1805 = vector.broadcast %eq3A_1804 : f32 to vector<1000x1xf32>
      %eq3A_1806 = arith.cmpf oeq, %dot_general3A_1803, %eq3A_1805 : vector<1000x1xf32>
      %convert_element_type3A_1807 = arith.extui %eq3A_1806 : vector<1000x1xi1> to vector<1000x1xi32>
      %convert_element_type3A_1808 = arith.sitofp %convert_element_type3A_1807 : vector<1000x1xi32> to vector<1000x1xf32>
      %convert_element_type3A_1809 = arith.truncf %convert_element_type3A_1808 : vector<1000x1xf32> to vector<1000x1xbf16>
      %mul3A_1810 = arith.mulf %convert_element_type3A_1001, %convert_element_type3A_1809 : vector<1000x1xbf16>
      %sub3A_1811 = arith.subf %mul3A_1810, %get3A_1798 : vector<1000x1xbf16>
      %convert_element_type3A_1812 = arith.extf %sub3A_1811 : vector<1000x1xbf16> to vector<1000x1xf32>
      %abs3A = math.absf %convert_element_type3A_1812 : vector<1000x1xf32>
      %reduce_sum3A = vector.shape_cast %abs3A : vector<1000x1xf32> to vector<1x1000x1xf32>
      %reduce_sum3A_1813 = arith.constant dense<0.000000e+00> : vector<1xf32>
      %reduce_sum3A_1814 = vector.multi_reduction <add>, %reduce_sum3A, %reduce_sum3A_1813 [1, 2] : vector<1x1000x1xf32> to vector<1xf32>
      %reduce_sum3A_1815 = vector.shape_cast %reduce_sum3A_1814 : vector<1xf32> to vector<1x1x1xf32>
      %reduce_sum3A_1816 = vector.extract %reduce_sum3A_1815[0, 0, 0] : f32 from vector<1x1x1xf32>
      %swap3A_1817 = arith.constant 0 : index
      %swap3A_1818 = arith.constant 0 : index
      %swap3A_1819 = vector.load %arg8[%swap3A_1817, %swap3A_1818] : memref<1000x1xbf16, #tpu.memory_space<vmem>>, vector<1000x1xbf16>
      tpu.vector_store %arg8[%swap3A_1817, %swap3A_1818], %mul3A_1810 {strides = array<i32>} : memref<1000x1xbf16, #tpu.memory_space<vmem>>, vector<1000x1xbf16>,
      %add3A_1820 = arith.constant 1 : i32
      %add3A_1821 = arith.addi %while3A_1794, %add3A_1820 : i32
      %gt3A_1822 = arith.constant 0.000000e+00 : f32
      %gt3A_1823 = arith.cmpf ogt, %reduce_sum3A_1816, %gt3A_1822 : f32
      %convert_element_type3A_1824 = arith.extui %gt3A_1823 : i1 to i32
      scf.yield %add3A_1821, %convert_element_type3A_1824 : i32, i32
    }
    %get3A_1048 = arith.constant 0 : index
    %get3A_1049 = arith.constant 0 : index
    %get3A_1050 = vector.load %arg8[%get3A_1048, %get3A_1049] : memref<1000x1xbf16, #tpu.memory_space<vmem>>, vector<1000x1xbf16>
    %get3A_1051 = arith.constant 0 : index
    %get3A_1052 = arith.constant 0 : index
    %get3A_1053 = vector.load %arg6[%get3A_1051, %get3A_1052] : memref<1000x1000xbf16, #tpu.memory_space<vmem>>, vector<1000x1000xbf16>
    %dot_general3A_1054 = arith.constant dense<0.000000e+00> : vector<1000x1xf32>
    %dot_general3A_1055 = tpu.matmul %get3A_1053, %get3A_1050, %dot_general3A_1054 {dimension_numbers = #tpu.dot_dimension_numbers<[1], [0], [0], [1], [0, 0, 1, 1], [], []>, transpose_lhs_hint = false} : vector<1000x1000xbf16>, vector<1000x1xbf16>, vector<1000x1xf32> -> vector<1000x1xf32>
    %convert_element_type3A_1056 = arith.extf %get3A_1050 : vector<1000x1xbf16> to vector<1000x1xf32>
    %gt3A_1057 = arith.constant 0.000000e+00 : f32
    %gt3A_1058 = vector.broadcast %gt3A_1057 : f32 to vector<1000x1xf32>
    %gt3A_1059 = arith.cmpf ogt, %convert_element_type3A_1056, %gt3A_1058 : vector<1000x1xf32>
    %lt3A_1060 = arith.constant 4.000000e+02 : f32
    %lt3A_1061 = vector.broadcast %lt3A_1060 : f32 to vector<1000x1xf32>
    %lt3A_1062 = arith.cmpf olt, %dot_general3A_1055, %lt3A_1061 : vector<1000x1xf32>
    %and3A_1063 = arith.andi %gt3A_1059, %lt3A_1062 : vector<1000x1xi1>
    %jit3A_1064 = arith.constant 5.110000e+02 : f32
    %broadcast_in_dim3A_1065 = vector.broadcast %jit3A_1064 : f32 to vector<1000x1xf32>
    %select_n3A_1066 = arith.select %and3A_1063, %dot_general3A_1055, %broadcast_in_dim3A_1065 : vector<1000x1xi1>, vector<1000x1xf32>
    %convert_element_type3A_1067 = arith.fptosi %select_n3A_1066 : vector<1000x1xf32> to vector<1000x1xi32>
    %swap3A_1068 = arith.constant 0 : index
    %swap3A_1069 = arith.constant 0 : index
    %swap3A_1070 = arith.constant 10 : index
    %swap3A_1071 = vector.load %arg4[%swap3A_1068, %swap3A_1069, %swap3A_1070] : memref<1x1024x32xi32, #tpu.memory_space<vmem>>, vector<1x1000x1xi32>
    %swap3A_1072 = vector.shape_cast %swap3A_1071 : vector<1x1000x1xi32> to vector<1000x1xi32>
    %swap3A_1073 = vector.shape_cast %convert_element_type3A_1067 : vector<1000x1xi32> to vector<1x1000x1xi32>
    tpu.vector_store %arg4[%swap3A_1068, %swap3A_1069, %swap3A_1070], %swap3A_1073 {strides = array<i32>} : memref<1x1024x32xi32, #tpu.memory_space<vmem>>, vector<1x1000x1xi32>,
    %slice3A_1074 = vector.extract_strided_slice %get3A_3 {offsets = [0, 12], sizes = [1000, 1], strides = [1, 1]} : vector<1000x33xf32> to vector<1000x1xf32>
    %slice3A_1075 = vector.extract_strided_slice %transpose3A {offsets = [12, 0], sizes = [1, 1000], strides = [1, 1]} : vector<33x1000xf32> to vector<1x1000xf32>
    %gt3A_1076 = arith.constant 0.00999999977 : f32
    %gt3A_1077 = vector.broadcast %gt3A_1076 : f32 to vector<1000x1xf32>
    %gt3A_1078 = arith.cmpf ogt, %slice3A_1074, %gt3A_1077 : vector<1000x1xf32>
    %convert_element_type3A_1079 = arith.extui %gt3A_1078 : vector<1000x1xi1> to vector<1000x1xi32>
    %convert_element_type3A_1080 = arith.sitofp %convert_element_type3A_1079 : vector<1000x1xi32> to vector<1000x1xf32>
    %convert_element_type3A_1081 = arith.truncf %convert_element_type3A_1080 : vector<1000x1xf32> to vector<1000x1xbf16>
    %gt3A_1082 = vector.broadcast %slice3A_1075 : vector<1x1000xf32> to vector<1000x1000xf32>
    %gt3A_1083 = vector.broadcast %slice3A_1074 : vector<1000x1xf32> to vector<1000x1000xf32>
    %gt3A_1084 = arith.cmpf ogt, %gt3A_1082, %gt3A_1083 : vector<1000x1000xf32>
    %eq3A_1085 = vector.broadcast %slice3A_1075 : vector<1x1000xf32> to vector<1000x1000xf32>
    %eq3A_1086 = vector.broadcast %slice3A_1074 : vector<1000x1xf32> to vector<1000x1000xf32>
    %eq3A_1087 = arith.cmpf oeq, %eq3A_1085, %eq3A_1086 : vector<1000x1000xf32>
    %lt3A_1088 = arith.cmpi slt, %iota3A_163, %iota3A : vector<1000x1000xi32>
    %and3A_1089 = arith.andi %eq3A_1087, %lt3A_1088 : vector<1000x1000xi1>
    %or3A_1090 = arith.ori %gt3A_1084, %and3A_1089 : vector<1000x1000xi1>
    %convert_element_type3A_1091 = arith.extui %or3A_1090 : vector<1000x1000xi1> to vector<1000x1000xi32>
    %convert_element_type3A_1092 = arith.sitofp %convert_element_type3A_1091 : vector<1000x1000xi32> to vector<1000x1000xf32>
    %convert_element_type3A_1093 = arith.truncf %convert_element_type3A_1092 : vector<1000x1000xf32> to vector<1000x1000xbf16>
    %swap3A_1094 = arith.constant 0 : index
    %swap3A_1095 = arith.constant 0 : index
    %swap3A_1096 = vector.load %arg6[%swap3A_1094, %swap3A_1095] : memref<1000x1000xbf16, #tpu.memory_space<vmem>>, vector<1000x1000xbf16>
    tpu.vector_store %arg6[%swap3A_1094, %swap3A_1095], %convert_element_type3A_1093 {strides = array<i32>} : memref<1000x1000xbf16, #tpu.memory_space<vmem>>, vector<1000x1000xbf16>,
    %gt3A_1097 = arith.constant 0.00999999977 : f32
    %gt3A_1098 = vector.broadcast %gt3A_1097 : f32 to vector<1x1000xf32>
    %gt3A_1099 = arith.cmpf ogt, %slice3A_1075, %gt3A_1098 : vector<1x1000xf32>
    %convert_element_type3A_1100 = arith.extui %gt3A_1099 : vector<1x1000xi1> to vector<1x1000xi32>
    %convert_element_type3A_1101 = arith.sitofp %convert_element_type3A_1100 : vector<1x1000xi32> to vector<1x1000xf32>
    %convert_element_type3A_1102 = arith.truncf %convert_element_type3A_1101 : vector<1x1000xf32> to vector<1x1000xbf16>
    %get3A_1103 = arith.constant 0 : index
    %get3A_1104 = arith.constant 0 : index
    %get3A_1105 = vector.load %arg5[%get3A_1103, %get3A_1104] : memref<1000x1000xbf16, #tpu.memory_space<vmem>>, vector<1000x1000xbf16>
    %mul3A_1106 = vector.broadcast %convert_element_type3A_1102 : vector<1x1000xbf16> to vector<1000x1000xbf16>
    %mul3A_1107 = arith.mulf %get3A_1105, %mul3A_1106 : vector<1000x1000xbf16>
    %mul3A_1108 = arith.mulf %convert_element_type3A_1093, %mul3A_1107 : vector<1000x1000xbf16>
    %swap3A_1109 = arith.constant 0 : index
    %swap3A_1110 = arith.constant 0 : index
    %swap3A_1111 = vector.load %arg7[%swap3A_1109, %swap3A_1110] : memref<1000x1000xbf16, #tpu.memory_space<vmem>>, vector<1000x1000xbf16>
    tpu.vector_store %arg7[%swap3A_1109, %swap3A_1110], %mul3A_1108 {strides = array<i32>} : memref<1000x1000xbf16, #tpu.memory_space<vmem>>, vector<1000x1000xbf16>,
    %reduce_max3A_1112 = arith.constant dense<0xFF80> : vector<1000xbf16>
    %reduce_max3A_1113 = vector.multi_reduction <maximumf>, %mul3A_1108, %reduce_max3A_1112 [1] : vector<1000x1000xbf16> to vector<1000xbf16>
    %broadcast_in_dim3A_1114 = vector.shape_cast %reduce_max3A_1113 : vector<1000xbf16> to vector<1000x1xbf16>
    %eq3A_1115 = arith.constant 0.000000e+00 : bf16
    %eq3A_1116 = vector.broadcast %eq3A_1115 : bf16 to vector<1000x1xbf16>
    %eq3A_1117 = arith.cmpf oeq, %broadcast_in_dim3A_1114, %eq3A_1116 : vector<1000x1xbf16>
    %convert_element_type3A_1118 = arith.extui %eq3A_1117 : vector<1000x1xi1> to vector<1000x1xi32>
    %convert_element_type3A_1119 = arith.sitofp %convert_element_type3A_1118 : vector<1000x1xi32> to vector<1000x1xf32>
    %convert_element_type3A_1120 = arith.truncf %convert_element_type3A_1119 : vector<1000x1xf32> to vector<1000x1xbf16>
    %mul3A_1121 = arith.mulf %convert_element_type3A_1081, %convert_element_type3A_1120 : vector<1000x1xbf16>
    %swap3A_1122 = arith.constant 0 : index
    %swap3A_1123 = arith.constant 0 : index
    %swap3A_1124 = vector.load %arg8[%swap3A_1122, %swap3A_1123] : memref<1000x1xbf16, #tpu.memory_space<vmem>>, vector<1000x1xbf16>
    tpu.vector_store %arg8[%swap3A_1122, %swap3A_1123], %mul3A_1121 {strides = array<i32>} : memref<1000x1xbf16, #tpu.memory_space<vmem>>, vector<1000x1xbf16>,
    %while3A_1125 = arith.constant 0 : i32
    %while3A_1126 = arith.constant 1 : i32
    %while3A_1127:2 = scf.while (%while3A_1794 = %while3A_1125, %while3A_1795 = %while3A_1126) : (i32, i32) -> (i32, i32) {
      %gt3A_1796 = arith.constant 0 : i32
      %gt3A_1797 = arith.cmpi sgt, %while3A_1795, %gt3A_1796 : i32
      scf.condition(%gt3A_1797) %while3A_1794, %while3A_1795 : i32, i32
    } do {
    ^bb0(%while3A_1794: i32, %while3A_1795: i32):
      %get3A_1796 = arith.constant 0 : index
      %get3A_1797 = arith.constant 0 : index
      %get3A_1798 = vector.load %arg8[%get3A_1796, %get3A_1797] : memref<1000x1xbf16, #tpu.memory_space<vmem>>, vector<1000x1xbf16>
      %get3A_1799 = arith.constant 0 : index
      %get3A_1800 = arith.constant 0 : index
      %get3A_1801 = vector.load %arg7[%get3A_1799, %get3A_1800] : memref<1000x1000xbf16, #tpu.memory_space<vmem>>, vector<1000x1000xbf16>
      %dot_general3A_1802 = arith.constant dense<0.000000e+00> : vector<1000x1xf32>
      %dot_general3A_1803 = tpu.matmul %get3A_1801, %get3A_1798, %dot_general3A_1802 {dimension_numbers = #tpu.dot_dimension_numbers<[1], [0], [0], [1], [0, 0, 1, 1], [], []>, transpose_lhs_hint = false} : vector<1000x1000xbf16>, vector<1000x1xbf16>, vector<1000x1xf32> -> vector<1000x1xf32>
      %eq3A_1804 = arith.constant 0.000000e+00 : f32
      %eq3A_1805 = vector.broadcast %eq3A_1804 : f32 to vector<1000x1xf32>
      %eq3A_1806 = arith.cmpf oeq, %dot_general3A_1803, %eq3A_1805 : vector<1000x1xf32>
      %convert_element_type3A_1807 = arith.extui %eq3A_1806 : vector<1000x1xi1> to vector<1000x1xi32>
      %convert_element_type3A_1808 = arith.sitofp %convert_element_type3A_1807 : vector<1000x1xi32> to vector<1000x1xf32>
      %convert_element_type3A_1809 = arith.truncf %convert_element_type3A_1808 : vector<1000x1xf32> to vector<1000x1xbf16>
      %mul3A_1810 = arith.mulf %convert_element_type3A_1081, %convert_element_type3A_1809 : vector<1000x1xbf16>
      %sub3A_1811 = arith.subf %mul3A_1810, %get3A_1798 : vector<1000x1xbf16>
      %convert_element_type3A_1812 = arith.extf %sub3A_1811 : vector<1000x1xbf16> to vector<1000x1xf32>
      %abs3A = math.absf %convert_element_type3A_1812 : vector<1000x1xf32>
      %reduce_sum3A = vector.shape_cast %abs3A : vector<1000x1xf32> to vector<1x1000x1xf32>
      %reduce_sum3A_1813 = arith.constant dense<0.000000e+00> : vector<1xf32>
      %reduce_sum3A_1814 = vector.multi_reduction <add>, %reduce_sum3A, %reduce_sum3A_1813 [1, 2] : vector<1x1000x1xf32> to vector<1xf32>
      %reduce_sum3A_1815 = vector.shape_cast %reduce_sum3A_1814 : vector<1xf32> to vector<1x1x1xf32>
      %reduce_sum3A_1816 = vector.extract %reduce_sum3A_1815[0, 0, 0] : f32 from vector<1x1x1xf32>
      %swap3A_1817 = arith.constant 0 : index
      %swap3A_1818 = arith.constant 0 : index
      %swap3A_1819 = vector.load %arg8[%swap3A_1817, %swap3A_1818] : memref<1000x1xbf16, #tpu.memory_space<vmem>>, vector<1000x1xbf16>
      tpu.vector_store %arg8[%swap3A_1817, %swap3A_1818], %mul3A_1810 {strides = array<i32>} : memref<1000x1xbf16, #tpu.memory_space<vmem>>, vector<1000x1xbf16>,
      %add3A_1820 = arith.constant 1 : i32
      %add3A_1821 = arith.addi %while3A_1794, %add3A_1820 : i32
      %gt3A_1822 = arith.constant 0.000000e+00 : f32
      %gt3A_1823 = arith.cmpf ogt, %reduce_sum3A_1816, %gt3A_1822 : f32
      %convert_element_type3A_1824 = arith.extui %gt3A_1823 : i1 to i32
      scf.yield %add3A_1821, %convert_element_type3A_1824 : i32, i32
    }
    %get3A_1128 = arith.constant 0 : index
    %get3A_1129 = arith.constant 0 : index
    %get3A_1130 = vector.load %arg8[%get3A_1128, %get3A_1129] : memref<1000x1xbf16, #tpu.memory_space<vmem>>, vector<1000x1xbf16>
    %get3A_1131 = arith.constant 0 : index
    %get3A_1132 = arith.constant 0 : index
    %get3A_1133 = vector.load %arg6[%get3A_1131, %get3A_1132] : memref<1000x1000xbf16, #tpu.memory_space<vmem>>, vector<1000x1000xbf16>
    %dot_general3A_1134 = arith.constant dense<0.000000e+00> : vector<1000x1xf32>
    %dot_general3A_1135 = tpu.matmul %get3A_1133, %get3A_1130, %dot_general3A_1134 {dimension_numbers = #tpu.dot_dimension_numbers<[1], [0], [0], [1], [0, 0, 1, 1], [], []>, transpose_lhs_hint = false} : vector<1000x1000xbf16>, vector<1000x1xbf16>, vector<1000x1xf32> -> vector<1000x1xf32>
    %convert_element_type3A_1136 = arith.extf %get3A_1130 : vector<1000x1xbf16> to vector<1000x1xf32>
    %gt3A_1137 = arith.constant 0.000000e+00 : f32
    %gt3A_1138 = vector.broadcast %gt3A_1137 : f32 to vector<1000x1xf32>
    %gt3A_1139 = arith.cmpf ogt, %convert_element_type3A_1136, %gt3A_1138 : vector<1000x1xf32>
    %lt3A_1140 = arith.constant 4.000000e+02 : f32
    %lt3A_1141 = vector.broadcast %lt3A_1140 : f32 to vector<1000x1xf32>
    %lt3A_1142 = arith.cmpf olt, %dot_general3A_1135, %lt3A_1141 : vector<1000x1xf32>
    %and3A_1143 = arith.andi %gt3A_1139, %lt3A_1142 : vector<1000x1xi1>
    %jit3A_1144 = arith.constant 5.110000e+02 : f32
    %broadcast_in_dim3A_1145 = vector.broadcast %jit3A_1144 : f32 to vector<1000x1xf32>
    %select_n3A_1146 = arith.select %and3A_1143, %dot_general3A_1135, %broadcast_in_dim3A_1145 : vector<1000x1xi1>, vector<1000x1xf32>
    %convert_element_type3A_1147 = arith.fptosi %select_n3A_1146 : vector<1000x1xf32> to vector<1000x1xi32>
    %swap3A_1148 = arith.constant 0 : index
    %swap3A_1149 = arith.constant 0 : index
    %swap3A_1150 = arith.constant 11 : index
    %swap3A_1151 = vector.load %arg4[%swap3A_1148, %swap3A_1149, %swap3A_1150] : memref<1x1024x32xi32, #tpu.memory_space<vmem>>, vector<1x1000x1xi32>
    %swap3A_1152 = vector.shape_cast %swap3A_1151 : vector<1x1000x1xi32> to vector<1000x1xi32>
    %swap3A_1153 = vector.shape_cast %convert_element_type3A_1147 : vector<1000x1xi32> to vector<1x1000x1xi32>
    tpu.vector_store %arg4[%swap3A_1148, %swap3A_1149, %swap3A_1150], %swap3A_1153 {strides = array<i32>} : memref<1x1024x32xi32, #tpu.memory_space<vmem>>, vector<1x1000x1xi32>,
    %slice3A_1154 = vector.extract_strided_slice %get3A_3 {offsets = [0, 13], sizes = [1000, 1], strides = [1, 1]} : vector<1000x33xf32> to vector<1000x1xf32>
    %slice3A_1155 = vector.extract_strided_slice %transpose3A {offsets = [13, 0], sizes = [1, 1000], strides = [1, 1]} : vector<33x1000xf32> to vector<1x1000xf32>
    %gt3A_1156 = arith.constant 0.00999999977 : f32
    %gt3A_1157 = vector.broadcast %gt3A_1156 : f32 to vector<1000x1xf32>
    %gt3A_1158 = arith.cmpf ogt, %slice3A_1154, %gt3A_1157 : vector<1000x1xf32>
    %convert_element_type3A_1159 = arith.extui %gt3A_1158 : vector<1000x1xi1> to vector<1000x1xi32>
    %convert_element_type3A_1160 = arith.sitofp %convert_element_type3A_1159 : vector<1000x1xi32> to vector<1000x1xf32>
    %convert_element_type3A_1161 = arith.truncf %convert_element_type3A_1160 : vector<1000x1xf32> to vector<1000x1xbf16>
    %gt3A_1162 = vector.broadcast %slice3A_1155 : vector<1x1000xf32> to vector<1000x1000xf32>
    %gt3A_1163 = vector.broadcast %slice3A_1154 : vector<1000x1xf32> to vector<1000x1000xf32>
    %gt3A_1164 = arith.cmpf ogt, %gt3A_1162, %gt3A_1163 : vector<1000x1000xf32>
    %eq3A_1165 = vector.broadcast %slice3A_1155 : vector<1x1000xf32> to vector<1000x1000xf32>
    %eq3A_1166 = vector.broadcast %slice3A_1154 : vector<1000x1xf32> to vector<1000x1000xf32>
    %eq3A_1167 = arith.cmpf oeq, %eq3A_1165, %eq3A_1166 : vector<1000x1000xf32>
    %lt3A_1168 = arith.cmpi slt, %iota3A_163, %iota3A : vector<1000x1000xi32>
    %and3A_1169 = arith.andi %eq3A_1167, %lt3A_1168 : vector<1000x1000xi1>
    %or3A_1170 = arith.ori %gt3A_1164, %and3A_1169 : vector<1000x1000xi1>
    %convert_element_type3A_1171 = arith.extui %or3A_1170 : vector<1000x1000xi1> to vector<1000x1000xi32>
    %convert_element_type3A_1172 = arith.sitofp %convert_element_type3A_1171 : vector<1000x1000xi32> to vector<1000x1000xf32>
    %convert_element_type3A_1173 = arith.truncf %convert_element_type3A_1172 : vector<1000x1000xf32> to vector<1000x1000xbf16>
    %swap3A_1174 = arith.constant 0 : index
    %swap3A_1175 = arith.constant 0 : index
    %swap3A_1176 = vector.load %arg6[%swap3A_1174, %swap3A_1175] : memref<1000x1000xbf16, #tpu.memory_space<vmem>>, vector<1000x1000xbf16>
    tpu.vector_store %arg6[%swap3A_1174, %swap3A_1175], %convert_element_type3A_1173 {strides = array<i32>} : memref<1000x1000xbf16, #tpu.memory_space<vmem>>, vector<1000x1000xbf16>,
    %gt3A_1177 = arith.constant 0.00999999977 : f32
    %gt3A_1178 = vector.broadcast %gt3A_1177 : f32 to vector<1x1000xf32>
    %gt3A_1179 = arith.cmpf ogt, %slice3A_1155, %gt3A_1178 : vector<1x1000xf32>
    %convert_element_type3A_1180 = arith.extui %gt3A_1179 : vector<1x1000xi1> to vector<1x1000xi32>
    %convert_element_type3A_1181 = arith.sitofp %convert_element_type3A_1180 : vector<1x1000xi32> to vector<1x1000xf32>
    %convert_element_type3A_1182 = arith.truncf %convert_element_type3A_1181 : vector<1x1000xf32> to vector<1x1000xbf16>
    %get3A_1183 = arith.constant 0 : index
    %get3A_1184 = arith.constant 0 : index
    %get3A_1185 = vector.load %arg5[%get3A_1183, %get3A_1184] : memref<1000x1000xbf16, #tpu.memory_space<vmem>>, vector<1000x1000xbf16>
    %mul3A_1186 = vector.broadcast %convert_element_type3A_1182 : vector<1x1000xbf16> to vector<1000x1000xbf16>
    %mul3A_1187 = arith.mulf %get3A_1185, %mul3A_1186 : vector<1000x1000xbf16>
    %mul3A_1188 = arith.mulf %convert_element_type3A_1173, %mul3A_1187 : vector<1000x1000xbf16>
    %swap3A_1189 = arith.constant 0 : index
    %swap3A_1190 = arith.constant 0 : index
    %swap3A_1191 = vector.load %arg7[%swap3A_1189, %swap3A_1190] : memref<1000x1000xbf16, #tpu.memory_space<vmem>>, vector<1000x1000xbf16>
    tpu.vector_store %arg7[%swap3A_1189, %swap3A_1190], %mul3A_1188 {strides = array<i32>} : memref<1000x1000xbf16, #tpu.memory_space<vmem>>, vector<1000x1000xbf16>,
    %reduce_max3A_1192 = arith.constant dense<0xFF80> : vector<1000xbf16>
    %reduce_max3A_1193 = vector.multi_reduction <maximumf>, %mul3A_1188, %reduce_max3A_1192 [1] : vector<1000x1000xbf16> to vector<1000xbf16>
    %broadcast_in_dim3A_1194 = vector.shape_cast %reduce_max3A_1193 : vector<1000xbf16> to vector<1000x1xbf16>
    %eq3A_1195 = arith.constant 0.000000e+00 : bf16
    %eq3A_1196 = vector.broadcast %eq3A_1195 : bf16 to vector<1000x1xbf16>
    %eq3A_1197 = arith.cmpf oeq, %broadcast_in_dim3A_1194, %eq3A_1196 : vector<1000x1xbf16>
    %convert_element_type3A_1198 = arith.extui %eq3A_1197 : vector<1000x1xi1> to vector<1000x1xi32>
    %convert_element_type3A_1199 = arith.sitofp %convert_element_type3A_1198 : vector<1000x1xi32> to vector<1000x1xf32>
    %convert_element_type3A_1200 = arith.truncf %convert_element_type3A_1199 : vector<1000x1xf32> to vector<1000x1xbf16>
    %mul3A_1201 = arith.mulf %convert_element_type3A_1161, %convert_element_type3A_1200 : vector<1000x1xbf16>
    %swap3A_1202 = arith.constant 0 : index
    %swap3A_1203 = arith.constant 0 : index
    %swap3A_1204 = vector.load %arg8[%swap3A_1202, %swap3A_1203] : memref<1000x1xbf16, #tpu.memory_space<vmem>>, vector<1000x1xbf16>
    tpu.vector_store %arg8[%swap3A_1202, %swap3A_1203], %mul3A_1201 {strides = array<i32>} : memref<1000x1xbf16, #tpu.memory_space<vmem>>, vector<1000x1xbf16>,
    %while3A_1205 = arith.constant 0 : i32
    %while3A_1206 = arith.constant 1 : i32
    %while3A_1207:2 = scf.while (%while3A_1794 = %while3A_1205, %while3A_1795 = %while3A_1206) : (i32, i32) -> (i32, i32) {
      %gt3A_1796 = arith.constant 0 : i32
      %gt3A_1797 = arith.cmpi sgt, %while3A_1795, %gt3A_1796 : i32
      scf.condition(%gt3A_1797) %while3A_1794, %while3A_1795 : i32, i32
    } do {
    ^bb0(%while3A_1794: i32, %while3A_1795: i32):
      %get3A_1796 = arith.constant 0 : index
      %get3A_1797 = arith.constant 0 : index
      %get3A_1798 = vector.load %arg8[%get3A_1796, %get3A_1797] : memref<1000x1xbf16, #tpu.memory_space<vmem>>, vector<1000x1xbf16>
      %get3A_1799 = arith.constant 0 : index
      %get3A_1800 = arith.constant 0 : index
      %get3A_1801 = vector.load %arg7[%get3A_1799, %get3A_1800] : memref<1000x1000xbf16, #tpu.memory_space<vmem>>, vector<1000x1000xbf16>
      %dot_general3A_1802 = arith.constant dense<0.000000e+00> : vector<1000x1xf32>
      %dot_general3A_1803 = tpu.matmul %get3A_1801, %get3A_1798, %dot_general3A_1802 {dimension_numbers = #tpu.dot_dimension_numbers<[1], [0], [0], [1], [0, 0, 1, 1], [], []>, transpose_lhs_hint = false} : vector<1000x1000xbf16>, vector<1000x1xbf16>, vector<1000x1xf32> -> vector<1000x1xf32>
      %eq3A_1804 = arith.constant 0.000000e+00 : f32
      %eq3A_1805 = vector.broadcast %eq3A_1804 : f32 to vector<1000x1xf32>
      %eq3A_1806 = arith.cmpf oeq, %dot_general3A_1803, %eq3A_1805 : vector<1000x1xf32>
      %convert_element_type3A_1807 = arith.extui %eq3A_1806 : vector<1000x1xi1> to vector<1000x1xi32>
      %convert_element_type3A_1808 = arith.sitofp %convert_element_type3A_1807 : vector<1000x1xi32> to vector<1000x1xf32>
      %convert_element_type3A_1809 = arith.truncf %convert_element_type3A_1808 : vector<1000x1xf32> to vector<1000x1xbf16>
      %mul3A_1810 = arith.mulf %convert_element_type3A_1161, %convert_element_type3A_1809 : vector<1000x1xbf16>
      %sub3A_1811 = arith.subf %mul3A_1810, %get3A_1798 : vector<1000x1xbf16>
      %convert_element_type3A_1812 = arith.extf %sub3A_1811 : vector<1000x1xbf16> to vector<1000x1xf32>
      %abs3A = math.absf %convert_element_type3A_1812 : vector<1000x1xf32>
      %reduce_sum3A = vector.shape_cast %abs3A : vector<1000x1xf32> to vector<1x1000x1xf32>
      %reduce_sum3A_1813 = arith.constant dense<0.000000e+00> : vector<1xf32>
      %reduce_sum3A_1814 = vector.multi_reduction <add>, %reduce_sum3A, %reduce_sum3A_1813 [1, 2] : vector<1x1000x1xf32> to vector<1xf32>
      %reduce_sum3A_1815 = vector.shape_cast %reduce_sum3A_1814 : vector<1xf32> to vector<1x1x1xf32>
      %reduce_sum3A_1816 = vector.extract %reduce_sum3A_1815[0, 0, 0] : f32 from vector<1x1x1xf32>
      %swap3A_1817 = arith.constant 0 : index
      %swap3A_1818 = arith.constant 0 : index
      %swap3A_1819 = vector.load %arg8[%swap3A_1817, %swap3A_1818] : memref<1000x1xbf16, #tpu.memory_space<vmem>>, vector<1000x1xbf16>
      tpu.vector_store %arg8[%swap3A_1817, %swap3A_1818], %mul3A_1810 {strides = array<i32>} : memref<1000x1xbf16, #tpu.memory_space<vmem>>, vector<1000x1xbf16>,
      %add3A_1820 = arith.constant 1 : i32
      %add3A_1821 = arith.addi %while3A_1794, %add3A_1820 : i32
      %gt3A_1822 = arith.constant 0.000000e+00 : f32
      %gt3A_1823 = arith.cmpf ogt, %reduce_sum3A_1816, %gt3A_1822 : f32
      %convert_element_type3A_1824 = arith.extui %gt3A_1823 : i1 to i32
      scf.yield %add3A_1821, %convert_element_type3A_1824 : i32, i32
    }
    %get3A_1208 = arith.constant 0 : index
    %get3A_1209 = arith.constant 0 : index
    %get3A_1210 = vector.load %arg8[%get3A_1208, %get3A_1209] : memref<1000x1xbf16, #tpu.memory_space<vmem>>, vector<1000x1xbf16>
    %get3A_1211 = arith.constant 0 : index
    %get3A_1212 = arith.constant 0 : index
    %get3A_1213 = vector.load %arg6[%get3A_1211, %get3A_1212] : memref<1000x1000xbf16, #tpu.memory_space<vmem>>, vector<1000x1000xbf16>
    %dot_general3A_1214 = arith.constant dense<0.000000e+00> : vector<1000x1xf32>
    %dot_general3A_1215 = tpu.matmul %get3A_1213, %get3A_1210, %dot_general3A_1214 {dimension_numbers = #tpu.dot_dimension_numbers<[1], [0], [0], [1], [0, 0, 1, 1], [], []>, transpose_lhs_hint = false} : vector<1000x1000xbf16>, vector<1000x1xbf16>, vector<1000x1xf32> -> vector<1000x1xf32>
    %convert_element_type3A_1216 = arith.extf %get3A_1210 : vector<1000x1xbf16> to vector<1000x1xf32>
    %gt3A_1217 = arith.constant 0.000000e+00 : f32
    %gt3A_1218 = vector.broadcast %gt3A_1217 : f32 to vector<1000x1xf32>
    %gt3A_1219 = arith.cmpf ogt, %convert_element_type3A_1216, %gt3A_1218 : vector<1000x1xf32>
    %lt3A_1220 = arith.constant 4.000000e+02 : f32
    %lt3A_1221 = vector.broadcast %lt3A_1220 : f32 to vector<1000x1xf32>
    %lt3A_1222 = arith.cmpf olt, %dot_general3A_1215, %lt3A_1221 : vector<1000x1xf32>
    %and3A_1223 = arith.andi %gt3A_1219, %lt3A_1222 : vector<1000x1xi1>
    %jit3A_1224 = arith.constant 5.110000e+02 : f32
    %broadcast_in_dim3A_1225 = vector.broadcast %jit3A_1224 : f32 to vector<1000x1xf32>
    %select_n3A_1226 = arith.select %and3A_1223, %dot_general3A_1215, %broadcast_in_dim3A_1225 : vector<1000x1xi1>, vector<1000x1xf32>
    %convert_element_type3A_1227 = arith.fptosi %select_n3A_1226 : vector<1000x1xf32> to vector<1000x1xi32>
    %swap3A_1228 = arith.constant 0 : index
    %swap3A_1229 = arith.constant 0 : index
    %swap3A_1230 = arith.constant 12 : index
    %swap3A_1231 = vector.load %arg4[%swap3A_1228, %swap3A_1229, %swap3A_1230] : memref<1x1024x32xi32, #tpu.memory_space<vmem>>, vector<1x1000x1xi32>
    %swap3A_1232 = vector.shape_cast %swap3A_1231 : vector<1x1000x1xi32> to vector<1000x1xi32>
    %swap3A_1233 = vector.shape_cast %convert_element_type3A_1227 : vector<1000x1xi32> to vector<1x1000x1xi32>
    tpu.vector_store %arg4[%swap3A_1228, %swap3A_1229, %swap3A_1230], %swap3A_1233 {strides = array<i32>} : memref<1x1024x32xi32, #tpu.memory_space<vmem>>, vector<1x1000x1xi32>,
    %slice3A_1234 = vector.extract_strided_slice %get3A_3 {offsets = [0, 14], sizes = [1000, 1], strides = [1, 1]} : vector<1000x33xf32> to vector<1000x1xf32>
    %slice3A_1235 = vector.extract_strided_slice %transpose3A {offsets = [14, 0], sizes = [1, 1000], strides = [1, 1]} : vector<33x1000xf32> to vector<1x1000xf32>
    %gt3A_1236 = arith.constant 0.00999999977 : f32
    %gt3A_1237 = vector.broadcast %gt3A_1236 : f32 to vector<1000x1xf32>
    %gt3A_1238 = arith.cmpf ogt, %slice3A_1234, %gt3A_1237 : vector<1000x1xf32>
    %convert_element_type3A_1239 = arith.extui %gt3A_1238 : vector<1000x1xi1> to vector<1000x1xi32>
    %convert_element_type3A_1240 = arith.sitofp %convert_element_type3A_1239 : vector<1000x1xi32> to vector<1000x1xf32>
    %convert_element_type3A_1241 = arith.truncf %convert_element_type3A_1240 : vector<1000x1xf32> to vector<1000x1xbf16>
    %gt3A_1242 = vector.broadcast %slice3A_1235 : vector<1x1000xf32> to vector<1000x1000xf32>
    %gt3A_1243 = vector.broadcast %slice3A_1234 : vector<1000x1xf32> to vector<1000x1000xf32>
    %gt3A_1244 = arith.cmpf ogt, %gt3A_1242, %gt3A_1243 : vector<1000x1000xf32>
    %eq3A_1245 = vector.broadcast %slice3A_1235 : vector<1x1000xf32> to vector<1000x1000xf32>
    %eq3A_1246 = vector.broadcast %slice3A_1234 : vector<1000x1xf32> to vector<1000x1000xf32>
    %eq3A_1247 = arith.cmpf oeq, %eq3A_1245, %eq3A_1246 : vector<1000x1000xf32>
    %lt3A_1248 = arith.cmpi slt, %iota3A_163, %iota3A : vector<1000x1000xi32>
    %and3A_1249 = arith.andi %eq3A_1247, %lt3A_1248 : vector<1000x1000xi1>
    %or3A_1250 = arith.ori %gt3A_1244, %and3A_1249 : vector<1000x1000xi1>
    %convert_element_type3A_1251 = arith.extui %or3A_1250 : vector<1000x1000xi1> to vector<1000x1000xi32>
    %convert_element_type3A_1252 = arith.sitofp %convert_element_type3A_1251 : vector<1000x1000xi32> to vector<1000x1000xf32>
    %convert_element_type3A_1253 = arith.truncf %convert_element_type3A_1252 : vector<1000x1000xf32> to vector<1000x1000xbf16>
    %swap3A_1254 = arith.constant 0 : index
    %swap3A_1255 = arith.constant 0 : index
    %swap3A_1256 = vector.load %arg6[%swap3A_1254, %swap3A_1255] : memref<1000x1000xbf16, #tpu.memory_space<vmem>>, vector<1000x1000xbf16>
    tpu.vector_store %arg6[%swap3A_1254, %swap3A_1255], %convert_element_type3A_1253 {strides = array<i32>} : memref<1000x1000xbf16, #tpu.memory_space<vmem>>, vector<1000x1000xbf16>,
    %gt3A_1257 = arith.constant 0.00999999977 : f32
    %gt3A_1258 = vector.broadcast %gt3A_1257 : f32 to vector<1x1000xf32>
    %gt3A_1259 = arith.cmpf ogt, %slice3A_1235, %gt3A_1258 : vector<1x1000xf32>
    %convert_element_type3A_1260 = arith.extui %gt3A_1259 : vector<1x1000xi1> to vector<1x1000xi32>
    %convert_element_type3A_1261 = arith.sitofp %convert_element_type3A_1260 : vector<1x1000xi32> to vector<1x1000xf32>
    %convert_element_type3A_1262 = arith.truncf %convert_element_type3A_1261 : vector<1x1000xf32> to vector<1x1000xbf16>
    %get3A_1263 = arith.constant 0 : index
    %get3A_1264 = arith.constant 0 : index
    %get3A_1265 = vector.load %arg5[%get3A_1263, %get3A_1264] : memref<1000x1000xbf16, #tpu.memory_space<vmem>>, vector<1000x1000xbf16>
    %mul3A_1266 = vector.broadcast %convert_element_type3A_1262 : vector<1x1000xbf16> to vector<1000x1000xbf16>
    %mul3A_1267 = arith.mulf %get3A_1265, %mul3A_1266 : vector<1000x1000xbf16>
    %mul3A_1268 = arith.mulf %convert_element_type3A_1253, %mul3A_1267 : vector<1000x1000xbf16>
    %swap3A_1269 = arith.constant 0 : index
    %swap3A_1270 = arith.constant 0 : index
    %swap3A_1271 = vector.load %arg7[%swap3A_1269, %swap3A_1270] : memref<1000x1000xbf16, #tpu.memory_space<vmem>>, vector<1000x1000xbf16>
    tpu.vector_store %arg7[%swap3A_1269, %swap3A_1270], %mul3A_1268 {strides = array<i32>} : memref<1000x1000xbf16, #tpu.memory_space<vmem>>, vector<1000x1000xbf16>,
    %reduce_max3A_1272 = arith.constant dense<0xFF80> : vector<1000xbf16>
    %reduce_max3A_1273 = vector.multi_reduction <maximumf>, %mul3A_1268, %reduce_max3A_1272 [1] : vector<1000x1000xbf16> to vector<1000xbf16>
    %broadcast_in_dim3A_1274 = vector.shape_cast %reduce_max3A_1273 : vector<1000xbf16> to vector<1000x1xbf16>
    %eq3A_1275 = arith.constant 0.000000e+00 : bf16
    %eq3A_1276 = vector.broadcast %eq3A_1275 : bf16 to vector<1000x1xbf16>
    %eq3A_1277 = arith.cmpf oeq, %broadcast_in_dim3A_1274, %eq3A_1276 : vector<1000x1xbf16>
    %convert_element_type3A_1278 = arith.extui %eq3A_1277 : vector<1000x1xi1> to vector<1000x1xi32>
    %convert_element_type3A_1279 = arith.sitofp %convert_element_type3A_1278 : vector<1000x1xi32> to vector<1000x1xf32>
    %convert_element_type3A_1280 = arith.truncf %convert_element_type3A_1279 : vector<1000x1xf32> to vector<1000x1xbf16>
    %mul3A_1281 = arith.mulf %convert_element_type3A_1241, %convert_element_type3A_1280 : vector<1000x1xbf16>
    %swap3A_1282 = arith.constant 0 : index
    %swap3A_1283 = arith.constant 0 : index
    %swap3A_1284 = vector.load %arg8[%swap3A_1282, %swap3A_1283] : memref<1000x1xbf16, #tpu.memory_space<vmem>>, vector<1000x1xbf16>
    tpu.vector_store %arg8[%swap3A_1282, %swap3A_1283], %mul3A_1281 {strides = array<i32>} : memref<1000x1xbf16, #tpu.memory_space<vmem>>, vector<1000x1xbf16>,
    %while3A_1285 = arith.constant 0 : i32
    %while3A_1286 = arith.constant 1 : i32
    %while3A_1287:2 = scf.while (%while3A_1794 = %while3A_1285, %while3A_1795 = %while3A_1286) : (i32, i32) -> (i32, i32) {
      %gt3A_1796 = arith.constant 0 : i32
      %gt3A_1797 = arith.cmpi sgt, %while3A_1795, %gt3A_1796 : i32
      scf.condition(%gt3A_1797) %while3A_1794, %while3A_1795 : i32, i32
    } do {
    ^bb0(%while3A_1794: i32, %while3A_1795: i32):
      %get3A_1796 = arith.constant 0 : index
      %get3A_1797 = arith.constant 0 : index
      %get3A_1798 = vector.load %arg8[%get3A_1796, %get3A_1797] : memref<1000x1xbf16, #tpu.memory_space<vmem>>, vector<1000x1xbf16>
      %get3A_1799 = arith.constant 0 : index
      %get3A_1800 = arith.constant 0 : index
      %get3A_1801 = vector.load %arg7[%get3A_1799, %get3A_1800] : memref<1000x1000xbf16, #tpu.memory_space<vmem>>, vector<1000x1000xbf16>
      %dot_general3A_1802 = arith.constant dense<0.000000e+00> : vector<1000x1xf32>
      %dot_general3A_1803 = tpu.matmul %get3A_1801, %get3A_1798, %dot_general3A_1802 {dimension_numbers = #tpu.dot_dimension_numbers<[1], [0], [0], [1], [0, 0, 1, 1], [], []>, transpose_lhs_hint = false} : vector<1000x1000xbf16>, vector<1000x1xbf16>, vector<1000x1xf32> -> vector<1000x1xf32>
      %eq3A_1804 = arith.constant 0.000000e+00 : f32
      %eq3A_1805 = vector.broadcast %eq3A_1804 : f32 to vector<1000x1xf32>
      %eq3A_1806 = arith.cmpf oeq, %dot_general3A_1803, %eq3A_1805 : vector<1000x1xf32>
      %convert_element_type3A_1807 = arith.extui %eq3A_1806 : vector<1000x1xi1> to vector<1000x1xi32>
      %convert_element_type3A_1808 = arith.sitofp %convert_element_type3A_1807 : vector<1000x1xi32> to vector<1000x1xf32>
      %convert_element_type3A_1809 = arith.truncf %convert_element_type3A_1808 : vector<1000x1xf32> to vector<1000x1xbf16>
      %mul3A_1810 = arith.mulf %convert_element_type3A_1241, %convert_element_type3A_1809 : vector<1000x1xbf16>
      %sub3A_1811 = arith.subf %mul3A_1810, %get3A_1798 : vector<1000x1xbf16>
      %convert_element_type3A_1812 = arith.extf %sub3A_1811 : vector<1000x1xbf16> to vector<1000x1xf32>
      %abs3A = math.absf %convert_element_type3A_1812 : vector<1000x1xf32>
      %reduce_sum3A = vector.shape_cast %abs3A : vector<1000x1xf32> to vector<1x1000x1xf32>
      %reduce_sum3A_1813 = arith.constant dense<0.000000e+00> : vector<1xf32>
      %reduce_sum3A_1814 = vector.multi_reduction <add>, %reduce_sum3A, %reduce_sum3A_1813 [1, 2] : vector<1x1000x1xf32> to vector<1xf32>
      %reduce_sum3A_1815 = vector.shape_cast %reduce_sum3A_1814 : vector<1xf32> to vector<1x1x1xf32>
      %reduce_sum3A_1816 = vector.extract %reduce_sum3A_1815[0, 0, 0] : f32 from vector<1x1x1xf32>
      %swap3A_1817 = arith.constant 0 : index
      %swap3A_1818 = arith.constant 0 : index
      %swap3A_1819 = vector.load %arg8[%swap3A_1817, %swap3A_1818] : memref<1000x1xbf16, #tpu.memory_space<vmem>>, vector<1000x1xbf16>
      tpu.vector_store %arg8[%swap3A_1817, %swap3A_1818], %mul3A_1810 {strides = array<i32>} : memref<1000x1xbf16, #tpu.memory_space<vmem>>, vector<1000x1xbf16>,
      %add3A_1820 = arith.constant 1 : i32
      %add3A_1821 = arith.addi %while3A_1794, %add3A_1820 : i32
      %gt3A_1822 = arith.constant 0.000000e+00 : f32
      %gt3A_1823 = arith.cmpf ogt, %reduce_sum3A_1816, %gt3A_1822 : f32
      %convert_element_type3A_1824 = arith.extui %gt3A_1823 : i1 to i32
      scf.yield %add3A_1821, %convert_element_type3A_1824 : i32, i32
    }
    %get3A_1288 = arith.constant 0 : index
    %get3A_1289 = arith.constant 0 : index
    %get3A_1290 = vector.load %arg8[%get3A_1288, %get3A_1289] : memref<1000x1xbf16, #tpu.memory_space<vmem>>, vector<1000x1xbf16>
    %get3A_1291 = arith.constant 0 : index
    %get3A_1292 = arith.constant 0 : index
    %get3A_1293 = vector.load %arg6[%get3A_1291, %get3A_1292] : memref<1000x1000xbf16, #tpu.memory_space<vmem>>, vector<1000x1000xbf16>
    %dot_general3A_1294 = arith.constant dense<0.000000e+00> : vector<1000x1xf32>
    %dot_general3A_1295 = tpu.matmul %get3A_1293, %get3A_1290, %dot_general3A_1294 {dimension_numbers = #tpu.dot_dimension_numbers<[1], [0], [0], [1], [0, 0, 1, 1], [], []>, transpose_lhs_hint = false} : vector<1000x1000xbf16>, vector<1000x1xbf16>, vector<1000x1xf32> -> vector<1000x1xf32>
    %convert_element_type3A_1296 = arith.extf %get3A_1290 : vector<1000x1xbf16> to vector<1000x1xf32>
    %gt3A_1297 = arith.constant 0.000000e+00 : f32
    %gt3A_1298 = vector.broadcast %gt3A_1297 : f32 to vector<1000x1xf32>
    %gt3A_1299 = arith.cmpf ogt, %convert_element_type3A_1296, %gt3A_1298 : vector<1000x1xf32>
    %lt3A_1300 = arith.constant 4.000000e+02 : f32
    %lt3A_1301 = vector.broadcast %lt3A_1300 : f32 to vector<1000x1xf32>
    %lt3A_1302 = arith.cmpf olt, %dot_general3A_1295, %lt3A_1301 : vector<1000x1xf32>
    %and3A_1303 = arith.andi %gt3A_1299, %lt3A_1302 : vector<1000x1xi1>
    %jit3A_1304 = arith.constant 5.110000e+02 : f32
    %broadcast_in_dim3A_1305 = vector.broadcast %jit3A_1304 : f32 to vector<1000x1xf32>
    %select_n3A_1306 = arith.select %and3A_1303, %dot_general3A_1295, %broadcast_in_dim3A_1305 : vector<1000x1xi1>, vector<1000x1xf32>
    %convert_element_type3A_1307 = arith.fptosi %select_n3A_1306 : vector<1000x1xf32> to vector<1000x1xi32>
    %swap3A_1308 = arith.constant 0 : index
    %swap3A_1309 = arith.constant 0 : index
    %swap3A_1310 = arith.constant 13 : index
    %swap3A_1311 = vector.load %arg4[%swap3A_1308, %swap3A_1309, %swap3A_1310] : memref<1x1024x32xi32, #tpu.memory_space<vmem>>, vector<1x1000x1xi32>
    %swap3A_1312 = vector.shape_cast %swap3A_1311 : vector<1x1000x1xi32> to vector<1000x1xi32>
    %swap3A_1313 = vector.shape_cast %convert_element_type3A_1307 : vector<1000x1xi32> to vector<1x1000x1xi32>
    tpu.vector_store %arg4[%swap3A_1308, %swap3A_1309, %swap3A_1310], %swap3A_1313 {strides = array<i32>} : memref<1x1024x32xi32, #tpu.memory_space<vmem>>, vector<1x1000x1xi32>,
    %slice3A_1314 = vector.extract_strided_slice %get3A_3 {offsets = [0, 15], sizes = [1000, 1], strides = [1, 1]} : vector<1000x33xf32> to vector<1000x1xf32>
    %slice3A_1315 = vector.extract_strided_slice %transpose3A {offsets = [15, 0], sizes = [1, 1000], strides = [1, 1]} : vector<33x1000xf32> to vector<1x1000xf32>
    %gt3A_1316 = arith.constant 0.00999999977 : f32
    %gt3A_1317 = vector.broadcast %gt3A_1316 : f32 to vector<1000x1xf32>
    %gt3A_1318 = arith.cmpf ogt, %slice3A_1314, %gt3A_1317 : vector<1000x1xf32>
    %convert_element_type3A_1319 = arith.extui %gt3A_1318 : vector<1000x1xi1> to vector<1000x1xi32>
    %convert_element_type3A_1320 = arith.sitofp %convert_element_type3A_1319 : vector<1000x1xi32> to vector<1000x1xf32>
    %convert_element_type3A_1321 = arith.truncf %convert_element_type3A_1320 : vector<1000x1xf32> to vector<1000x1xbf16>
    %gt3A_1322 = vector.broadcast %slice3A_1315 : vector<1x1000xf32> to vector<1000x1000xf32>
    %gt3A_1323 = vector.broadcast %slice3A_1314 : vector<1000x1xf32> to vector<1000x1000xf32>
    %gt3A_1324 = arith.cmpf ogt, %gt3A_1322, %gt3A_1323 : vector<1000x1000xf32>
    %eq3A_1325 = vector.broadcast %slice3A_1315 : vector<1x1000xf32> to vector<1000x1000xf32>
    %eq3A_1326 = vector.broadcast %slice3A_1314 : vector<1000x1xf32> to vector<1000x1000xf32>
    %eq3A_1327 = arith.cmpf oeq, %eq3A_1325, %eq3A_1326 : vector<1000x1000xf32>
    %lt3A_1328 = arith.cmpi slt, %iota3A_163, %iota3A : vector<1000x1000xi32>
    %and3A_1329 = arith.andi %eq3A_1327, %lt3A_1328 : vector<1000x1000xi1>
    %or3A_1330 = arith.ori %gt3A_1324, %and3A_1329 : vector<1000x1000xi1>
    %convert_element_type3A_1331 = arith.extui %or3A_1330 : vector<1000x1000xi1> to vector<1000x1000xi32>
    %convert_element_type3A_1332 = arith.sitofp %convert_element_type3A_1331 : vector<1000x1000xi32> to vector<1000x1000xf32>
    %convert_element_type3A_1333 = arith.truncf %convert_element_type3A_1332 : vector<1000x1000xf32> to vector<1000x1000xbf16>
    %swap3A_1334 = arith.constant 0 : index
    %swap3A_1335 = arith.constant 0 : index
    %swap3A_1336 = vector.load %arg6[%swap3A_1334, %swap3A_1335] : memref<1000x1000xbf16, #tpu.memory_space<vmem>>, vector<1000x1000xbf16>
    tpu.vector_store %arg6[%swap3A_1334, %swap3A_1335], %convert_element_type3A_1333 {strides = array<i32>} : memref<1000x1000xbf16, #tpu.memory_space<vmem>>, vector<1000x1000xbf16>,
    %gt3A_1337 = arith.constant 0.00999999977 : f32
    %gt3A_1338 = vector.broadcast %gt3A_1337 : f32 to vector<1x1000xf32>
    %gt3A_1339 = arith.cmpf ogt, %slice3A_1315, %gt3A_1338 : vector<1x1000xf32>
    %convert_element_type3A_1340 = arith.extui %gt3A_1339 : vector<1x1000xi1> to vector<1x1000xi32>
    %convert_element_type3A_1341 = arith.sitofp %convert_element_type3A_1340 : vector<1x1000xi32> to vector<1x1000xf32>
    %convert_element_type3A_1342 = arith.truncf %convert_element_type3A_1341 : vector<1x1000xf32> to vector<1x1000xbf16>
    %get3A_1343 = arith.constant 0 : index
    %get3A_1344 = arith.constant 0 : index
    %get3A_1345 = vector.load %arg5[%get3A_1343, %get3A_1344] : memref<1000x1000xbf16, #tpu.memory_space<vmem>>, vector<1000x1000xbf16>
    %mul3A_1346 = vector.broadcast %convert_element_type3A_1342 : vector<1x1000xbf16> to vector<1000x1000xbf16>
    %mul3A_1347 = arith.mulf %get3A_1345, %mul3A_1346 : vector<1000x1000xbf16>
    %mul3A_1348 = arith.mulf %convert_element_type3A_1333, %mul3A_1347 : vector<1000x1000xbf16>
    %swap3A_1349 = arith.constant 0 : index
    %swap3A_1350 = arith.constant 0 : index
    %swap3A_1351 = vector.load %arg7[%swap3A_1349, %swap3A_1350] : memref<1000x1000xbf16, #tpu.memory_space<vmem>>, vector<1000x1000xbf16>
    tpu.vector_store %arg7[%swap3A_1349, %swap3A_1350], %mul3A_1348 {strides = array<i32>} : memref<1000x1000xbf16, #tpu.memory_space<vmem>>, vector<1000x1000xbf16>,
    %reduce_max3A_1352 = arith.constant dense<0xFF80> : vector<1000xbf16>
    %reduce_max3A_1353 = vector.multi_reduction <maximumf>, %mul3A_1348, %reduce_max3A_1352 [1] : vector<1000x1000xbf16> to vector<1000xbf16>
    %broadcast_in_dim3A_1354 = vector.shape_cast %reduce_max3A_1353 : vector<1000xbf16> to vector<1000x1xbf16>
    %eq3A_1355 = arith.constant 0.000000e+00 : bf16
    %eq3A_1356 = vector.broadcast %eq3A_1355 : bf16 to vector<1000x1xbf16>
    %eq3A_1357 = arith.cmpf oeq, %broadcast_in_dim3A_1354, %eq3A_1356 : vector<1000x1xbf16>
    %convert_element_type3A_1358 = arith.extui %eq3A_1357 : vector<1000x1xi1> to vector<1000x1xi32>
    %convert_element_type3A_1359 = arith.sitofp %convert_element_type3A_1358 : vector<1000x1xi32> to vector<1000x1xf32>
    %convert_element_type3A_1360 = arith.truncf %convert_element_type3A_1359 : vector<1000x1xf32> to vector<1000x1xbf16>
    %mul3A_1361 = arith.mulf %convert_element_type3A_1321, %convert_element_type3A_1360 : vector<1000x1xbf16>
    %swap3A_1362 = arith.constant 0 : index
    %swap3A_1363 = arith.constant 0 : index
    %swap3A_1364 = vector.load %arg8[%swap3A_1362, %swap3A_1363] : memref<1000x1xbf16, #tpu.memory_space<vmem>>, vector<1000x1xbf16>
    tpu.vector_store %arg8[%swap3A_1362, %swap3A_1363], %mul3A_1361 {strides = array<i32>} : memref<1000x1xbf16, #tpu.memory_space<vmem>>, vector<1000x1xbf16>,
    %while3A_1365 = arith.constant 0 : i32
    %while3A_1366 = arith.constant 1 : i32
    %while3A_1367:2 = scf.while (%while3A_1794 = %while3A_1365, %while3A_1795 = %while3A_1366) : (i32, i32) -> (i32, i32) {
      %gt3A_1796 = arith.constant 0 : i32
      %gt3A_1797 = arith.cmpi sgt, %while3A_1795, %gt3A_1796 : i32
      scf.condition(%gt3A_1797) %while3A_1794, %while3A_1795 : i32, i32
    } do {
    ^bb0(%while3A_1794: i32, %while3A_1795: i32):
      %get3A_1796 = arith.constant 0 : index
      %get3A_1797 = arith.constant 0 : index
      %get3A_1798 = vector.load %arg8[%get3A_1796, %get3A_1797] : memref<1000x1xbf16, #tpu.memory_space<vmem>>, vector<1000x1xbf16>
      %get3A_1799 = arith.constant 0 : index
      %get3A_1800 = arith.constant 0 : index
      %get3A_1801 = vector.load %arg7[%get3A_1799, %get3A_1800] : memref<1000x1000xbf16, #tpu.memory_space<vmem>>, vector<1000x1000xbf16>
      %dot_general3A_1802 = arith.constant dense<0.000000e+00> : vector<1000x1xf32>
      %dot_general3A_1803 = tpu.matmul %get3A_1801, %get3A_1798, %dot_general3A_1802 {dimension_numbers = #tpu.dot_dimension_numbers<[1], [0], [0], [1], [0, 0, 1, 1], [], []>, transpose_lhs_hint = false} : vector<1000x1000xbf16>, vector<1000x1xbf16>, vector<1000x1xf32> -> vector<1000x1xf32>
      %eq3A_1804 = arith.constant 0.000000e+00 : f32
      %eq3A_1805 = vector.broadcast %eq3A_1804 : f32 to vector<1000x1xf32>
      %eq3A_1806 = arith.cmpf oeq, %dot_general3A_1803, %eq3A_1805 : vector<1000x1xf32>
      %convert_element_type3A_1807 = arith.extui %eq3A_1806 : vector<1000x1xi1> to vector<1000x1xi32>
      %convert_element_type3A_1808 = arith.sitofp %convert_element_type3A_1807 : vector<1000x1xi32> to vector<1000x1xf32>
      %convert_element_type3A_1809 = arith.truncf %convert_element_type3A_1808 : vector<1000x1xf32> to vector<1000x1xbf16>
      %mul3A_1810 = arith.mulf %convert_element_type3A_1321, %convert_element_type3A_1809 : vector<1000x1xbf16>
      %sub3A_1811 = arith.subf %mul3A_1810, %get3A_1798 : vector<1000x1xbf16>
      %convert_element_type3A_1812 = arith.extf %sub3A_1811 : vector<1000x1xbf16> to vector<1000x1xf32>
      %abs3A = math.absf %convert_element_type3A_1812 : vector<1000x1xf32>
      %reduce_sum3A = vector.shape_cast %abs3A : vector<1000x1xf32> to vector<1x1000x1xf32>
      %reduce_sum3A_1813 = arith.constant dense<0.000000e+00> : vector<1xf32>
      %reduce_sum3A_1814 = vector.multi_reduction <add>, %reduce_sum3A, %reduce_sum3A_1813 [1, 2] : vector<1x1000x1xf32> to vector<1xf32>
      %reduce_sum3A_1815 = vector.shape_cast %reduce_sum3A_1814 : vector<1xf32> to vector<1x1x1xf32>
      %reduce_sum3A_1816 = vector.extract %reduce_sum3A_1815[0, 0, 0] : f32 from vector<1x1x1xf32>
      %swap3A_1817 = arith.constant 0 : index
      %swap3A_1818 = arith.constant 0 : index
      %swap3A_1819 = vector.load %arg8[%swap3A_1817, %swap3A_1818] : memref<1000x1xbf16, #tpu.memory_space<vmem>>, vector<1000x1xbf16>
      tpu.vector_store %arg8[%swap3A_1817, %swap3A_1818], %mul3A_1810 {strides = array<i32>} : memref<1000x1xbf16, #tpu.memory_space<vmem>>, vector<1000x1xbf16>,
      %add3A_1820 = arith.constant 1 : i32
      %add3A_1821 = arith.addi %while3A_1794, %add3A_1820 : i32
      %gt3A_1822 = arith.constant 0.000000e+00 : f32
      %gt3A_1823 = arith.cmpf ogt, %reduce_sum3A_1816, %gt3A_1822 : f32
      %convert_element_type3A_1824 = arith.extui %gt3A_1823 : i1 to i32
      scf.yield %add3A_1821, %convert_element_type3A_1824 : i32, i32
    }
    %get3A_1368 = arith.constant 0 : index
    %get3A_1369 = arith.constant 0 : index
    %get3A_1370 = vector.load %arg8[%get3A_1368, %get3A_1369] : memref<1000x1xbf16, #tpu.memory_space<vmem>>, vector<1000x1xbf16>
    %get3A_1371 = arith.constant 0 : index
    %get3A_1372 = arith.constant 0 : index
    %get3A_1373 = vector.load %arg6[%get3A_1371, %get3A_1372] : memref<1000x1000xbf16, #tpu.memory_space<vmem>>, vector<1000x1000xbf16>
    %dot_general3A_1374 = arith.constant dense<0.000000e+00> : vector<1000x1xf32>
    %dot_general3A_1375 = tpu.matmul %get3A_1373, %get3A_1370, %dot_general3A_1374 {dimension_numbers = #tpu.dot_dimension_numbers<[1], [0], [0], [1], [0, 0, 1, 1], [], []>, transpose_lhs_hint = false} : vector<1000x1000xbf16>, vector<1000x1xbf16>, vector<1000x1xf32> -> vector<1000x1xf32>
    %convert_element_type3A_1376 = arith.extf %get3A_1370 : vector<1000x1xbf16> to vector<1000x1xf32>
    %gt3A_1377 = arith.constant 0.000000e+00 : f32
    %gt3A_1378 = vector.broadcast %gt3A_1377 : f32 to vector<1000x1xf32>
    %gt3A_1379 = arith.cmpf ogt, %convert_element_type3A_1376, %gt3A_1378 : vector<1000x1xf32>
    %lt3A_1380 = arith.constant 4.000000e+02 : f32
    %lt3A_1381 = vector.broadcast %lt3A_1380 : f32 to vector<1000x1xf32>
    %lt3A_1382 = arith.cmpf olt, %dot_general3A_1375, %lt3A_1381 : vector<1000x1xf32>
    %and3A_1383 = arith.andi %gt3A_1379, %lt3A_1382 : vector<1000x1xi1>
    %jit3A_1384 = arith.constant 5.110000e+02 : f32
    %broadcast_in_dim3A_1385 = vector.broadcast %jit3A_1384 : f32 to vector<1000x1xf32>
    %select_n3A_1386 = arith.select %and3A_1383, %dot_general3A_1375, %broadcast_in_dim3A_1385 : vector<1000x1xi1>, vector<1000x1xf32>
    %convert_element_type3A_1387 = arith.fptosi %select_n3A_1386 : vector<1000x1xf32> to vector<1000x1xi32>
    %swap3A_1388 = arith.constant 0 : index
    %swap3A_1389 = arith.constant 0 : index
    %swap3A_1390 = arith.constant 14 : index
    %swap3A_1391 = vector.load %arg4[%swap3A_1388, %swap3A_1389, %swap3A_1390] : memref<1x1024x32xi32, #tpu.memory_space<vmem>>, vector<1x1000x1xi32>
    %swap3A_1392 = vector.shape_cast %swap3A_1391 : vector<1x1000x1xi32> to vector<1000x1xi32>
    %swap3A_1393 = vector.shape_cast %convert_element_type3A_1387 : vector<1000x1xi32> to vector<1x1000x1xi32>
    tpu.vector_store %arg4[%swap3A_1388, %swap3A_1389, %swap3A_1390], %swap3A_1393 {strides = array<i32>} : memref<1x1024x32xi32, #tpu.memory_space<vmem>>, vector<1x1000x1xi32>,
    %slice3A_1394 = vector.extract_strided_slice %get3A_3 {offsets = [0, 16], sizes = [1000, 1], strides = [1, 1]} : vector<1000x33xf32> to vector<1000x1xf32>
    %slice3A_1395 = vector.extract_strided_slice %transpose3A {offsets = [16, 0], sizes = [1, 1000], strides = [1, 1]} : vector<33x1000xf32> to vector<1x1000xf32>
    %gt3A_1396 = arith.constant 0.00999999977 : f32
    %gt3A_1397 = vector.broadcast %gt3A_1396 : f32 to vector<1000x1xf32>
    %gt3A_1398 = arith.cmpf ogt, %slice3A_1394, %gt3A_1397 : vector<1000x1xf32>
    %convert_element_type3A_1399 = arith.extui %gt3A_1398 : vector<1000x1xi1> to vector<1000x1xi32>
    %convert_element_type3A_1400 = arith.sitofp %convert_element_type3A_1399 : vector<1000x1xi32> to vector<1000x1xf32>
    %convert_element_type3A_1401 = arith.truncf %convert_element_type3A_1400 : vector<1000x1xf32> to vector<1000x1xbf16>
    %gt3A_1402 = vector.broadcast %slice3A_1395 : vector<1x1000xf32> to vector<1000x1000xf32>
    %gt3A_1403 = vector.broadcast %slice3A_1394 : vector<1000x1xf32> to vector<1000x1000xf32>
    %gt3A_1404 = arith.cmpf ogt, %gt3A_1402, %gt3A_1403 : vector<1000x1000xf32>
    %eq3A_1405 = vector.broadcast %slice3A_1395 : vector<1x1000xf32> to vector<1000x1000xf32>
    %eq3A_1406 = vector.broadcast %slice3A_1394 : vector<1000x1xf32> to vector<1000x1000xf32>
    %eq3A_1407 = arith.cmpf oeq, %eq3A_1405, %eq3A_1406 : vector<1000x1000xf32>
    %lt3A_1408 = arith.cmpi slt, %iota3A_163, %iota3A : vector<1000x1000xi32>
    %and3A_1409 = arith.andi %eq3A_1407, %lt3A_1408 : vector<1000x1000xi1>
    %or3A_1410 = arith.ori %gt3A_1404, %and3A_1409 : vector<1000x1000xi1>
    %convert_element_type3A_1411 = arith.extui %or3A_1410 : vector<1000x1000xi1> to vector<1000x1000xi32>
    %convert_element_type3A_1412 = arith.sitofp %convert_element_type3A_1411 : vector<1000x1000xi32> to vector<1000x1000xf32>
    %convert_element_type3A_1413 = arith.truncf %convert_element_type3A_1412 : vector<1000x1000xf32> to vector<1000x1000xbf16>
    %swap3A_1414 = arith.constant 0 : index
    %swap3A_1415 = arith.constant 0 : index
    %swap3A_1416 = vector.load %arg6[%swap3A_1414, %swap3A_1415] : memref<1000x1000xbf16, #tpu.memory_space<vmem>>, vector<1000x1000xbf16>
    tpu.vector_store %arg6[%swap3A_1414, %swap3A_1415], %convert_element_type3A_1413 {strides = array<i32>} : memref<1000x1000xbf16, #tpu.memory_space<vmem>>, vector<1000x1000xbf16>,
    %gt3A_1417 = arith.constant 0.00999999977 : f32
    %gt3A_1418 = vector.broadcast %gt3A_1417 : f32 to vector<1x1000xf32>
    %gt3A_1419 = arith.cmpf ogt, %slice3A_1395, %gt3A_1418 : vector<1x1000xf32>
    %convert_element_type3A_1420 = arith.extui %gt3A_1419 : vector<1x1000xi1> to vector<1x1000xi32>
    %convert_element_type3A_1421 = arith.sitofp %convert_element_type3A_1420 : vector<1x1000xi32> to vector<1x1000xf32>
    %convert_element_type3A_1422 = arith.truncf %convert_element_type3A_1421 : vector<1x1000xf32> to vector<1x1000xbf16>
    %get3A_1423 = arith.constant 0 : index
    %get3A_1424 = arith.constant 0 : index
    %get3A_1425 = vector.load %arg5[%get3A_1423, %get3A_1424] : memref<1000x1000xbf16, #tpu.memory_space<vmem>>, vector<1000x1000xbf16>
    %mul3A_1426 = vector.broadcast %convert_element_type3A_1422 : vector<1x1000xbf16> to vector<1000x1000xbf16>
    %mul3A_1427 = arith.mulf %get3A_1425, %mul3A_1426 : vector<1000x1000xbf16>
    %mul3A_1428 = arith.mulf %convert_element_type3A_1413, %mul3A_1427 : vector<1000x1000xbf16>
    %swap3A_1429 = arith.constant 0 : index
    %swap3A_1430 = arith.constant 0 : index
    %swap3A_1431 = vector.load %arg7[%swap3A_1429, %swap3A_1430] : memref<1000x1000xbf16, #tpu.memory_space<vmem>>, vector<1000x1000xbf16>
    tpu.vector_store %arg7[%swap3A_1429, %swap3A_1430], %mul3A_1428 {strides = array<i32>} : memref<1000x1000xbf16, #tpu.memory_space<vmem>>, vector<1000x1000xbf16>,
    %reduce_max3A_1432 = arith.constant dense<0xFF80> : vector<1000xbf16>
    %reduce_max3A_1433 = vector.multi_reduction <maximumf>, %mul3A_1428, %reduce_max3A_1432 [1] : vector<1000x1000xbf16> to vector<1000xbf16>
    %broadcast_in_dim3A_1434 = vector.shape_cast %reduce_max3A_1433 : vector<1000xbf16> to vector<1000x1xbf16>
    %eq3A_1435 = arith.constant 0.000000e+00 : bf16
    %eq3A_1436 = vector.broadcast %eq3A_1435 : bf16 to vector<1000x1xbf16>
    %eq3A_1437 = arith.cmpf oeq, %broadcast_in_dim3A_1434, %eq3A_1436 : vector<1000x1xbf16>
    %convert_element_type3A_1438 = arith.extui %eq3A_1437 : vector<1000x1xi1> to vector<1000x1xi32>
    %convert_element_type3A_1439 = arith.sitofp %convert_element_type3A_1438 : vector<1000x1xi32> to vector<1000x1xf32>
    %convert_element_type3A_1440 = arith.truncf %convert_element_type3A_1439 : vector<1000x1xf32> to vector<1000x1xbf16>
    %mul3A_1441 = arith.mulf %convert_element_type3A_1401, %convert_element_type3A_1440 : vector<1000x1xbf16>
    %swap3A_1442 = arith.constant 0 : index
    %swap3A_1443 = arith.constant 0 : index
    %swap3A_1444 = vector.load %arg8[%swap3A_1442, %swap3A_1443] : memref<1000x1xbf16, #tpu.memory_space<vmem>>, vector<1000x1xbf16>
    tpu.vector_store %arg8[%swap3A_1442, %swap3A_1443], %mul3A_1441 {strides = array<i32>} : memref<1000x1xbf16, #tpu.memory_space<vmem>>, vector<1000x1xbf16>,
    %while3A_1445 = arith.constant 0 : i32
    %while3A_1446 = arith.constant 1 : i32
    %while3A_1447:2 = scf.while (%while3A_1794 = %while3A_1445, %while3A_1795 = %while3A_1446) : (i32, i32) -> (i32, i32) {
      %gt3A_1796 = arith.constant 0 : i32
      %gt3A_1797 = arith.cmpi sgt, %while3A_1795, %gt3A_1796 : i32
      scf.condition(%gt3A_1797) %while3A_1794, %while3A_1795 : i32, i32
    } do {
    ^bb0(%while3A_1794: i32, %while3A_1795: i32):
      %get3A_1796 = arith.constant 0 : index
      %get3A_1797 = arith.constant 0 : index
      %get3A_1798 = vector.load %arg8[%get3A_1796, %get3A_1797] : memref<1000x1xbf16, #tpu.memory_space<vmem>>, vector<1000x1xbf16>
      %get3A_1799 = arith.constant 0 : index
      %get3A_1800 = arith.constant 0 : index
      %get3A_1801 = vector.load %arg7[%get3A_1799, %get3A_1800] : memref<1000x1000xbf16, #tpu.memory_space<vmem>>, vector<1000x1000xbf16>
      %dot_general3A_1802 = arith.constant dense<0.000000e+00> : vector<1000x1xf32>
      %dot_general3A_1803 = tpu.matmul %get3A_1801, %get3A_1798, %dot_general3A_1802 {dimension_numbers = #tpu.dot_dimension_numbers<[1], [0], [0], [1], [0, 0, 1, 1], [], []>, transpose_lhs_hint = false} : vector<1000x1000xbf16>, vector<1000x1xbf16>, vector<1000x1xf32> -> vector<1000x1xf32>
      %eq3A_1804 = arith.constant 0.000000e+00 : f32
      %eq3A_1805 = vector.broadcast %eq3A_1804 : f32 to vector<1000x1xf32>
      %eq3A_1806 = arith.cmpf oeq, %dot_general3A_1803, %eq3A_1805 : vector<1000x1xf32>
      %convert_element_type3A_1807 = arith.extui %eq3A_1806 : vector<1000x1xi1> to vector<1000x1xi32>
      %convert_element_type3A_1808 = arith.sitofp %convert_element_type3A_1807 : vector<1000x1xi32> to vector<1000x1xf32>
      %convert_element_type3A_1809 = arith.truncf %convert_element_type3A_1808 : vector<1000x1xf32> to vector<1000x1xbf16>
      %mul3A_1810 = arith.mulf %convert_element_type3A_1401, %convert_element_type3A_1809 : vector<1000x1xbf16>
      %sub3A_1811 = arith.subf %mul3A_1810, %get3A_1798 : vector<1000x1xbf16>
      %convert_element_type3A_1812 = arith.extf %sub3A_1811 : vector<1000x1xbf16> to vector<1000x1xf32>
      %abs3A = math.absf %convert_element_type3A_1812 : vector<1000x1xf32>
      %reduce_sum3A = vector.shape_cast %abs3A : vector<1000x1xf32> to vector<1x1000x1xf32>
      %reduce_sum3A_1813 = arith.constant dense<0.000000e+00> : vector<1xf32>
      %reduce_sum3A_1814 = vector.multi_reduction <add>, %reduce_sum3A, %reduce_sum3A_1813 [1, 2] : vector<1x1000x1xf32> to vector<1xf32>
      %reduce_sum3A_1815 = vector.shape_cast %reduce_sum3A_1814 : vector<1xf32> to vector<1x1x1xf32>
      %reduce_sum3A_1816 = vector.extract %reduce_sum3A_1815[0, 0, 0] : f32 from vector<1x1x1xf32>
      %swap3A_1817 = arith.constant 0 : index
      %swap3A_1818 = arith.constant 0 : index
      %swap3A_1819 = vector.load %arg8[%swap3A_1817, %swap3A_1818] : memref<1000x1xbf16, #tpu.memory_space<vmem>>, vector<1000x1xbf16>
      tpu.vector_store %arg8[%swap3A_1817, %swap3A_1818], %mul3A_1810 {strides = array<i32>} : memref<1000x1xbf16, #tpu.memory_space<vmem>>, vector<1000x1xbf16>,
      %add3A_1820 = arith.constant 1 : i32
      %add3A_1821 = arith.addi %while3A_1794, %add3A_1820 : i32
      %gt3A_1822 = arith.constant 0.000000e+00 : f32
      %gt3A_1823 = arith.cmpf ogt, %reduce_sum3A_1816, %gt3A_1822 : f32
      %convert_element_type3A_1824 = arith.extui %gt3A_1823 : i1 to i32
      scf.yield %add3A_1821, %convert_element_type3A_1824 : i32, i32
    }
    %get3A_1448 = arith.constant 0 : index
    %get3A_1449 = arith.constant 0 : index
    %get3A_1450 = vector.load %arg8[%get3A_1448, %get3A_1449] : memref<1000x1xbf16, #tpu.memory_space<vmem>>, vector<1000x1xbf16>
    %get3A_1451 = arith.constant 0 : index
    %get3A_1452 = arith.constant 0 : index
    %get3A_1453 = vector.load %arg6[%get3A_1451, %get3A_1452] : memref<1000x1000xbf16, #tpu.memory_space<vmem>>, vector<1000x1000xbf16>
    %dot_general3A_1454 = arith.constant dense<0.000000e+00> : vector<1000x1xf32>
    %dot_general3A_1455 = tpu.matmul %get3A_1453, %get3A_1450, %dot_general3A_1454 {dimension_numbers = #tpu.dot_dimension_numbers<[1], [0], [0], [1], [0, 0, 1, 1], [], []>, transpose_lhs_hint = false} : vector<1000x1000xbf16>, vector<1000x1xbf16>, vector<1000x1xf32> -> vector<1000x1xf32>
    %convert_element_type3A_1456 = arith.extf %get3A_1450 : vector<1000x1xbf16> to vector<1000x1xf32>
    %gt3A_1457 = arith.constant 0.000000e+00 : f32
    %gt3A_1458 = vector.broadcast %gt3A_1457 : f32 to vector<1000x1xf32>
    %gt3A_1459 = arith.cmpf ogt, %convert_element_type3A_1456, %gt3A_1458 : vector<1000x1xf32>
    %lt3A_1460 = arith.constant 4.000000e+02 : f32
    %lt3A_1461 = vector.broadcast %lt3A_1460 : f32 to vector<1000x1xf32>
    %lt3A_1462 = arith.cmpf olt, %dot_general3A_1455, %lt3A_1461 : vector<1000x1xf32>
    %and3A_1463 = arith.andi %gt3A_1459, %lt3A_1462 : vector<1000x1xi1>
    %jit3A_1464 = arith.constant 5.110000e+02 : f32
    %broadcast_in_dim3A_1465 = vector.broadcast %jit3A_1464 : f32 to vector<1000x1xf32>
    %select_n3A_1466 = arith.select %and3A_1463, %dot_general3A_1455, %broadcast_in_dim3A_1465 : vector<1000x1xi1>, vector<1000x1xf32>
    %convert_element_type3A_1467 = arith.fptosi %select_n3A_1466 : vector<1000x1xf32> to vector<1000x1xi32>
    %swap3A_1468 = arith.constant 0 : index
    %swap3A_1469 = arith.constant 0 : index
    %swap3A_1470 = arith.constant 15 : index
    %swap3A_1471 = vector.load %arg4[%swap3A_1468, %swap3A_1469, %swap3A_1470] : memref<1x1024x32xi32, #tpu.memory_space<vmem>>, vector<1x1000x1xi32>
    %swap3A_1472 = vector.shape_cast %swap3A_1471 : vector<1x1000x1xi32> to vector<1000x1xi32>
    %swap3A_1473 = vector.shape_cast %convert_element_type3A_1467 : vector<1000x1xi32> to vector<1x1000x1xi32>
    tpu.vector_store %arg4[%swap3A_1468, %swap3A_1469, %swap3A_1470], %swap3A_1473 {strides = array<i32>} : memref<1x1024x32xi32, #tpu.memory_space<vmem>>, vector<1x1000x1xi32>,
    %slice3A_1474 = vector.extract_strided_slice %get3A_3 {offsets = [0, 17], sizes = [1000, 1], strides = [1, 1]} : vector<1000x33xf32> to vector<1000x1xf32>
    %slice3A_1475 = vector.extract_strided_slice %transpose3A {offsets = [17, 0], sizes = [1, 1000], strides = [1, 1]} : vector<33x1000xf32> to vector<1x1000xf32>
    %gt3A_1476 = arith.constant 0.00999999977 : f32
    %gt3A_1477 = vector.broadcast %gt3A_1476 : f32 to vector<1000x1xf32>
    %gt3A_1478 = arith.cmpf ogt, %slice3A_1474, %gt3A_1477 : vector<1000x1xf32>
    %convert_element_type3A_1479 = arith.extui %gt3A_1478 : vector<1000x1xi1> to vector<1000x1xi32>
    %convert_element_type3A_1480 = arith.sitofp %convert_element_type3A_1479 : vector<1000x1xi32> to vector<1000x1xf32>
    %convert_element_type3A_1481 = arith.truncf %convert_element_type3A_1480 : vector<1000x1xf32> to vector<1000x1xbf16>
    %gt3A_1482 = vector.broadcast %slice3A_1475 : vector<1x1000xf32> to vector<1000x1000xf32>
    %gt3A_1483 = vector.broadcast %slice3A_1474 : vector<1000x1xf32> to vector<1000x1000xf32>
    %gt3A_1484 = arith.cmpf ogt, %gt3A_1482, %gt3A_1483 : vector<1000x1000xf32>
    %eq3A_1485 = vector.broadcast %slice3A_1475 : vector<1x1000xf32> to vector<1000x1000xf32>
    %eq3A_1486 = vector.broadcast %slice3A_1474 : vector<1000x1xf32> to vector<1000x1000xf32>
    %eq3A_1487 = arith.cmpf oeq, %eq3A_1485, %eq3A_1486 : vector<1000x1000xf32>
    %lt3A_1488 = arith.cmpi slt, %iota3A_163, %iota3A : vector<1000x1000xi32>
    %and3A_1489 = arith.andi %eq3A_1487, %lt3A_1488 : vector<1000x1000xi1>
    %or3A_1490 = arith.ori %gt3A_1484, %and3A_1489 : vector<1000x1000xi1>
    %convert_element_type3A_1491 = arith.extui %or3A_1490 : vector<1000x1000xi1> to vector<1000x1000xi32>
    %convert_element_type3A_1492 = arith.sitofp %convert_element_type3A_1491 : vector<1000x1000xi32> to vector<1000x1000xf32>
    %convert_element_type3A_1493 = arith.truncf %convert_element_type3A_1492 : vector<1000x1000xf32> to vector<1000x1000xbf16>
    %swap3A_1494 = arith.constant 0 : index
    %swap3A_1495 = arith.constant 0 : index
    %swap3A_1496 = vector.load %arg6[%swap3A_1494, %swap3A_1495] : memref<1000x1000xbf16, #tpu.memory_space<vmem>>, vector<1000x1000xbf16>
    tpu.vector_store %arg6[%swap3A_1494, %swap3A_1495], %convert_element_type3A_1493 {strides = array<i32>} : memref<1000x1000xbf16, #tpu.memory_space<vmem>>, vector<1000x1000xbf16>,
    %gt3A_1497 = arith.constant 0.00999999977 : f32
    %gt3A_1498 = vector.broadcast %gt3A_1497 : f32 to vector<1x1000xf32>
    %gt3A_1499 = arith.cmpf ogt, %slice3A_1475, %gt3A_1498 : vector<1x1000xf32>
    %convert_element_type3A_1500 = arith.extui %gt3A_1499 : vector<1x1000xi1> to vector<1x1000xi32>
    %convert_element_type3A_1501 = arith.sitofp %convert_element_type3A_1500 : vector<1x1000xi32> to vector<1x1000xf32>
    %convert_element_type3A_1502 = arith.truncf %convert_element_type3A_1501 : vector<1x1000xf32> to vector<1x1000xbf16>
    %get3A_1503 = arith.constant 0 : index
    %get3A_1504 = arith.constant 0 : index
    %get3A_1505 = vector.load %arg5[%get3A_1503, %get3A_1504] : memref<1000x1000xbf16, #tpu.memory_space<vmem>>, vector<1000x1000xbf16>
    %mul3A_1506 = vector.broadcast %convert_element_type3A_1502 : vector<1x1000xbf16> to vector<1000x1000xbf16>
    %mul3A_1507 = arith.mulf %get3A_1505, %mul3A_1506 : vector<1000x1000xbf16>
    %mul3A_1508 = arith.mulf %convert_element_type3A_1493, %mul3A_1507 : vector<1000x1000xbf16>
    %swap3A_1509 = arith.constant 0 : index
    %swap3A_1510 = arith.constant 0 : index
    %swap3A_1511 = vector.load %arg7[%swap3A_1509, %swap3A_1510] : memref<1000x1000xbf16, #tpu.memory_space<vmem>>, vector<1000x1000xbf16>
    tpu.vector_store %arg7[%swap3A_1509, %swap3A_1510], %mul3A_1508 {strides = array<i32>} : memref<1000x1000xbf16, #tpu.memory_space<vmem>>, vector<1000x1000xbf16>,
    %reduce_max3A_1512 = arith.constant dense<0xFF80> : vector<1000xbf16>
    %reduce_max3A_1513 = vector.multi_reduction <maximumf>, %mul3A_1508, %reduce_max3A_1512 [1] : vector<1000x1000xbf16> to vector<1000xbf16>
    %broadcast_in_dim3A_1514 = vector.shape_cast %reduce_max3A_1513 : vector<1000xbf16> to vector<1000x1xbf16>
    %eq3A_1515 = arith.constant 0.000000e+00 : bf16
    %eq3A_1516 = vector.broadcast %eq3A_1515 : bf16 to vector<1000x1xbf16>
    %eq3A_1517 = arith.cmpf oeq, %broadcast_in_dim3A_1514, %eq3A_1516 : vector<1000x1xbf16>
    %convert_element_type3A_1518 = arith.extui %eq3A_1517 : vector<1000x1xi1> to vector<1000x1xi32>
    %convert_element_type3A_1519 = arith.sitofp %convert_element_type3A_1518 : vector<1000x1xi32> to vector<1000x1xf32>
    %convert_element_type3A_1520 = arith.truncf %convert_element_type3A_1519 : vector<1000x1xf32> to vector<1000x1xbf16>
    %mul3A_1521 = arith.mulf %convert_element_type3A_1481, %convert_element_type3A_1520 : vector<1000x1xbf16>
    %swap3A_1522 = arith.constant 0 : index
    %swap3A_1523 = arith.constant 0 : index
    %swap3A_1524 = vector.load %arg8[%swap3A_1522, %swap3A_1523] : memref<1000x1xbf16, #tpu.memory_space<vmem>>, vector<1000x1xbf16>
    tpu.vector_store %arg8[%swap3A_1522, %swap3A_1523], %mul3A_1521 {strides = array<i32>} : memref<1000x1xbf16, #tpu.memory_space<vmem>>, vector<1000x1xbf16>,
    %while3A_1525 = arith.constant 0 : i32
    %while3A_1526 = arith.constant 1 : i32
    %while3A_1527:2 = scf.while (%while3A_1794 = %while3A_1525, %while3A_1795 = %while3A_1526) : (i32, i32) -> (i32, i32) {
      %gt3A_1796 = arith.constant 0 : i32
      %gt3A_1797 = arith.cmpi sgt, %while3A_1795, %gt3A_1796 : i32
      scf.condition(%gt3A_1797) %while3A_1794, %while3A_1795 : i32, i32
    } do {
    ^bb0(%while3A_1794: i32, %while3A_1795: i32):
      %get3A_1796 = arith.constant 0 : index
      %get3A_1797 = arith.constant 0 : index
      %get3A_1798 = vector.load %arg8[%get3A_1796, %get3A_1797] : memref<1000x1xbf16, #tpu.memory_space<vmem>>, vector<1000x1xbf16>
      %get3A_1799 = arith.constant 0 : index
      %get3A_1800 = arith.constant 0 : index
      %get3A_1801 = vector.load %arg7[%get3A_1799, %get3A_1800] : memref<1000x1000xbf16, #tpu.memory_space<vmem>>, vector<1000x1000xbf16>
      %dot_general3A_1802 = arith.constant dense<0.000000e+00> : vector<1000x1xf32>
      %dot_general3A_1803 = tpu.matmul %get3A_1801, %get3A_1798, %dot_general3A_1802 {dimension_numbers = #tpu.dot_dimension_numbers<[1], [0], [0], [1], [0, 0, 1, 1], [], []>, transpose_lhs_hint = false} : vector<1000x1000xbf16>, vector<1000x1xbf16>, vector<1000x1xf32> -> vector<1000x1xf32>
      %eq3A_1804 = arith.constant 0.000000e+00 : f32
      %eq3A_1805 = vector.broadcast %eq3A_1804 : f32 to vector<1000x1xf32>
      %eq3A_1806 = arith.cmpf oeq, %dot_general3A_1803, %eq3A_1805 : vector<1000x1xf32>
      %convert_element_type3A_1807 = arith.extui %eq3A_1806 : vector<1000x1xi1> to vector<1000x1xi32>
      %convert_element_type3A_1808 = arith.sitofp %convert_element_type3A_1807 : vector<1000x1xi32> to vector<1000x1xf32>
      %convert_element_type3A_1809 = arith.truncf %convert_element_type3A_1808 : vector<1000x1xf32> to vector<1000x1xbf16>
      %mul3A_1810 = arith.mulf %convert_element_type3A_1481, %convert_element_type3A_1809 : vector<1000x1xbf16>
      %sub3A_1811 = arith.subf %mul3A_1810, %get3A_1798 : vector<1000x1xbf16>
      %convert_element_type3A_1812 = arith.extf %sub3A_1811 : vector<1000x1xbf16> to vector<1000x1xf32>
      %abs3A = math.absf %convert_element_type3A_1812 : vector<1000x1xf32>
      %reduce_sum3A = vector.shape_cast %abs3A : vector<1000x1xf32> to vector<1x1000x1xf32>
      %reduce_sum3A_1813 = arith.constant dense<0.000000e+00> : vector<1xf32>
      %reduce_sum3A_1814 = vector.multi_reduction <add>, %reduce_sum3A, %reduce_sum3A_1813 [1, 2] : vector<1x1000x1xf32> to vector<1xf32>
      %reduce_sum3A_1815 = vector.shape_cast %reduce_sum3A_1814 : vector<1xf32> to vector<1x1x1xf32>
      %reduce_sum3A_1816 = vector.extract %reduce_sum3A_1815[0, 0, 0] : f32 from vector<1x1x1xf32>
      %swap3A_1817 = arith.constant 0 : index
      %swap3A_1818 = arith.constant 0 : index
      %swap3A_1819 = vector.load %arg8[%swap3A_1817, %swap3A_1818] : memref<1000x1xbf16, #tpu.memory_space<vmem>>, vector<1000x1xbf16>
      tpu.vector_store %arg8[%swap3A_1817, %swap3A_1818], %mul3A_1810 {strides = array<i32>} : memref<1000x1xbf16, #tpu.memory_space<vmem>>, vector<1000x1xbf16>,
      %add3A_1820 = arith.constant 1 : i32
      %add3A_1821 = arith.addi %while3A_1794, %add3A_1820 : i32
      %gt3A_1822 = arith.constant 0.000000e+00 : f32
      %gt3A_1823 = arith.cmpf ogt, %reduce_sum3A_1816, %gt3A_1822 : f32
      %convert_element_type3A_1824 = arith.extui %gt3A_1823 : i1 to i32
      scf.yield %add3A_1821, %convert_element_type3A_1824 : i32, i32
    }
    %get3A_1528 = arith.constant 0 : index
    %get3A_1529 = arith.constant 0 : index
    %get3A_1530 = vector.load %arg8[%get3A_1528, %get3A_1529] : memref<1000x1xbf16, #tpu.memory_space<vmem>>, vector<1000x1xbf16>
    %get3A_1531 = arith.constant 0 : index
    %get3A_1532 = arith.constant 0 : index
    %get3A_1533 = vector.load %arg6[%get3A_1531, %get3A_1532] : memref<1000x1000xbf16, #tpu.memory_space<vmem>>, vector<1000x1000xbf16>
    %dot_general3A_1534 = arith.constant dense<0.000000e+00> : vector<1000x1xf32>
    %dot_general3A_1535 = tpu.matmul %get3A_1533, %get3A_1530, %dot_general3A_1534 {dimension_numbers = #tpu.dot_dimension_numbers<[1], [0], [0], [1], [0, 0, 1, 1], [], []>, transpose_lhs_hint = false} : vector<1000x1000xbf16>, vector<1000x1xbf16>, vector<1000x1xf32> -> vector<1000x1xf32>
    %convert_element_type3A_1536 = arith.extf %get3A_1530 : vector<1000x1xbf16> to vector<1000x1xf32>
    %gt3A_1537 = arith.constant 0.000000e+00 : f32
    %gt3A_1538 = vector.broadcast %gt3A_1537 : f32 to vector<1000x1xf32>
    %gt3A_1539 = arith.cmpf ogt, %convert_element_type3A_1536, %gt3A_1538 : vector<1000x1xf32>
    %lt3A_1540 = arith.constant 4.000000e+02 : f32
    %lt3A_1541 = vector.broadcast %lt3A_1540 : f32 to vector<1000x1xf32>
    %lt3A_1542 = arith.cmpf olt, %dot_general3A_1535, %lt3A_1541 : vector<1000x1xf32>
    %and3A_1543 = arith.andi %gt3A_1539, %lt3A_1542 : vector<1000x1xi1>
    %jit3A_1544 = arith.constant 5.110000e+02 : f32
    %broadcast_in_dim3A_1545 = vector.broadcast %jit3A_1544 : f32 to vector<1000x1xf32>
    %select_n3A_1546 = arith.select %and3A_1543, %dot_general3A_1535, %broadcast_in_dim3A_1545 : vector<1000x1xi1>, vector<1000x1xf32>
    %convert_element_type3A_1547 = arith.fptosi %select_n3A_1546 : vector<1000x1xf32> to vector<1000x1xi32>
    %swap3A_1548 = arith.constant 0 : index
    %swap3A_1549 = arith.constant 0 : index
    %swap3A_1550 = arith.constant 16 : index
    %swap3A_1551 = vector.load %arg4[%swap3A_1548, %swap3A_1549, %swap3A_1550] : memref<1x1024x32xi32, #tpu.memory_space<vmem>>, vector<1x1000x1xi32>
    %swap3A_1552 = vector.shape_cast %swap3A_1551 : vector<1x1000x1xi32> to vector<1000x1xi32>
    %swap3A_1553 = vector.shape_cast %convert_element_type3A_1547 : vector<1000x1xi32> to vector<1x1000x1xi32>
    tpu.vector_store %arg4[%swap3A_1548, %swap3A_1549, %swap3A_1550], %swap3A_1553 {strides = array<i32>} : memref<1x1024x32xi32, #tpu.memory_space<vmem>>, vector<1x1000x1xi32>,
    %slice3A_1554 = vector.extract_strided_slice %get3A_3 {offsets = [0, 18], sizes = [1000, 1], strides = [1, 1]} : vector<1000x33xf32> to vector<1000x1xf32>
    %slice3A_1555 = vector.extract_strided_slice %transpose3A {offsets = [18, 0], sizes = [1, 1000], strides = [1, 1]} : vector<33x1000xf32> to vector<1x1000xf32>
    %gt3A_1556 = arith.constant 0.00999999977 : f32
    %gt3A_1557 = vector.broadcast %gt3A_1556 : f32 to vector<1000x1xf32>
    %gt3A_1558 = arith.cmpf ogt, %slice3A_1554, %gt3A_1557 : vector<1000x1xf32>
    %convert_element_type3A_1559 = arith.extui %gt3A_1558 : vector<1000x1xi1> to vector<1000x1xi32>
    %convert_element_type3A_1560 = arith.sitofp %convert_element_type3A_1559 : vector<1000x1xi32> to vector<1000x1xf32>
    %convert_element_type3A_1561 = arith.truncf %convert_element_type3A_1560 : vector<1000x1xf32> to vector<1000x1xbf16>
    %gt3A_1562 = vector.broadcast %slice3A_1555 : vector<1x1000xf32> to vector<1000x1000xf32>
    %gt3A_1563 = vector.broadcast %slice3A_1554 : vector<1000x1xf32> to vector<1000x1000xf32>
    %gt3A_1564 = arith.cmpf ogt, %gt3A_1562, %gt3A_1563 : vector<1000x1000xf32>
    %eq3A_1565 = vector.broadcast %slice3A_1555 : vector<1x1000xf32> to vector<1000x1000xf32>
    %eq3A_1566 = vector.broadcast %slice3A_1554 : vector<1000x1xf32> to vector<1000x1000xf32>
    %eq3A_1567 = arith.cmpf oeq, %eq3A_1565, %eq3A_1566 : vector<1000x1000xf32>
    %lt3A_1568 = arith.cmpi slt, %iota3A_163, %iota3A : vector<1000x1000xi32>
    %and3A_1569 = arith.andi %eq3A_1567, %lt3A_1568 : vector<1000x1000xi1>
    %or3A_1570 = arith.ori %gt3A_1564, %and3A_1569 : vector<1000x1000xi1>
    %convert_element_type3A_1571 = arith.extui %or3A_1570 : vector<1000x1000xi1> to vector<1000x1000xi32>
    %convert_element_type3A_1572 = arith.sitofp %convert_element_type3A_1571 : vector<1000x1000xi32> to vector<1000x1000xf32>
    %convert_element_type3A_1573 = arith.truncf %convert_element_type3A_1572 : vector<1000x1000xf32> to vector<1000x1000xbf16>
    %swap3A_1574 = arith.constant 0 : index
    %swap3A_1575 = arith.constant 0 : index
    %swap3A_1576 = vector.load %arg6[%swap3A_1574, %swap3A_1575] : memref<1000x1000xbf16, #tpu.memory_space<vmem>>, vector<1000x1000xbf16>
    tpu.vector_store %arg6[%swap3A_1574, %swap3A_1575], %convert_element_type3A_1573 {strides = array<i32>} : memref<1000x1000xbf16, #tpu.memory_space<vmem>>, vector<1000x1000xbf16>,
    %gt3A_1577 = arith.constant 0.00999999977 : f32
    %gt3A_1578 = vector.broadcast %gt3A_1577 : f32 to vector<1x1000xf32>
    %gt3A_1579 = arith.cmpf ogt, %slice3A_1555, %gt3A_1578 : vector<1x1000xf32>
    %convert_element_type3A_1580 = arith.extui %gt3A_1579 : vector<1x1000xi1> to vector<1x1000xi32>
    %convert_element_type3A_1581 = arith.sitofp %convert_element_type3A_1580 : vector<1x1000xi32> to vector<1x1000xf32>
    %convert_element_type3A_1582 = arith.truncf %convert_element_type3A_1581 : vector<1x1000xf32> to vector<1x1000xbf16>
    %get3A_1583 = arith.constant 0 : index
    %get3A_1584 = arith.constant 0 : index
    %get3A_1585 = vector.load %arg5[%get3A_1583, %get3A_1584] : memref<1000x1000xbf16, #tpu.memory_space<vmem>>, vector<1000x1000xbf16>
    %mul3A_1586 = vector.broadcast %convert_element_type3A_1582 : vector<1x1000xbf16> to vector<1000x1000xbf16>
    %mul3A_1587 = arith.mulf %get3A_1585, %mul3A_1586 : vector<1000x1000xbf16>
    %mul3A_1588 = arith.mulf %convert_element_type3A_1573, %mul3A_1587 : vector<1000x1000xbf16>
    %swap3A_1589 = arith.constant 0 : index
    %swap3A_1590 = arith.constant 0 : index
    %swap3A_1591 = vector.load %arg7[%swap3A_1589, %swap3A_1590] : memref<1000x1000xbf16, #tpu.memory_space<vmem>>, vector<1000x1000xbf16>
    tpu.vector_store %arg7[%swap3A_1589, %swap3A_1590], %mul3A_1588 {strides = array<i32>} : memref<1000x1000xbf16, #tpu.memory_space<vmem>>, vector<1000x1000xbf16>,
    %reduce_max3A_1592 = arith.constant dense<0xFF80> : vector<1000xbf16>
    %reduce_max3A_1593 = vector.multi_reduction <maximumf>, %mul3A_1588, %reduce_max3A_1592 [1] : vector<1000x1000xbf16> to vector<1000xbf16>
    %broadcast_in_dim3A_1594 = vector.shape_cast %reduce_max3A_1593 : vector<1000xbf16> to vector<1000x1xbf16>
    %eq3A_1595 = arith.constant 0.000000e+00 : bf16
    %eq3A_1596 = vector.broadcast %eq3A_1595 : bf16 to vector<1000x1xbf16>
    %eq3A_1597 = arith.cmpf oeq, %broadcast_in_dim3A_1594, %eq3A_1596 : vector<1000x1xbf16>
    %convert_element_type3A_1598 = arith.extui %eq3A_1597 : vector<1000x1xi1> to vector<1000x1xi32>
    %convert_element_type3A_1599 = arith.sitofp %convert_element_type3A_1598 : vector<1000x1xi32> to vector<1000x1xf32>
    %convert_element_type3A_1600 = arith.truncf %convert_element_type3A_1599 : vector<1000x1xf32> to vector<1000x1xbf16>
    %mul3A_1601 = arith.mulf %convert_element_type3A_1561, %convert_element_type3A_1600 : vector<1000x1xbf16>
    %swap3A_1602 = arith.constant 0 : index
    %swap3A_1603 = arith.constant 0 : index
    %swap3A_1604 = vector.load %arg8[%swap3A_1602, %swap3A_1603] : memref<1000x1xbf16, #tpu.memory_space<vmem>>, vector<1000x1xbf16>
    tpu.vector_store %arg8[%swap3A_1602, %swap3A_1603], %mul3A_1601 {strides = array<i32>} : memref<1000x1xbf16, #tpu.memory_space<vmem>>, vector<1000x1xbf16>,
    %while3A_1605 = arith.constant 0 : i32
    %while3A_1606 = arith.constant 1 : i32
    %while3A_1607:2 = scf.while (%while3A_1794 = %while3A_1605, %while3A_1795 = %while3A_1606) : (i32, i32) -> (i32, i32) {
      %gt3A_1796 = arith.constant 0 : i32
      %gt3A_1797 = arith.cmpi sgt, %while3A_1795, %gt3A_1796 : i32
      scf.condition(%gt3A_1797) %while3A_1794, %while3A_1795 : i32, i32
    } do {
    ^bb0(%while3A_1794: i32, %while3A_1795: i32):
      %get3A_1796 = arith.constant 0 : index
      %get3A_1797 = arith.constant 0 : index
      %get3A_1798 = vector.load %arg8[%get3A_1796, %get3A_1797] : memref<1000x1xbf16, #tpu.memory_space<vmem>>, vector<1000x1xbf16>
      %get3A_1799 = arith.constant 0 : index
      %get3A_1800 = arith.constant 0 : index
      %get3A_1801 = vector.load %arg7[%get3A_1799, %get3A_1800] : memref<1000x1000xbf16, #tpu.memory_space<vmem>>, vector<1000x1000xbf16>
      %dot_general3A_1802 = arith.constant dense<0.000000e+00> : vector<1000x1xf32>
      %dot_general3A_1803 = tpu.matmul %get3A_1801, %get3A_1798, %dot_general3A_1802 {dimension_numbers = #tpu.dot_dimension_numbers<[1], [0], [0], [1], [0, 0, 1, 1], [], []>, transpose_lhs_hint = false} : vector<1000x1000xbf16>, vector<1000x1xbf16>, vector<1000x1xf32> -> vector<1000x1xf32>
      %eq3A_1804 = arith.constant 0.000000e+00 : f32
      %eq3A_1805 = vector.broadcast %eq3A_1804 : f32 to vector<1000x1xf32>
      %eq3A_1806 = arith.cmpf oeq, %dot_general3A_1803, %eq3A_1805 : vector<1000x1xf32>
      %convert_element_type3A_1807 = arith.extui %eq3A_1806 : vector<1000x1xi1> to vector<1000x1xi32>
      %convert_element_type3A_1808 = arith.sitofp %convert_element_type3A_1807 : vector<1000x1xi32> to vector<1000x1xf32>
      %convert_element_type3A_1809 = arith.truncf %convert_element_type3A_1808 : vector<1000x1xf32> to vector<1000x1xbf16>
      %mul3A_1810 = arith.mulf %convert_element_type3A_1561, %convert_element_type3A_1809 : vector<1000x1xbf16>
      %sub3A_1811 = arith.subf %mul3A_1810, %get3A_1798 : vector<1000x1xbf16>
      %convert_element_type3A_1812 = arith.extf %sub3A_1811 : vector<1000x1xbf16> to vector<1000x1xf32>
      %abs3A = math.absf %convert_element_type3A_1812 : vector<1000x1xf32>
      %reduce_sum3A = vector.shape_cast %abs3A : vector<1000x1xf32> to vector<1x1000x1xf32>
      %reduce_sum3A_1813 = arith.constant dense<0.000000e+00> : vector<1xf32>
      %reduce_sum3A_1814 = vector.multi_reduction <add>, %reduce_sum3A, %reduce_sum3A_1813 [1, 2] : vector<1x1000x1xf32> to vector<1xf32>
      %reduce_sum3A_1815 = vector.shape_cast %reduce_sum3A_1814 : vector<1xf32> to vector<1x1x1xf32>
      %reduce_sum3A_1816 = vector.extract %reduce_sum3A_1815[0, 0, 0] : f32 from vector<1x1x1xf32>
      %swap3A_1817 = arith.constant 0 : index
      %swap3A_1818 = arith.constant 0 : index
      %swap3A_1819 = vector.load %arg8[%swap3A_1817, %swap3A_1818] : memref<1000x1xbf16, #tpu.memory_space<vmem>>, vector<1000x1xbf16>
      tpu.vector_store %arg8[%swap3A_1817, %swap3A_1818], %mul3A_1810 {strides = array<i32>} : memref<1000x1xbf16, #tpu.memory_space<vmem>>, vector<1000x1xbf16>,
      %add3A_1820 = arith.constant 1 : i32
      %add3A_1821 = arith.addi %while3A_1794, %add3A_1820 : i32
      %gt3A_1822 = arith.constant 0.000000e+00 : f32
      %gt3A_1823 = arith.cmpf ogt, %reduce_sum3A_1816, %gt3A_1822 : f32
      %convert_element_type3A_1824 = arith.extui %gt3A_1823 : i1 to i32
      scf.yield %add3A_1821, %convert_element_type3A_1824 : i32, i32
    }
    %get3A_1608 = arith.constant 0 : index
    %get3A_1609 = arith.constant 0 : index
    %get3A_1610 = vector.load %arg8[%get3A_1608, %get3A_1609] : memref<1000x1xbf16, #tpu.memory_space<vmem>>, vector<1000x1xbf16>
    %get3A_1611 = arith.constant 0 : index
    %get3A_1612 = arith.constant 0 : index
    %get3A_1613 = vector.load %arg6[%get3A_1611, %get3A_1612] : memref<1000x1000xbf16, #tpu.memory_space<vmem>>, vector<1000x1000xbf16>
    %dot_general3A_1614 = arith.constant dense<0.000000e+00> : vector<1000x1xf32>
    %dot_general3A_1615 = tpu.matmul %get3A_1613, %get3A_1610, %dot_general3A_1614 {dimension_numbers = #tpu.dot_dimension_numbers<[1], [0], [0], [1], [0, 0, 1, 1], [], []>, transpose_lhs_hint = false} : vector<1000x1000xbf16>, vector<1000x1xbf16>, vector<1000x1xf32> -> vector<1000x1xf32>
    %convert_element_type3A_1616 = arith.extf %get3A_1610 : vector<1000x1xbf16> to vector<1000x1xf32>
    %gt3A_1617 = arith.constant 0.000000e+00 : f32
    %gt3A_1618 = vector.broadcast %gt3A_1617 : f32 to vector<1000x1xf32>
    %gt3A_1619 = arith.cmpf ogt, %convert_element_type3A_1616, %gt3A_1618 : vector<1000x1xf32>
    %lt3A_1620 = arith.constant 4.000000e+02 : f32
    %lt3A_1621 = vector.broadcast %lt3A_1620 : f32 to vector<1000x1xf32>
    %lt3A_1622 = arith.cmpf olt, %dot_general3A_1615, %lt3A_1621 : vector<1000x1xf32>
    %and3A_1623 = arith.andi %gt3A_1619, %lt3A_1622 : vector<1000x1xi1>
    %jit3A_1624 = arith.constant 5.110000e+02 : f32
    %broadcast_in_dim3A_1625 = vector.broadcast %jit3A_1624 : f32 to vector<1000x1xf32>
    %select_n3A_1626 = arith.select %and3A_1623, %dot_general3A_1615, %broadcast_in_dim3A_1625 : vector<1000x1xi1>, vector<1000x1xf32>
    %convert_element_type3A_1627 = arith.fptosi %select_n3A_1626 : vector<1000x1xf32> to vector<1000x1xi32>
    %swap3A_1628 = arith.constant 0 : index
    %swap3A_1629 = arith.constant 0 : index
    %swap3A_1630 = arith.constant 17 : index
    %swap3A_1631 = vector.load %arg4[%swap3A_1628, %swap3A_1629, %swap3A_1630] : memref<1x1024x32xi32, #tpu.memory_space<vmem>>, vector<1x1000x1xi32>
    %swap3A_1632 = vector.shape_cast %swap3A_1631 : vector<1x1000x1xi32> to vector<1000x1xi32>
    %swap3A_1633 = vector.shape_cast %convert_element_type3A_1627 : vector<1000x1xi32> to vector<1x1000x1xi32>
    tpu.vector_store %arg4[%swap3A_1628, %swap3A_1629, %swap3A_1630], %swap3A_1633 {strides = array<i32>} : memref<1x1024x32xi32, #tpu.memory_space<vmem>>, vector<1x1000x1xi32>,
    %slice3A_1634 = vector.extract_strided_slice %get3A_3 {offsets = [0, 19], sizes = [1000, 1], strides = [1, 1]} : vector<1000x33xf32> to vector<1000x1xf32>
    %slice3A_1635 = vector.extract_strided_slice %transpose3A {offsets = [19, 0], sizes = [1, 1000], strides = [1, 1]} : vector<33x1000xf32> to vector<1x1000xf32>
    %gt3A_1636 = arith.constant 0.00999999977 : f32
    %gt3A_1637 = vector.broadcast %gt3A_1636 : f32 to vector<1000x1xf32>
    %gt3A_1638 = arith.cmpf ogt, %slice3A_1634, %gt3A_1637 : vector<1000x1xf32>
    %convert_element_type3A_1639 = arith.extui %gt3A_1638 : vector<1000x1xi1> to vector<1000x1xi32>
    %convert_element_type3A_1640 = arith.sitofp %convert_element_type3A_1639 : vector<1000x1xi32> to vector<1000x1xf32>
    %convert_element_type3A_1641 = arith.truncf %convert_element_type3A_1640 : vector<1000x1xf32> to vector<1000x1xbf16>
    %gt3A_1642 = vector.broadcast %slice3A_1635 : vector<1x1000xf32> to vector<1000x1000xf32>
    %gt3A_1643 = vector.broadcast %slice3A_1634 : vector<1000x1xf32> to vector<1000x1000xf32>
    %gt3A_1644 = arith.cmpf ogt, %gt3A_1642, %gt3A_1643 : vector<1000x1000xf32>
    %eq3A_1645 = vector.broadcast %slice3A_1635 : vector<1x1000xf32> to vector<1000x1000xf32>
    %eq3A_1646 = vector.broadcast %slice3A_1634 : vector<1000x1xf32> to vector<1000x1000xf32>
    %eq3A_1647 = arith.cmpf oeq, %eq3A_1645, %eq3A_1646 : vector<1000x1000xf32>
    %lt3A_1648 = arith.cmpi slt, %iota3A_163, %iota3A : vector<1000x1000xi32>
    %and3A_1649 = arith.andi %eq3A_1647, %lt3A_1648 : vector<1000x1000xi1>
    %or3A_1650 = arith.ori %gt3A_1644, %and3A_1649 : vector<1000x1000xi1>
    %convert_element_type3A_1651 = arith.extui %or3A_1650 : vector<1000x1000xi1> to vector<1000x1000xi32>
    %convert_element_type3A_1652 = arith.sitofp %convert_element_type3A_1651 : vector<1000x1000xi32> to vector<1000x1000xf32>
    %convert_element_type3A_1653 = arith.truncf %convert_element_type3A_1652 : vector<1000x1000xf32> to vector<1000x1000xbf16>
    %swap3A_1654 = arith.constant 0 : index
    %swap3A_1655 = arith.constant 0 : index
    %swap3A_1656 = vector.load %arg6[%swap3A_1654, %swap3A_1655] : memref<1000x1000xbf16, #tpu.memory_space<vmem>>, vector<1000x1000xbf16>
    tpu.vector_store %arg6[%swap3A_1654, %swap3A_1655], %convert_element_type3A_1653 {strides = array<i32>} : memref<1000x1000xbf16, #tpu.memory_space<vmem>>, vector<1000x1000xbf16>,
    %gt3A_1657 = arith.constant 0.00999999977 : f32
    %gt3A_1658 = vector.broadcast %gt3A_1657 : f32 to vector<1x1000xf32>
    %gt3A_1659 = arith.cmpf ogt, %slice3A_1635, %gt3A_1658 : vector<1x1000xf32>
    %convert_element_type3A_1660 = arith.extui %gt3A_1659 : vector<1x1000xi1> to vector<1x1000xi32>
    %convert_element_type3A_1661 = arith.sitofp %convert_element_type3A_1660 : vector<1x1000xi32> to vector<1x1000xf32>
    %convert_element_type3A_1662 = arith.truncf %convert_element_type3A_1661 : vector<1x1000xf32> to vector<1x1000xbf16>
    %get3A_1663 = arith.constant 0 : index
    %get3A_1664 = arith.constant 0 : index
    %get3A_1665 = vector.load %arg5[%get3A_1663, %get3A_1664] : memref<1000x1000xbf16, #tpu.memory_space<vmem>>, vector<1000x1000xbf16>
    %mul3A_1666 = vector.broadcast %convert_element_type3A_1662 : vector<1x1000xbf16> to vector<1000x1000xbf16>
    %mul3A_1667 = arith.mulf %get3A_1665, %mul3A_1666 : vector<1000x1000xbf16>
    %mul3A_1668 = arith.mulf %convert_element_type3A_1653, %mul3A_1667 : vector<1000x1000xbf16>
    %swap3A_1669 = arith.constant 0 : index
    %swap3A_1670 = arith.constant 0 : index
    %swap3A_1671 = vector.load %arg7[%swap3A_1669, %swap3A_1670] : memref<1000x1000xbf16, #tpu.memory_space<vmem>>, vector<1000x1000xbf16>
    tpu.vector_store %arg7[%swap3A_1669, %swap3A_1670], %mul3A_1668 {strides = array<i32>} : memref<1000x1000xbf16, #tpu.memory_space<vmem>>, vector<1000x1000xbf16>,
    %reduce_max3A_1672 = arith.constant dense<0xFF80> : vector<1000xbf16>
    %reduce_max3A_1673 = vector.multi_reduction <maximumf>, %mul3A_1668, %reduce_max3A_1672 [1] : vector<1000x1000xbf16> to vector<1000xbf16>
    %broadcast_in_dim3A_1674 = vector.shape_cast %reduce_max3A_1673 : vector<1000xbf16> to vector<1000x1xbf16>
    %eq3A_1675 = arith.constant 0.000000e+00 : bf16
    %eq3A_1676 = vector.broadcast %eq3A_1675 : bf16 to vector<1000x1xbf16>
    %eq3A_1677 = arith.cmpf oeq, %broadcast_in_dim3A_1674, %eq3A_1676 : vector<1000x1xbf16>
    %convert_element_type3A_1678 = arith.extui %eq3A_1677 : vector<1000x1xi1> to vector<1000x1xi32>
    %convert_element_type3A_1679 = arith.sitofp %convert_element_type3A_1678 : vector<1000x1xi32> to vector<1000x1xf32>
    %convert_element_type3A_1680 = arith.truncf %convert_element_type3A_1679 : vector<1000x1xf32> to vector<1000x1xbf16>
    %mul3A_1681 = arith.mulf %convert_element_type3A_1641, %convert_element_type3A_1680 : vector<1000x1xbf16>
    %swap3A_1682 = arith.constant 0 : index
    %swap3A_1683 = arith.constant 0 : index
    %swap3A_1684 = vector.load %arg8[%swap3A_1682, %swap3A_1683] : memref<1000x1xbf16, #tpu.memory_space<vmem>>, vector<1000x1xbf16>
    tpu.vector_store %arg8[%swap3A_1682, %swap3A_1683], %mul3A_1681 {strides = array<i32>} : memref<1000x1xbf16, #tpu.memory_space<vmem>>, vector<1000x1xbf16>,
    %while3A_1685 = arith.constant 0 : i32
    %while3A_1686 = arith.constant 1 : i32
    %while3A_1687:2 = scf.while (%while3A_1794 = %while3A_1685, %while3A_1795 = %while3A_1686) : (i32, i32) -> (i32, i32) {
      %gt3A_1796 = arith.constant 0 : i32
      %gt3A_1797 = arith.cmpi sgt, %while3A_1795, %gt3A_1796 : i32
      scf.condition(%gt3A_1797) %while3A_1794, %while3A_1795 : i32, i32
    } do {
    ^bb0(%while3A_1794: i32, %while3A_1795: i32):
      %get3A_1796 = arith.constant 0 : index
      %get3A_1797 = arith.constant 0 : index
      %get3A_1798 = vector.load %arg8[%get3A_1796, %get3A_1797] : memref<1000x1xbf16, #tpu.memory_space<vmem>>, vector<1000x1xbf16>
      %get3A_1799 = arith.constant 0 : index
      %get3A_1800 = arith.constant 0 : index
      %get3A_1801 = vector.load %arg7[%get3A_1799, %get3A_1800] : memref<1000x1000xbf16, #tpu.memory_space<vmem>>, vector<1000x1000xbf16>
      %dot_general3A_1802 = arith.constant dense<0.000000e+00> : vector<1000x1xf32>
      %dot_general3A_1803 = tpu.matmul %get3A_1801, %get3A_1798, %dot_general3A_1802 {dimension_numbers = #tpu.dot_dimension_numbers<[1], [0], [0], [1], [0, 0, 1, 1], [], []>, transpose_lhs_hint = false} : vector<1000x1000xbf16>, vector<1000x1xbf16>, vector<1000x1xf32> -> vector<1000x1xf32>
      %eq3A_1804 = arith.constant 0.000000e+00 : f32
      %eq3A_1805 = vector.broadcast %eq3A_1804 : f32 to vector<1000x1xf32>
      %eq3A_1806 = arith.cmpf oeq, %dot_general3A_1803, %eq3A_1805 : vector<1000x1xf32>
      %convert_element_type3A_1807 = arith.extui %eq3A_1806 : vector<1000x1xi1> to vector<1000x1xi32>
      %convert_element_type3A_1808 = arith.sitofp %convert_element_type3A_1807 : vector<1000x1xi32> to vector<1000x1xf32>
      %convert_element_type3A_1809 = arith.truncf %convert_element_type3A_1808 : vector<1000x1xf32> to vector<1000x1xbf16>
      %mul3A_1810 = arith.mulf %convert_element_type3A_1641, %convert_element_type3A_1809 : vector<1000x1xbf16>
      %sub3A_1811 = arith.subf %mul3A_1810, %get3A_1798 : vector<1000x1xbf16>
      %convert_element_type3A_1812 = arith.extf %sub3A_1811 : vector<1000x1xbf16> to vector<1000x1xf32>
      %abs3A = math.absf %convert_element_type3A_1812 : vector<1000x1xf32>
      %reduce_sum3A = vector.shape_cast %abs3A : vector<1000x1xf32> to vector<1x1000x1xf32>
      %reduce_sum3A_1813 = arith.constant dense<0.000000e+00> : vector<1xf32>
      %reduce_sum3A_1814 = vector.multi_reduction <add>, %reduce_sum3A, %reduce_sum3A_1813 [1, 2] : vector<1x1000x1xf32> to vector<1xf32>
      %reduce_sum3A_1815 = vector.shape_cast %reduce_sum3A_1814 : vector<1xf32> to vector<1x1x1xf32>
      %reduce_sum3A_1816 = vector.extract %reduce_sum3A_1815[0, 0, 0] : f32 from vector<1x1x1xf32>
      %swap3A_1817 = arith.constant 0 : index
      %swap3A_1818 = arith.constant 0 : index
      %swap3A_1819 = vector.load %arg8[%swap3A_1817, %swap3A_1818] : memref<1000x1xbf16, #tpu.memory_space<vmem>>, vector<1000x1xbf16>
      tpu.vector_store %arg8[%swap3A_1817, %swap3A_1818], %mul3A_1810 {strides = array<i32>} : memref<1000x1xbf16, #tpu.memory_space<vmem>>, vector<1000x1xbf16>,
      %add3A_1820 = arith.constant 1 : i32
      %add3A_1821 = arith.addi %while3A_1794, %add3A_1820 : i32
      %gt3A_1822 = arith.constant 0.000000e+00 : f32
      %gt3A_1823 = arith.cmpf ogt, %reduce_sum3A_1816, %gt3A_1822 : f32
      %convert_element_type3A_1824 = arith.extui %gt3A_1823 : i1 to i32
      scf.yield %add3A_1821, %convert_element_type3A_1824 : i32, i32
    }
    %get3A_1688 = arith.constant 0 : index
    %get3A_1689 = arith.constant 0 : index
    %get3A_1690 = vector.load %arg8[%get3A_1688, %get3A_1689] : memref<1000x1xbf16, #tpu.memory_space<vmem>>, vector<1000x1xbf16>
    %get3A_1691 = arith.constant 0 : index
    %get3A_1692 = arith.constant 0 : index
    %get3A_1693 = vector.load %arg6[%get3A_1691, %get3A_1692] : memref<1000x1000xbf16, #tpu.memory_space<vmem>>, vector<1000x1000xbf16>
    %dot_general3A_1694 = arith.constant dense<0.000000e+00> : vector<1000x1xf32>
    %dot_general3A_1695 = tpu.matmul %get3A_1693, %get3A_1690, %dot_general3A_1694 {dimension_numbers = #tpu.dot_dimension_numbers<[1], [0], [0], [1], [0, 0, 1, 1], [], []>, transpose_lhs_hint = false} : vector<1000x1000xbf16>, vector<1000x1xbf16>, vector<1000x1xf32> -> vector<1000x1xf32>
    %convert_element_type3A_1696 = arith.extf %get3A_1690 : vector<1000x1xbf16> to vector<1000x1xf32>
    %gt3A_1697 = arith.constant 0.000000e+00 : f32
    %gt3A_1698 = vector.broadcast %gt3A_1697 : f32 to vector<1000x1xf32>
    %gt3A_1699 = arith.cmpf ogt, %convert_element_type3A_1696, %gt3A_1698 : vector<1000x1xf32>
    %lt3A_1700 = arith.constant 4.000000e+02 : f32
    %lt3A_1701 = vector.broadcast %lt3A_1700 : f32 to vector<1000x1xf32>
    %lt3A_1702 = arith.cmpf olt, %dot_general3A_1695, %lt3A_1701 : vector<1000x1xf32>
    %and3A_1703 = arith.andi %gt3A_1699, %lt3A_1702 : vector<1000x1xi1>
    %jit3A_1704 = arith.constant 5.110000e+02 : f32
    %broadcast_in_dim3A_1705 = vector.broadcast %jit3A_1704 : f32 to vector<1000x1xf32>
    %select_n3A_1706 = arith.select %and3A_1703, %dot_general3A_1695, %broadcast_in_dim3A_1705 : vector<1000x1xi1>, vector<1000x1xf32>
    %convert_element_type3A_1707 = arith.fptosi %select_n3A_1706 : vector<1000x1xf32> to vector<1000x1xi32>
    %swap3A_1708 = arith.constant 0 : index
    %swap3A_1709 = arith.constant 0 : index
    %swap3A_1710 = arith.constant 18 : index
    %swap3A_1711 = vector.load %arg4[%swap3A_1708, %swap3A_1709, %swap3A_1710] : memref<1x1024x32xi32, #tpu.memory_space<vmem>>, vector<1x1000x1xi32>
    %swap3A_1712 = vector.shape_cast %swap3A_1711 : vector<1x1000x1xi32> to vector<1000x1xi32>
    %swap3A_1713 = vector.shape_cast %convert_element_type3A_1707 : vector<1000x1xi32> to vector<1x1000x1xi32>
    tpu.vector_store %arg4[%swap3A_1708, %swap3A_1709, %swap3A_1710], %swap3A_1713 {strides = array<i32>} : memref<1x1024x32xi32, #tpu.memory_space<vmem>>, vector<1x1000x1xi32>,
    %slice3A_1714 = vector.extract_strided_slice %get3A_3 {offsets = [0, 20], sizes = [1000, 1], strides = [1, 1]} : vector<1000x33xf32> to vector<1000x1xf32>
    %slice3A_1715 = vector.extract_strided_slice %transpose3A {offsets = [20, 0], sizes = [1, 1000], strides = [1, 1]} : vector<33x1000xf32> to vector<1x1000xf32>
    %gt3A_1716 = arith.constant 0.00999999977 : f32
    %gt3A_1717 = vector.broadcast %gt3A_1716 : f32 to vector<1000x1xf32>
    %gt3A_1718 = arith.cmpf ogt, %slice3A_1714, %gt3A_1717 : vector<1000x1xf32>
    %convert_element_type3A_1719 = arith.extui %gt3A_1718 : vector<1000x1xi1> to vector<1000x1xi32>
    %convert_element_type3A_1720 = arith.sitofp %convert_element_type3A_1719 : vector<1000x1xi32> to vector<1000x1xf32>
    %convert_element_type3A_1721 = arith.truncf %convert_element_type3A_1720 : vector<1000x1xf32> to vector<1000x1xbf16>
    %gt3A_1722 = vector.broadcast %slice3A_1715 : vector<1x1000xf32> to vector<1000x1000xf32>
    %gt3A_1723 = vector.broadcast %slice3A_1714 : vector<1000x1xf32> to vector<1000x1000xf32>
    %gt3A_1724 = arith.cmpf ogt, %gt3A_1722, %gt3A_1723 : vector<1000x1000xf32>
    %eq3A_1725 = vector.broadcast %slice3A_1715 : vector<1x1000xf32> to vector<1000x1000xf32>
    %eq3A_1726 = vector.broadcast %slice3A_1714 : vector<1000x1xf32> to vector<1000x1000xf32>
    %eq3A_1727 = arith.cmpf oeq, %eq3A_1725, %eq3A_1726 : vector<1000x1000xf32>
    %lt3A_1728 = arith.cmpi slt, %iota3A_163, %iota3A : vector<1000x1000xi32>
    %and3A_1729 = arith.andi %eq3A_1727, %lt3A_1728 : vector<1000x1000xi1>
    %or3A_1730 = arith.ori %gt3A_1724, %and3A_1729 : vector<1000x1000xi1>
    %convert_element_type3A_1731 = arith.extui %or3A_1730 : vector<1000x1000xi1> to vector<1000x1000xi32>
    %convert_element_type3A_1732 = arith.sitofp %convert_element_type3A_1731 : vector<1000x1000xi32> to vector<1000x1000xf32>
    %convert_element_type3A_1733 = arith.truncf %convert_element_type3A_1732 : vector<1000x1000xf32> to vector<1000x1000xbf16>
    %swap3A_1734 = arith.constant 0 : index
    %swap3A_1735 = arith.constant 0 : index
    %swap3A_1736 = vector.load %arg6[%swap3A_1734, %swap3A_1735] : memref<1000x1000xbf16, #tpu.memory_space<vmem>>, vector<1000x1000xbf16>
    tpu.vector_store %arg6[%swap3A_1734, %swap3A_1735], %convert_element_type3A_1733 {strides = array<i32>} : memref<1000x1000xbf16, #tpu.memory_space<vmem>>, vector<1000x1000xbf16>,
    %gt3A_1737 = arith.constant 0.00999999977 : f32
    %gt3A_1738 = vector.broadcast %gt3A_1737 : f32 to vector<1x1000xf32>
    %gt3A_1739 = arith.cmpf ogt, %slice3A_1715, %gt3A_1738 : vector<1x1000xf32>
    %convert_element_type3A_1740 = arith.extui %gt3A_1739 : vector<1x1000xi1> to vector<1x1000xi32>
    %convert_element_type3A_1741 = arith.sitofp %convert_element_type3A_1740 : vector<1x1000xi32> to vector<1x1000xf32>
    %convert_element_type3A_1742 = arith.truncf %convert_element_type3A_1741 : vector<1x1000xf32> to vector<1x1000xbf16>
    %get3A_1743 = arith.constant 0 : index
    %get3A_1744 = arith.constant 0 : index
    %get3A_1745 = vector.load %arg5[%get3A_1743, %get3A_1744] : memref<1000x1000xbf16, #tpu.memory_space<vmem>>, vector<1000x1000xbf16>
    %mul3A_1746 = vector.broadcast %convert_element_type3A_1742 : vector<1x1000xbf16> to vector<1000x1000xbf16>
    %mul3A_1747 = arith.mulf %get3A_1745, %mul3A_1746 : vector<1000x1000xbf16>
    %mul3A_1748 = arith.mulf %convert_element_type3A_1733, %mul3A_1747 : vector<1000x1000xbf16>
    %swap3A_1749 = arith.constant 0 : index
    %swap3A_1750 = arith.constant 0 : index
    %swap3A_1751 = vector.load %arg7[%swap3A_1749, %swap3A_1750] : memref<1000x1000xbf16, #tpu.memory_space<vmem>>, vector<1000x1000xbf16>
    tpu.vector_store %arg7[%swap3A_1749, %swap3A_1750], %mul3A_1748 {strides = array<i32>} : memref<1000x1000xbf16, #tpu.memory_space<vmem>>, vector<1000x1000xbf16>,
    %reduce_max3A_1752 = arith.constant dense<0xFF80> : vector<1000xbf16>
    %reduce_max3A_1753 = vector.multi_reduction <maximumf>, %mul3A_1748, %reduce_max3A_1752 [1] : vector<1000x1000xbf16> to vector<1000xbf16>
    %broadcast_in_dim3A_1754 = vector.shape_cast %reduce_max3A_1753 : vector<1000xbf16> to vector<1000x1xbf16>
    %eq3A_1755 = arith.constant 0.000000e+00 : bf16
    %eq3A_1756 = vector.broadcast %eq3A_1755 : bf16 to vector<1000x1xbf16>
    %eq3A_1757 = arith.cmpf oeq, %broadcast_in_dim3A_1754, %eq3A_1756 : vector<1000x1xbf16>
    %convert_element_type3A_1758 = arith.extui %eq3A_1757 : vector<1000x1xi1> to vector<1000x1xi32>
    %convert_element_type3A_1759 = arith.sitofp %convert_element_type3A_1758 : vector<1000x1xi32> to vector<1000x1xf32>
    %convert_element_type3A_1760 = arith.truncf %convert_element_type3A_1759 : vector<1000x1xf32> to vector<1000x1xbf16>
    %mul3A_1761 = arith.mulf %convert_element_type3A_1721, %convert_element_type3A_1760 : vector<1000x1xbf16>
    %swap3A_1762 = arith.constant 0 : index
    %swap3A_1763 = arith.constant 0 : index
    %swap3A_1764 = vector.load %arg8[%swap3A_1762, %swap3A_1763] : memref<1000x1xbf16, #tpu.memory_space<vmem>>, vector<1000x1xbf16>
    tpu.vector_store %arg8[%swap3A_1762, %swap3A_1763], %mul3A_1761 {strides = array<i32>} : memref<1000x1xbf16, #tpu.memory_space<vmem>>, vector<1000x1xbf16>,
    %while3A_1765 = arith.constant 0 : i32
    %while3A_1766 = arith.constant 1 : i32
    %while3A_1767:2 = scf.while (%while3A_1794 = %while3A_1765, %while3A_1795 = %while3A_1766) : (i32, i32) -> (i32, i32) {
      %gt3A_1796 = arith.constant 0 : i32
      %gt3A_1797 = arith.cmpi sgt, %while3A_1795, %gt3A_1796 : i32
      scf.condition(%gt3A_1797) %while3A_1794, %while3A_1795 : i32, i32
    } do {
    ^bb0(%while3A_1794: i32, %while3A_1795: i32):
      %get3A_1796 = arith.constant 0 : index
      %get3A_1797 = arith.constant 0 : index
      %get3A_1798 = vector.load %arg8[%get3A_1796, %get3A_1797] : memref<1000x1xbf16, #tpu.memory_space<vmem>>, vector<1000x1xbf16>
      %get3A_1799 = arith.constant 0 : index
      %get3A_1800 = arith.constant 0 : index
      %get3A_1801 = vector.load %arg7[%get3A_1799, %get3A_1800] : memref<1000x1000xbf16, #tpu.memory_space<vmem>>, vector<1000x1000xbf16>
      %dot_general3A_1802 = arith.constant dense<0.000000e+00> : vector<1000x1xf32>
      %dot_general3A_1803 = tpu.matmul %get3A_1801, %get3A_1798, %dot_general3A_1802 {dimension_numbers = #tpu.dot_dimension_numbers<[1], [0], [0], [1], [0, 0, 1, 1], [], []>, transpose_lhs_hint = false} : vector<1000x1000xbf16>, vector<1000x1xbf16>, vector<1000x1xf32> -> vector<1000x1xf32>
      %eq3A_1804 = arith.constant 0.000000e+00 : f32
      %eq3A_1805 = vector.broadcast %eq3A_1804 : f32 to vector<1000x1xf32>
      %eq3A_1806 = arith.cmpf oeq, %dot_general3A_1803, %eq3A_1805 : vector<1000x1xf32>
      %convert_element_type3A_1807 = arith.extui %eq3A_1806 : vector<1000x1xi1> to vector<1000x1xi32>
      %convert_element_type3A_1808 = arith.sitofp %convert_element_type3A_1807 : vector<1000x1xi32> to vector<1000x1xf32>
      %convert_element_type3A_1809 = arith.truncf %convert_element_type3A_1808 : vector<1000x1xf32> to vector<1000x1xbf16>
      %mul3A_1810 = arith.mulf %convert_element_type3A_1721, %convert_element_type3A_1809 : vector<1000x1xbf16>
      %sub3A_1811 = arith.subf %mul3A_1810, %get3A_1798 : vector<1000x1xbf16>
      %convert_element_type3A_1812 = arith.extf %sub3A_1811 : vector<1000x1xbf16> to vector<1000x1xf32>
      %abs3A = math.absf %convert_element_type3A_1812 : vector<1000x1xf32>
      %reduce_sum3A = vector.shape_cast %abs3A : vector<1000x1xf32> to vector<1x1000x1xf32>
      %reduce_sum3A_1813 = arith.constant dense<0.000000e+00> : vector<1xf32>
      %reduce_sum3A_1814 = vector.multi_reduction <add>, %reduce_sum3A, %reduce_sum3A_1813 [1, 2] : vector<1x1000x1xf32> to vector<1xf32>
      %reduce_sum3A_1815 = vector.shape_cast %reduce_sum3A_1814 : vector<1xf32> to vector<1x1x1xf32>
      %reduce_sum3A_1816 = vector.extract %reduce_sum3A_1815[0, 0, 0] : f32 from vector<1x1x1xf32>
      %swap3A_1817 = arith.constant 0 : index
      %swap3A_1818 = arith.constant 0 : index
      %swap3A_1819 = vector.load %arg8[%swap3A_1817, %swap3A_1818] : memref<1000x1xbf16, #tpu.memory_space<vmem>>, vector<1000x1xbf16>
      tpu.vector_store %arg8[%swap3A_1817, %swap3A_1818], %mul3A_1810 {strides = array<i32>} : memref<1000x1xbf16, #tpu.memory_space<vmem>>, vector<1000x1xbf16>,
      %add3A_1820 = arith.constant 1 : i32
      %add3A_1821 = arith.addi %while3A_1794, %add3A_1820 : i32
      %gt3A_1822 = arith.constant 0.000000e+00 : f32
      %gt3A_1823 = arith.cmpf ogt, %reduce_sum3A_1816, %gt3A_1822 : f32
      %convert_element_type3A_1824 = arith.extui %gt3A_1823 : i1 to i32
      scf.yield %add3A_1821, %convert_element_type3A_1824 : i32, i32
    }
    %get3A_1768 = arith.constant 0 : index
    %get3A_1769 = arith.constant 0 : index
    %get3A_1770 = vector.load %arg8[%get3A_1768, %get3A_1769] : memref<1000x1xbf16, #tpu.memory_space<vmem>>, vector<1000x1xbf16>
    %get3A_1771 = arith.constant 0 : index
    %get3A_1772 = arith.constant 0 : index
    %get3A_1773 = vector.load %arg6[%get3A_1771, %get3A_1772] : memref<1000x1000xbf16, #tpu.memory_space<vmem>>, vector<1000x1000xbf16>
    %dot_general3A_1774 = arith.constant dense<0.000000e+00> : vector<1000x1xf32>
    %dot_general3A_1775 = tpu.matmul %get3A_1773, %get3A_1770, %dot_general3A_1774 {dimension_numbers = #tpu.dot_dimension_numbers<[1], [0], [0], [1], [0, 0, 1, 1], [], []>, transpose_lhs_hint = false} : vector<1000x1000xbf16>, vector<1000x1xbf16>, vector<1000x1xf32> -> vector<1000x1xf32>
    %convert_element_type3A_1776 = arith.extf %get3A_1770 : vector<1000x1xbf16> to vector<1000x1xf32>
    %gt3A_1777 = arith.constant 0.000000e+00 : f32
    %gt3A_1778 = vector.broadcast %gt3A_1777 : f32 to vector<1000x1xf32>
    %gt3A_1779 = arith.cmpf ogt, %convert_element_type3A_1776, %gt3A_1778 : vector<1000x1xf32>
    %lt3A_1780 = arith.constant 4.000000e+02 : f32
    %lt3A_1781 = vector.broadcast %lt3A_1780 : f32 to vector<1000x1xf32>
    %lt3A_1782 = arith.cmpf olt, %dot_general3A_1775, %lt3A_1781 : vector<1000x1xf32>
    %and3A_1783 = arith.andi %gt3A_1779, %lt3A_1782 : vector<1000x1xi1>
    %jit3A_1784 = arith.constant 5.110000e+02 : f32
    %broadcast_in_dim3A_1785 = vector.broadcast %jit3A_1784 : f32 to vector<1000x1xf32>
    %select_n3A_1786 = arith.select %and3A_1783, %dot_general3A_1775, %broadcast_in_dim3A_1785 : vector<1000x1xi1>, vector<1000x1xf32>
    %convert_element_type3A_1787 = arith.fptosi %select_n3A_1786 : vector<1000x1xf32> to vector<1000x1xi32>
    %swap3A_1788 = arith.constant 0 : index
    %swap3A_1789 = arith.constant 0 : index
    %swap3A_1790 = arith.constant 19 : index
    %swap3A_1791 = vector.load %arg4[%swap3A_1788, %swap3A_1789, %swap3A_1790] : memref<1x1024x32xi32, #tpu.memory_space<vmem>>, vector<1x1000x1xi32>
    %swap3A_1792 = vector.shape_cast %swap3A_1791 : vector<1x1000x1xi32> to vector<1000x1xi32>
    %swap3A_1793 = vector.shape_cast %convert_element_type3A_1787 : vector<1000x1xi32> to vector<1x1000x1xi32>
    tpu.vector_store %arg4[%swap3A_1788, %swap3A_1789, %swap3A_1790], %swap3A_1793 {strides = array<i32>} : memref<1x1024x32xi32, #tpu.memory_space<vmem>>, vector<1x1000x1xi32>,
    return
  }
  func.func @transform_0(%arg0: i32) -> (i32, i32, i32) {
    %c0_i32 = arith.constant 0 : i32
    %c0_i32_0 = arith.constant 0 : i32
    %c0_i32_1 = arith.constant 0 : i32
    return %arg0, %c0_i32, %c0_i32_0 : i32, i32, i32
  }
  func.func @transform_1(%arg0: i32) -> (i32, i32, i32) {
    %c0_i32 = arith.constant 0 : i32
    %c0_i32_0 = arith.constant 0 : i32
    %c0_i32_1 = arith.constant 0 : i32
    return %arg0, %c0_i32, %c0_i32_0 : i32, i32, i32
  }
  func.func @transform_2(%arg0: i32) -> (i32, i32, i32) {
    %c0_i32 = arith.constant 0 : i32
    %c0_i32_0 = arith.constant 0 : i32
    %c0_i32_1 = arith.constant 0 : i32
    return %arg0, %c0_i32, %c0_i32_0 : i32, i32, i32
  }
  func.func @transform_3(%arg0: i32) -> (i32, i32, i32) {
    %c0_i32 = arith.constant 0 : i32
    %c0_i32_0 = arith.constant 0 : i32
    %c0_i32_1 = arith.constant 0 : i32
    return %arg0, %c0_i32, %c0_i32_0 : i32, i32, i32
  }
}

</mosaic_0001>

<sc_bundles>
// kernel: kernel.4.cloned.1.call-start
scs
__scs_entry_jumppad:
0x0: {  	(pc) =	sbr.rel $0x88, $3  }
0x1: {  	(tag) =	ssettag $0x0;
	lr =	simm.s32 $0x1  }
0x2: {  	[smem:$0x3FA0] =	sst lr;
	_ =	strace $0xD0000000  }
0x3: {  	_ = 	snop  }
0x4: {  	_ = 	snop  }
0x5: {  	_ = 	snop  }
0x6: {  	_ = 	snop  }
0x7: {  	_ = 	snop  }
__scs_overlays_trampoline_lowered:
0x8: {  	[smem:$0x3FAF] =	sst s0  }
0x9: {  	[smem:$0x3FB0] =	sst s1  }
0xa: {  	[smem:$0x3FB1] =	sst s2  }
0xb: {  	[smem:$0x3FB2] =	sst s3  }
0xc: {  	[smem:$0x3FB3] =	sst s4  }
0xd: {  	[smem:$0x3FB4] =	sst s5  }
0xe: {  	[smem:$0x3FB5] =	sst s6  }
0xf: {  	[smem:$0x3FB6] =	sst s7  }
0x10: {  	[smem:$0x3FB7] =	sst s8  }
0x11: {  	[smem:$0x3FB8] =	sst s9;
	s0 =	simm.s32 @!p0 $0x0  }
0x12: {  	s1 =	sld [smem:$0x3F9E];
	s0 =	simm.s32 @p0 $0x1  }
0x13: {  	[smem:$0x3FB9] =	sst s0;
	s0 =	simm.s32 @!p1 $0x0  }
0x14: {  	s2 =	sld [smem:$0x3F9D];
	s0 =	simm.s32 @p1 $0x1  }
0x15: {  	[smem:$0x3FBA] =	sst s0;
	s0 =	simm.s32 @!p2 $0x0  }
0x16: {  	s3 =	sld [smem:$0x3FDB];
	s0 =	simm.s32 @p2 $0x1  }
0x17: {  	s4 =	simm.s32 $0x1BF5;
	[smem:$0x3FBC] =	sst s0  }
0x18: {  	s0 =	sld [smem:$0x3F9F];
	_ =	swait.ge [sflag:s4], $0x0  }
0x19: {  	s7 =	sld [smem:$0x3FA0]  }
0x1a: {  	s8 =	sadd.s32 $0xFFFFE003, lr  }
0x1b: {  	s9 =	sadd.s32 $0xFFFFFEF7, lr;
	s5 =	simm.s32 $0xFFFFFFFF;
	p2 =	slt.u32 s8, $0xFFFFF086  }
0x1c: {  	p1 =	slt.u32 s9, $0xF7A;
	s5 =	simm.s32 @!p2 $0x0  }
0x1d: {  	s5 =	simm.s32 @p1 $0x1;
	p0 =	seq.s32 s7, s2  }
0x1e: {  	s7 =	smul.u32 @!p0 $0xF7A, s2;
	p2 =	seq.s32 @!p0 s5, $0x0  }
0x1f: {  	s9 =	smul.u32 $0xF7A, s1;
	s8 =	simm.s32 @!p0 $0x1BF5;
	p2 =	por !p2, p0  }
0x20: {  	[sflag:s8] =	ssyncset.s32 @!p0 $0xFFFFF086;
	s6 =	sadd.s32 @!p0 s3, s7;
	s7 =	simm.s32 @!p0 $0x108  }
0x21: {  	s3 =	sadd.s32 s3, s9;
	s6 =	sadd.s32 @!p0 $0x88, s6;
	s7 =	simm.s32 @p2 $0x1082  }
0x22: {  	[simem:s7], [sflag:s8] =	dma.local @!p0 [hbm:s6], $0xF7A  }
0x23: {  	s9 =	sor.u32 $0xD0000000, s2;
	s6 =	simm.s32 $0x108;
	_ =	swait.ge @!p0 [sflag:s8], $0x0  }
0x24: {  	s3 =	sadd.s32 $0x88, s3;
	s6 =	simm.s32 @!p1 $0x1082;
	[sflag:s4] =	ssyncset.s32 $0xFFFFF086  }
0x25: {  	[simem:s6], [sflag:s4] =	dma.local [hbm:s3], $0xF7A  }
0x26: {  	[smem:$0x3FA0] =	sst s1;
	(tag) =	ssettag s2;
	_ =	strace s9  }
0x27: {  	s1 =	sld [smem:$0x3FB0]  }
0x28: {  	s2 =	sld [smem:$0x3FB1]  }
0x29: {  	s4 =	sld [smem:$0x3FB3]  }
0x2a: {  	p0 =	seq.s32 s5, $0x0;
	s5 =	sld [smem:$0x3FB4]  }
0x2b: {  	s6 =	sld [smem:$0x3FB5]  }
0x2c: {  	s7 =	sld [smem:$0x3FB6]  }
0x2d: {  	s3 =	simm.s32 $0x108;
	s8 =	sld [smem:$0x3FB7]  }
0x2e: {  	s3 =	simm.s32 @!p0 $0x1082;
	s9 =	sld [smem:$0x3FB8]  }
0x2f: {  	lr =	sadd.s32 s0, s3;
	s0 =	sld [smem:$0x3FAF]  }
0x30: {  	s3 =	sld [smem:$0x3FB2]  }
0x31: {  	[smem:$0x3FBB] =	sst s10  }
0x32: {  	s10 =	sld [smem:$0x3FB9];
	_ =	sdelay $0x3  }
0x33: {  	p0 =	seq.s32 s10, $0x1;
	s10 =	sld [smem:$0x3FBB];
	_ =	sdelay $0x3  }
0x34: {  	[smem:$0x3FBB] =	sst s10  }
0x35: {  	s10 =	sld [smem:$0x3FBA];
	_ =	sdelay $0x3  }
0x36: {  	p1 =	seq.s32 s10, $0x1;
	s10 =	sld [smem:$0x3FBB];
	_ =	sdelay $0x3  }
0x37: {  	[smem:$0x3FBB] =	sst s10  }
0x38: {  	s10 =	sld [smem:$0x3FBC]  }
0x39: {  	_ = 	snop;
	(pc) =	sbr.ind lr, $3  }
0x3a: {  	_ = 	snop  }
0x3b: {  	_ = 	snop  }
0x3c: {  	p2 =	seq.s32 s10, $0x1;
	s10 =	sld [smem:$0x3FBB]  }
0x3d: {  	_ =	shalt  }
0x3e: {  	_ =	shalt  }
0x3f: {  	_ =	shalt  }
0x40: {  	_ =	shalt  }
0x41: {  	_ =	shalt  }
0x42: {  	_ =	shalt  }
0x43: {  	_ =	shalt  }
0x44: {  	_ =	shalt  }
0x45: {  	_ =	shalt  }
0x46: {  	_ =	shalt  }
0x47: {  	_ =	shalt  }
0x48: {  	_ =	shalt  }
0x49: {  	_ =	shalt  }
0x4a: {  	_ =	shalt  }
0x4b: {  	_ =	shalt  }
0x4c: {  	_ =	shalt  }
0x4d: {  	_ =	shalt  }
0x4e: {  	_ =	shalt  }
0x4f: {  	_ =	shalt  }
0x50: {  	_ =	shalt  }
0x51: {  	_ =	shalt  }
0x52: {  	_ =	shalt  }
0x53: {  	_ =	shalt  }
0x54: {  	_ =	shalt  }
0x55: {  	_ =	shalt  }
0x56: {  	_ =	shalt  }
0x57: {  	_ =	shalt  }
0x58: {  	_ =	shalt  }
0x59: {  	_ =	shalt  }
0x5a: {  	_ =	shalt  }
0x5b: {  	_ =	shalt  }
0x5c: {  	_ =	shalt  }
0x5d: {  	_ =	shalt  }
0x5e: {  	_ =	shalt  }
0x5f: {  	_ =	shalt  }
0x60: {  	_ =	shalt  }
0x61: {  	_ =	shalt  }
0x62: {  	_ =	shalt  }
0x63: {  	_ =	shalt  }
0x64: {  	_ =	shalt  }
0x65: {  	_ =	shalt  }
0x66: {  	_ =	shalt  }
0x67: {  	_ =	shalt  }
0x68: {  	_ =	shalt  }
0x69: {  	_ =	shalt  }
0x6a: {  	_ =	shalt  }
0x6b: {  	_ =	shalt  }
0x6c: {  	_ =	shalt  }
0x6d: {  	_ =	shalt  }
0x6e: {  	_ =	shalt  }
0x6f: {  	_ =	shalt  }
0x70: {  	_ =	shalt  }
0x71: {  	_ =	shalt  }
0x72: {  	_ =	shalt  }
0x73: {  	_ =	shalt  }
0x74: {  	_ =	shalt  }
0x75: {  	_ =	shalt  }
0x76: {  	_ =	shalt  }
0x77: {  	_ =	shalt  }
0x78: {  	_ =	shalt  }
0x79: {  	_ =	shalt  }
0x7a: {  	_ =	shalt  }
0x7b: {  	_ =	shalt  }
0x7c: {  	_ =	shalt  }
0x7d: {  	_ =	shalt  }
0x7e: {  	_ =	shalt  }
0x7f: {  	_ =	shalt  }
0x80: {  	_ =	shalt  }
0x81: {  	_ =	shalt  }
0x82: {  	_ =	shalt  }
0x83: {  	_ =	shalt  }
0x84: {  	_ =	shalt  }
0x85: {  	_ =	shalt  }
0x86: {  	_ =	shalt  }
0x87: {  	_ =	shalt  }
.Lfunc_end0:
.L_simem_size_0:
called_computation_lowered:
.L_overlay_start_0:
0x88: {  	s2 =	sld [smem:$0x3FD9]  }
0x89: {  	s3 =	sld [smem:$0x3FFE];
	_ =	sdelay $0x1  }
0x8a: {  	s1 =	srdreg.scid  }
0x8b: {  	s0 =	sand.u32 $0x1, s1  }
0x8c: {  	s16 =	sshll.u32 s0, $0xA;
	s2 =	sadd.s32 s3, s2  }
0x8d: {  	s2 =	sadd.s32 s2, s16  }
0x8e: {  	[smem:$0x3FC7] =	sst s2  }
0x8f: {  	_ = 	snop  }
0x90: {  	(tm) =	ssettm $0x1  }
0x91: {  	s17 =	sld [smem:$0x3FFB];
	_ =	sdelay $0x3  }
0x92: {  	_ =	strace s17  }
0x93: {  	s2 =	sld [smem:$0x3FFC];
	_ =	sdelay $0x3  }
0x94: {  	_ =	strace s2  }
0x95: {  	s2 =	sld [smem:$0x3FFD];
	_ =	sdelay $0x3  }
0x96: {  	_ =	strace s2  }
0x97: {  	_ =	strace $0x8FFFFFFF  }
0x98: {  	s18 =	sld [smem:$0x3FDB];
	_ =	sdelay $0x1  }
0x99: {  	s19 =	simm.s32 $_scs_section_size  }
0x9a: {  	s4 =	simm.s32 $_size__tile_overlayer_lowered;
	s5 =	simm.s32 $_tile_overlayer_lowered  }
0x9b: {  	s22 =	simm.s32 $0x1BFF;
	s21 =	sshll.u32 s5, $0x1;
	s2 =	sadd.s32 s19, s18  }
0x9c: {  	s6 =	simm.s32 $0x0;
	s20 =	sshll.u32 s4, $0x1;
	s4 =	sadd.s32 s21, s2  }
0x9d: {  	[timem:s6], [sflag:s22] =	dma.local [hbm:s4], s20  }
0x9e: {  	_ =	swait.ge [sflag:s22], s20  }
0x9f: {  	s3 =	ssub.s32 $0x0, s20;
	[sflag:s22] =	ssyncset.done $0x0  }
0xa0: {  	[sflag:s22] =	ssyncadd.s32 s3;
	_ =	sdelay $0x1  }
0xa1: {  	s23 =	simm.s32 $0x1B8B  }
0xa2: {  	_ =	swait.ge [sflag:s23], $0x1  }
0xa3: {  	[sflag:s23] =	ssyncset.done $0x0  }
0xa4: {  	s25 =	simm.s32 $0x1B8E;
	s24 =	sld [smem:$0x3FFE];
	[sflag:s23] =	ssyncadd.s32 $0xFFFFFFFF  }
0xa5: {  	s26 =	simm.s32 $execute0_lowered;
	[smem:$0x3FD2] =	sst s25  }
0xa6: {  	s4 =	sshll.u32 s26, $0x1;
	_ =	strace $0x80000046;
	[dreg:$0x1] =	wrdreg $0xFFFFFFFF  }
0xa7: {  	s28 =	simm.s32 $_size_execute0_lowered;
	s2 =	sadd.s32 s2, s4;
	[dreg:$0x0] =	wrdreg $0x0  }
0xa8: {  	s4 =	sshll.u32 s28, $0x1;
	[dreg:$0x2] =	wrdreg s2  }
0xa9: {  	[dreg:$0x3] =	wrdreg s4  }
0xaa: {  	[dreg:$0x4] =	wrdreg $0xC0  }
0xab: {  	_ =	task [dreg:s6], $0x5FFFF  }
0xac: {  	[dreg:$0x1] =	wrdreg $0xFFFFFFFF  }
0xad: {  	[dreg:$0x0] =	wrdreg $0x60  }
0xae: {  	[dreg:$0x2] =	wrdreg s24  }
0xaf: {  	[dreg:$0x3] =	wrdreg $0x9  }
0xb0: {  	_ =	task.clear_ibuf [dreg:s6], $0x4FFFF;
	_ =	strace $0x90000046  }
0xb1: {  	s29 =	simm.s32 $0x9;
	_ =	strace $0x80000048  }
0xb2: {  	_ =	swait.ge [sflag:s29], $0x1  }
0xb3: {  	[sflag:s29] =	ssyncadd.s32 $0xFFFFFFFF  }
0xb4: {  	_ =	strace $0x90000048  }
0xb5: {  	_ =	sfence  }
0xb6: {  	s30 =	sld [smem:$0x0];
	_ =	sdelay $0x2  }
0xb7: {  	s31 =	sshll.u32 s1, $0xD;
	s1 =	sshrl.u32 s1, $0x2  }
0xb8: {  	s3 =	sand.u32 $0x4000, s31;
	s1 =	sadd.s32 s1, s30  }
0xb9: {  	s0 =	sor.u32 s3, s0;
	s1 =	sshll.u32 s1, $0x11  }
0xba: {  	s0 =	sor.u32 s1, s0  }
0xbb: {  	s0 =	sadd.s32 $0x8F2B, s0  }
0xbc: {  	[sflag:s0] =	ssyncadd.remote.s32 $0x1  }
0xbd: {  	_ =	sfence.sel $0xFFFF  }
0xbe: {  	[dreg:$0x0] =	wrdreg $0xFFFFFFFF;
	(pc) =	sbr.abs _section_cstart, $3  }
0xbf: {  	[dreg:$0x1] =	wrdreg $0xFFFFFFFF  }
0xc0: {  	_ =	task.clear_ibuf [dreg:s6], $0x2FFFF;
	_ =	strace $0x9FFFFFFF  }
0xc1: {  	(tm) =	ssettm $0x7FFFFFFF  }
tec
execute0_lowered:
.L_overlay_start_1:
0x0: {  	(tag) =	ssettag $0x1  }
0x1: {  	s1 =	stileid.u32  }
0x2: {  	p0 =	sgt.u32 s1, $0x3  }
.Ltmp0:
0x3: {  	_ = 	snop;
	(pc) =	sbr.rel @p0 .LBB2_9-.Ltmp0, $4  }
0x4: {  	_ = 	snop  }
0x5: {  	s3 =	rddreg [dreg:$0x0];
	s2 =	simm.s32 $0x0  }
0x6: {  	[smem:$0x7FF] =	sst s2  }
0x7: {  	s0 =	rddreg [dreg:$0x1];
	_ =	strace $0x80000047  }
0x8: {  	s4 =	srdreg.scid;
	s5 =	sshll.u32 s1, $0x5  }
0x9: {  	s7 =	sadd.s32 $0x600, s3;
	s10 =	simm.s32 $0x1;
	s11 =	simm.s32 $0x5000  }
0xa: {  	s12 =	simm.s32 $0x6000;
	s13 =	simm.s32 $0xE000;
	s4 =	sand.u32 $0x1, s4  }
0xb: {  	v0 =	vlaneseq.u32;
	v2 =	vimm.s32 $0xC00;
	s14 =	simm.s32 $0x12000;
	s6 =	sshll.u32 s4, $0x4;
	s8 =	ssub.s32 $0x2, s4  }
0xc: {  	vm0 =	vcmask $0xB00;
	s15 =	simm.s32 $0x16000;
	v6 =	vimm.s32 $0x0;
	v1 =	vmul.u32 $0x200, v0;
	s6 =	sor.u32 s6, s5;
	s9 =	sshrl.u32 s8, $0x1  }
0xd: {  	v2 =	vsel vm0, $0x0, v2;
	vm0 =	vcmask $0xF0C;
	v5 =	vor.u32 $0x10, v0;
	s5 =	sadd.s32 s6, s3;
	s8 =	ssub.s32 s8, s9;
	s6 =	sadd.s32 s7, s6  }
0xe: {  	v4 =	vsel vm0, $0x400, v2;
	vm0 =	vcmask $0x1310;
	v2 =	vimm.f32 $-1.000000000e+00;
	s9 =	simm.s32 $0x400;
	s3 =	sadd.s32 $0x5600, s5;
	s4 =	sadd.s32 $0x6600, s5  }
0xf: {  	v3 =	vor.u32 $0x2000, v1;
	v4 =	vsel vm0, $0x800, v4;
	vm0 =	vcmask $0x704;
	s5 =	sadd.s32 $0xE600, s5;
	s7 =	smax.u32 s8, $0x1;
	s8 =	simm.s32 $0x80  }
.LBB2_2:
0x10: {  	s17 =	simm.s32 $0x0  }
0x11: {  	[tilespmem:s17], [sflag:$0x1] =	stream.strided.gather [hbm4b:s6+s8], $0x5000, s9, s8, $0x38;
	[tilespmem:$0x16800] =	vst v63  }
0x12: {  	_ =	swait.ge [sflag:s10], $0x5000  }
0x13: {  	[sflag:s10] =	ssyncset.done $0x0  }
0x14: {  	[sflag:s10] =	ssyncadd.s32 $0xFFFFB000  }
0x15: {  	[tilespmem:s11], [sflag:$0x1] =	stream.strided.gather [hbm4b:s3+s8], $0x1000, s9, s8, $0x38;
	[tilespmem:$0x16800] =	vst v63  }
0x16: {  	v7 =	vmov s17;
	_ =	swait.ge [sflag:s10], $0x1000  }
0x17: {  	v8 =	vand.u32 $0x1F0, v7;
	[sflag:s10] =	ssyncset.done $0x0  }
0x18: {  	vm1 =	vlt.u32 v8, $0x190;
	v8 =	vor.u32 s17, v0;
	[sflag:s10] =	ssyncadd.s32 $0xFFFFF000  }
0x19: {  	[tilespmem:s12], [sflag:$0x1] =	stream.strided.gather [hbm4b:s4+s8], $0x8000, s9, s8, $0x38;
	[tilespmem:$0x16800] =	vst v63  }
0x1a: {  	vm2 =	vlt.u32 v7, $0x2800;
	_ =	swait.ge [sflag:s10], $0x8000  }
0x1b: {  	vm1 =	vmand vm2, vm1;
	[sflag:s10] =	ssyncset.done $0x0  }
0x1c: {  	s16 =	simm.s32 $0x10;
	v9 =	vsel vm1, $0x0, v2;
	[sflag:s10] =	ssyncadd.s32 $0xFFFF8000  }
.LBB2_3:
0x1d: {  	p0 =	sne.s32 s16, $0x3FF0;
	[tilespmem:v8+s13+$0x0] =	vst.idx.msk $0xffff, v9;
	s17 =	smov.u32 s16;
	s16 =	sadd.s32 $0x10, s16  }
.Ltmp1:
0x1e: {  	v7 =	vmov s17;
	v8 =	vor.u32 s17, v0;
	(pc) =	sbr.rel @p0 .LBB2_3-.Ltmp1, $4  }
0x1f: {  	v9 =	vand.u32 $0x1F0, v7  }
0x20: {  	vm2 =	vlt.u32 v7, $0x2800;
	vm1 =	vlt.u32 v9, $0x190  }
0x21: {  	vm1 =	vmand vm2, vm1  }
0x22: {  	v9 =	vsel vm1, $0x0, v2  }
0x23: {  	s16 =	simm.s32 $0x0  }
0x24: {  	v7 =	vor.u32 s16, v0  }
0x25: {  	s16 =	simm.s32 $0x0;
	v10 =	vshll.u32 v7, $0x5  }
0x26: {  	v10 =	vadd.s32 s16, v10;
	_ =	sdelay $0x2  }
0x27: {  	s18 =	simm.s32 $0x0  }
0x28: {  	[tilespmem:v8+s13+$0x0] =	vst.idx.msk $0xffff, v9;
	v9 =	vadd.s32 s18, v7  }
0x29: {  	v8 =	vld.idx.msk [tilespmem:v10+s12+$0x0], $0xffff;
	_ =	sdelay $0x1  }
0x2a: {  	s20 =	simm.s32 $0x0;
	s17 =	simm.s32 $0x10  }
0x2b: {  	s21 =	simm.s32 $0x2;
	s19 =	simm.s32 $0x0;
	s18 =	simm.s32 $0x0  }
.LBB2_5:
0x2c: {  	p0 =	sne.s32 s21, $0x4FF;
	s22 =	ssub.s32 s17, s18;
	v9 =	vld.idx.msk [tilespmem:v9+s19+$0x0], $0xffff;
	s16 =	sshll.u32 s16, $0x9  }
0x2d: {  	v10 =	vor.u32 s22, v0;
	v8 =	vadd.s32 s16, v8;
	s16 =	smov.u32 s20  }
0x2e: {  	v11 =	vshll.u32 v10, $0x5  }
0x2f: {  	v11 =	vadd.s32 s16, v11;
	_ =	sdelay $0x2  }
0x30: {  	[tilespmem:v8+s13+$0x0] =	vst.idx.msk $0xffff, v9  }
0x31: {  	[tilespmem:v8+s14+$0x0] =	vst.idx.msk $0xffff, v7;
	v7 =	vmov v10  }
.Ltmp2:
0x32: {  	v8 =	vld.idx.msk [tilespmem:v11+s12+$0x0], $0xffff;
	v9 =	vadd.s32 s18, v7;
	(pc) =	sbr.rel @p0 .LBB2_5-.Ltmp2, $3  }
0x33: {  	_ =	sdelay $0x1  }
0x34: {  	s17 =	sadd.s32 $0x10, s17;
	s20 =	sshrl.u32 s21, $0x6  }
0x35: {  	s21 =	sadd.s32 $0x1, s21;
	s18 =	sshll.u32 s20, $0xA  }
0x36: {  	_ =	sdelay $0x2  }
0x37: {  	s17 =	ssub.s32 s17, s18;
	s16 =	sshll.u32 s16, $0x9  }
0x38: {  	v9 =	vld.idx.msk [tilespmem:v9+s19+$0x0], $0xffff;
	v10 =	vor.u32 s17, v0;
	v8 =	vadd.s32 s16, v8  }
0x39: {  	v11 =	vshll.u32 v10, $0x5  }
0x3a: {  	v11 =	vadd.s32 s20, v11;
	_ =	sdelay $0x2  }
0x3b: {  	[tilespmem:v8+s13+$0x0] =	vst.idx.msk $0xffff, v9  }
0x3c: {  	[tilespmem:v8+s14+$0x0] =	vst.idx.msk $0xffff, v7  }
0x3d: {  	v8 =	vadd.s32 s18, v10;
	v7 =	vld.idx.msk [tilespmem:v11+s12+$0x0], $0xffff;
	_ =	sdelay $0x3  }
0x3e: {  	s31 =	sshll.u32 s20, $0x9;
	s16 =	simm.s32 $0x0  }
0x3f: {  	v8 =	vld.idx.msk [tilespmem:v8+s16+$0x0], $0xffff;
	v7 =	vadd.s32 s31, v7;
	_ =	sdelay $0x4  }
0x40: {  	[tilespmem:v7+s13+$0x0] =	vst.idx.msk $0xffff, v8  }
0x41: {  	v8 =	vimm.s32 $0x0;
	[tilespmem:v7+s14+$0x0] =	vst.idx.msk $0xffff, v10;
	v7 =	vimm.s32 $0x0  }
.LBB2_7:
0x42: {  	v9 =	vadd.s32 v1, v8  }
0x43: {  	v10 =	vadd.s32 v3, v7;
	_ =	sdelay $0x3  }
0x44: {  	v11 =	vld.idx.msk [tilespmem:v9+s13+$0x0], $0xffff  }
0x45: {  	v12 =	vld.idx.msk [tilespmem:v10+s13+$0x0], $0xffff;
	_ =	sdelay $0x4  }
0x46: {  	v13 =	vmax.f32 v11, v12  }
0x47: {  	(xrf0) =	vmax.scan.msk.f32 $0xffff, v13;
	_ =	sdelay $0x5  }
0x48: {  	v13, _, _ =	vpop (xrf0)  }
0x49: {  	v14 =	vbroadcast v13, $0xF;
	_ =	sdelay $0x1  }
0x4a: {  	v9 =	vxor.u32 $0x80000000, v9;
	vm1 =	veq.f32 v11, v14  }
0x4b: {  	v10 =	vxor.u32 $0x80000000, v10;
	v9 =	vnsel vm1, $0xC0000000, v9;
	vm1 =	veq.f32 v12, v14  }
0x4c: {  	(xrf0) =	vmin.scan.msk.u32 $0xffff, v9;
	v9 =	vnsel vm1, $0xC0000000, v10  }
0x4d: {  	(xrf0) =	vmin.scan.msk.u32 $0xffff, v9;
	_ =	sdelay $0x4  }
0x4e: {  	(v2sf) =	vpush v13, $0xF;
	v9, _, _ =	vpop (xrf0)  }
0x4f: {  	(v2sf) =	vpush v9, $0xF;
	v9, _, _ =	vpop (xrf0)  }
0x50: {  	(v2sf) =	vpush v9, $0xF;
	_ =	sdelay $0xc  }
0x51: {  	s17 =	spop (v2sf)  }
0x52: {  	s18 =	spop (v2sf)  }
0x53: {  	s19 =	spop (v2sf)  }
0x54: {  	s18 =	sxor.u32 $0x80000000, s18;
	s19 =	sxor.u32 $0x80000000, s19  }
0x55: {  	p0 =	slt.s32 s18, s19  }
0x56: {  	s19 =	smov.u32 @p0 s18  }
0x57: {  	v9 =	vmov s19;
	_ =	sdelay $0x4  }
0x58: {  	v9 =	vld.idx.msk [tilespmem:v9+s14+$0x0], $0xffff;
	_ =	sdelay $0x4  }
0x59: {  	v9 =	vxor.u32 $0x80000000, v9  }
0x5a: {  	(xrf0) =	vmax.scan.msk.u32 $0xffff, v9;
	_ =	sdelay $0x5  }
0x5b: {  	v9, _, _ =	vpop (xrf0)  }
0x5c: {  	(v2sf) =	vpush v9, $0xF;
	_ =	sdelay $0xe  }
0x5d: {  	s29 =	spop (v2sf)  }
0x5e: {  	s18 =	sxor.u32 $0x80000000, s29  }
0x5f: {  	p0 =	sgt.s32 s18, $0x0  }
0x60: {  	s18 =	simm.s32 @!p0 $0x0  }
0x61: {  	s18 =	smin.u32 s18, $0x3FF  }
0x62: {  	v9 =	vor.u32 s18, v4;
	_ =	sdelay $0x4  }
0x63: {  	s30 =	sshrl.u32 s19, $0x9;
	v9 =	vld.idx.msk [tilespmem:v9+s11+$0x0], $0xffff  }
0x64: {  	s20 =	sadd.s32 $0x1, s30  }
0x65: {  	p0 =	sgt.f32 s17, $0.0e+00;
	s17 =	scvt.s32.f32 s20  }
0x66: {  	_ = 	snop  }
0x67: {  	vm1 =	vgt.f32 v14, $0.0e+00;
	v10 =	vadd.s32 s16, v0;
	s31 =	sand.u32 $0x1FF, s19;
	v11 =	vmov s30;
	s17 =	simm.s32 @!p0 $0x3F800000;
	p0 =	sne.s32 s16, $0x638  }
.Ltmp3:
0x68: {  	vm2 =	veq.s32 v8, s31;
	v9 =	vnsel vm1, $0x0, v9;
	vm1 =	veq.s32 v11, v0;
	(pc) =	sbr.rel @p0 .LBB2_7-.Ltmp3, $4  }
0x69: {  	vm4 =	veq.s32 v7, s31;
	vm3 =	veq.s32 v11, v5;
	vm1 =	vmand vm1, vm2  }
0x6a: {  	v9 =	vsel vm0, v14, v9;
	vm2 =	vmand vm3, vm4;
	vm3 =	veq.s32 v0, $0x0  }
0x6b: {  	v9 =	vsel vm3, s17, v9;
	v11 =	vsel vm1, $0x1, v6;
	v63 =	vsel vm2, $0x1, v6  }
0x6c: {  	s16 =	sadd.s32 $0x8, s16;
	[tilespmem:v10+s15+$0x0] =	vst.idx.msk $0x3f, v9;
	v8 =	vadd.s32 v11, v8;
	v7 =	vadd.s32 v63, v7  }
0x6d: {  	s2 =	sadd.s32 $0x1, s2  }
0x6e: {  	p0 =	sne.s32 s2, s7  }
.Ltmp4:
0x6f: {  	_ = 	snop;
	(pc) =	sbr.rel @p0 .LBB2_2-.Ltmp4, $4  }
0x70: {  	[hbm4b:s5+s8] =	stream.strided.scatter [tilespmem:s15], [sflag:$0x1], $0x800, s9, s8, $0x38;
	[tilespmem:$0x16800] =	vst v63  }
0x71: {  	_ =	swait.ge [sflag:s10], $0x800  }
0x72: {  	[sflag:s10] =	ssyncset.done $0x0  }
0x73: {  	[sflag:s10] =	ssyncadd.s32 $0xFFFFF800  }
.LBB2_9:
0x74: {  	_ =	sfence.sel $0x180000  }
0x75: {  	[bflag:$0x0] =	sbarrier.arrive $0xFFFF  }
0x76: {  	p0 =	sne.s32 s1, $0x0;
	_ =	strace $0x90000047  }
0x77: {  	s0 =	sadd.s32 @!p0 $0x100000, s0;
	[bflag:$0x2] =	sbarrier.arrive $0xFFFF  }
0x78: {  	[sflag:s0] =	ssyncadd.tile.s32 @!p0 $0x1;
	_ =	shalt  }
.Lfunc_end2:
_tile_overlayer_lowered:
.L_overlay_start_2:
0x79: {  	(tag) =	ssettag $0x2  }
0x7a: {  	s0 =	rddreg [dreg:$0x0];
	s2 =	stileid.u32  }
0x7b: {  	s1 =	rddreg [dreg:$0x1];
	p0 =	sne.s32 s2, $0x0  }
0x7c: {  	s3 =	rddreg [dreg:$0x2];
	[bflag:$0x3] =	sbarrier.arrive $0xFFFF;
	s2 =	simm.s32 @!p0 $0x1C01  }
0x7d: {  	[timem:s3], [sflag:s2] =	dma.local @!p0 [hbm:s0], s1  }
0x7e: {  	s0 =	simm.s32 @!p0 $0x1  }
0x7f: {  	_ =	swait.ge @!p0 [sflag:s0], s1  }
0x80: {  	s1 =	ssub.s32 @!p0 $0x0, s1;
	[sflag:s0] =	ssyncset.done @!p0 $0x0  }
0x81: {  	[sflag:s0] =	ssyncadd.s32 @!p0 s1  }
0x82: {  	[bflag:$0x3] =	sbarrier.arrive $0xFFFF  }
0x83: {  	_ =	shalt  }

</sc_bundles>
